<compile_context>
chip_gen: v7x
topology: tpu7x:2x2x1
jax: 0.10.2.dev20260603
libtpu: 0.0.44.dev20260713+nightly
codegen_flags: <defaults>
</compile_context>

<pallas_src>
import functools

import jax
import jax.numpy as jnp
from jax import lax
from jax.experimental import pallas as pl
from jax.experimental.pallas import tpu as pltpu
from jax.experimental.pallas import tpu_sc as plsc

_N_NODES = 10000
_N_EDGES = 320000
_D = 128
_BN_EPS = 1e-3

_NC = 2
_NS = 16
_NTILES = _NC * _NS
_E_CHK = 128
_CHK_PER_TILE = 80
_E_PER_TILE = _E_CHK * _CHK_PER_TILE
_E_PAD = _NTILES * _E_PER_TILE
_N_CHK_TOT = _E_PAD // _E_CHK
_ROWS_PER_TILE = 624
_ROWS_REM = _N_NODES - _NS * _ROWS_PER_TILE
_ZBUF = 8


def _sc_body(h_hbm, row_hbm, col_hbm, val_hbm, out_hbm,
             row_v0, row_v1, col_v0, col_v1, val_v0, val_v1,
             rows_a, rows_b, rowsf_a, rowsf_b, zeros_v, acc_sh,
             sem_a, sem_b, semi_a, semi_b, sems_a, sems_b):
    c = lax.axis_index("c")
    s = lax.axis_index("s")
    tile = c * _NS + s

    def _zrow(i, _):
        for j in range(_D // 16):
            zeros_v[i, pl.ds(j * 16, 16)] = jnp.zeros((16,), jnp.float32)
        return 0
    lax.fori_loop(0, _ZBUF, _zrow, 0)
    for k in range(_ROWS_PER_TILE // _ZBUF):
        pltpu.sync_copy(zeros_v, acc_sh.at[pl.ds(s * _ROWS_PER_TILE + k * _ZBUF, _ZBUF)])

    @pl.when(s == 0)
    def _zero_rem():
        pltpu.sync_copy(zeros_v.at[pl.ds(0, _ROWS_REM)],
                        acc_sh.at[pl.ds(_NS * _ROWS_PER_TILE, _ROWS_REM)])
    plsc.subcore_barrier()

    e_base = tile * _E_PER_TILE
    bufs = ((row_v0, col_v0, val_v0, rows_a, rowsf_a, sem_a, semi_a, sems_a),
            (row_v1, col_v1, val_v1, rows_b, rowsf_b, sem_b, semi_b, sems_b))

    def _fetch_idx(b, g):
        rv, cv, vv, _, _, _, si, _ = bufs[b]
        base = e_base + g * _E_CHK
        pltpu.async_copy(row_hbm.at[pl.ds(base, _E_CHK)], rv, si)
        pltpu.async_copy(col_hbm.at[pl.ds(base, _E_CHK)], cv, si)
        pltpu.async_copy(val_hbm.at[pl.ds(base, _E_CHK)], vv, si)

    def _issue_gather(b):
        rv, cv, vv, rows, _, sg, si, _ = bufs[b]
        pltpu.make_async_copy(row_hbm.at[pl.ds(0, _E_CHK)], rv, si).wait()
        pltpu.make_async_copy(row_hbm.at[pl.ds(0, _E_CHK)], cv, si).wait()
        pltpu.make_async_copy(val_hbm.at[pl.ds(0, _E_CHK)], vv, si).wait()
        pltpu.async_copy(h_hbm.at[cv], rows, sg)

    def _wait_scatter(b):
        rv, cv, vv, rows, rf, sg, si, ss = bufs[b]
        pltpu.make_async_copy(rf, acc_sh.at[rv], ss).wait()

    def _drain(b):
        rv, cv, vv, rows, rf, sg, si, ss = bufs[b]
        pltpu.make_async_copy(h_hbm.at[cv], rows, sg).wait()

        def _edge(e2, _):
            for u in range(2):
                e = 2 * e2 + u
                vb = plsc.load_gather(vv, [jnp.full((16,), e, jnp.int32)])
                for j in range(_D // 32):
                    w = rows[e, pl.ds(j * 16, 16)]
                    lo = plsc.bitcast(w << 16, jnp.float32)
                    hi = plsc.bitcast(w & jnp.int32(-65536), jnp.float32)
                    rf[e, pl.ds(j * 32, 16)] = lo * vb
                    rf[e, pl.ds(j * 32 + 16, 16)] = hi * vb
            return 0
        lax.fori_loop(0, _E_CHK // 2, _edge, 0)
        pltpu.async_copy(rf, acc_sh.at[rv], ss, add=True)

    _fetch_idx(0, 0)
    _fetch_idx(1, 1)
    _issue_gather(0)

    def _pair(p, _):
        g0 = 2 * p
        more = p < _CHK_PER_TILE // 2 - 1
        _issue_gather(1)

        @pl.when(p > 0)
        def _ws0():
            _wait_scatter(0)
        _drain(0)

        @pl.when(more)
        def _pf0():
            _fetch_idx(0, g0 + 2)

        @pl.when(p > 0)
        def _ws1():
            _wait_scatter(1)
        _drain(1)

        @pl.when(more)
        def _pf1():
            _fetch_idx(1, g0 + 3)
            _issue_gather(0)
        return 0
    lax.fori_loop(0, _CHK_PER_TILE // 2, _pair, 0)
    _wait_scatter(0)
    _wait_scatter(1)

    plsc.subcore_barrier()

    pltpu.sync_copy(acc_sh.at[pl.ds(s * _ROWS_PER_TILE, _ROWS_PER_TILE)],
                    out_hbm.at[c, pl.ds(s * _ROWS_PER_TILE, _ROWS_PER_TILE)])

    @pl.when(s == 0)
    def _write_rem():
        pltpu.sync_copy(acc_sh.at[pl.ds(_NS * _ROWS_PER_TILE, _ROWS_REM)],
                        out_hbm.at[c, pl.ds(_NS * _ROWS_PER_TILE, _ROWS_REM)])


@jax.jit
def _sc_segment_sum(H, row, col, val):
    mesh = plsc.VectorSubcoreMesh(core_axis_name="c", subcore_axis_name="s")
    return pl.kernel(
        _sc_body,
        out_type=jax.ShapeDtypeStruct((_NC, _N_NODES, _D), jnp.float32),
        mesh=mesh,
        compiler_params=pltpu.CompilerParams(needs_layout_passes=False,
                                             use_tc_tiling_on_sc=False),
        scratch_types=[
            pltpu.VMEM((_E_CHK,), jnp.int32),
            pltpu.VMEM((_E_CHK,), jnp.int32),
            pltpu.VMEM((_E_CHK,), jnp.int32),
            pltpu.VMEM((_E_CHK,), jnp.int32),
            pltpu.VMEM((_E_CHK,), jnp.float32),
            pltpu.VMEM((_E_CHK,), jnp.float32),
            pltpu.VMEM((_E_CHK, _D // 2), jnp.int32),
            pltpu.VMEM((_E_CHK, _D // 2), jnp.int32),
            pltpu.VMEM((_E_CHK, _D), jnp.float32),
            pltpu.VMEM((_E_CHK, _D), jnp.float32),
            pltpu.VMEM((_ZBUF, _D), jnp.float32),
            pltpu.VMEM_SHARED((_N_NODES, _D), jnp.float32),
            pltpu.SemaphoreType.DMA,
            pltpu.SemaphoreType.DMA,
            pltpu.SemaphoreType.DMA,
            pltpu.SemaphoreType.DMA,
            pltpu.SemaphoreType.DMA,
            pltpu.SemaphoreType.DMA,
        ],
    )(H, row, col, val)


def _tc_body(h0_ref, h1_ref, scale_ref, shift_ref, w_ref, b_ref, o_ref):
    x = h0_ref[...] + h1_ref[...]
    x = x * scale_ref[...] + shift_ref[...]
    y = jnp.dot(x, w_ref[...], preferred_element_type=jnp.float32) + b_ref[...]
    o_ref[...] = 0.5 * y * (1.0 + lax.erf(y * 0.7071067811865476))


@jax.jit
def _tc_ffn(h0, h1, scale, shift, W, b):
    blk = 1000
    grid = (_N_NODES // blk,)
    return pl.pallas_call(
        _tc_body,
        grid=grid,
        in_specs=[
            pl.BlockSpec((blk, _D), lambda i: (i, 0)),
            pl.BlockSpec((blk, _D), lambda i: (i, 0)),
            pl.BlockSpec((1, _D), lambda i: (0, 0)),
            pl.BlockSpec((1, _D), lambda i: (0, 0)),
            pl.BlockSpec((_D, _D), lambda i: (0, 0)),
            pl.BlockSpec((1, _D), lambda i: (0, 0)),
        ],
        out_specs=pl.BlockSpec((blk, _D), lambda i: (i, 0)),
        out_shape=jax.ShapeDtypeStruct((_N_NODES, _D), jnp.float32),
    )(h0, h1, scale, shift, W, b)


def kernel(H, edge_index, adj_values, gamma, beta, moving_mean, moving_var, W, b):
    npad = _E_PAD - _N_EDGES
    row = jnp.pad(edge_index[0], (0, npad))
    col = jnp.pad(edge_index[1], (0, npad))
    val = jnp.pad(adj_values, (0, npad))
    perm = jnp.arange(_D).reshape(4, 2, 16).transpose(0, 2, 1).reshape(_D)
    hb = H[:, perm].astype(jnp.bfloat16).reshape(_N_NODES, _D // 2, 2)
    hpacked = lax.bitcast_convert_type(hb, jnp.int32)
    hpart = _sc_segment_sum(hpacked, row, col, val)
    scale = gamma * lax.rsqrt(moving_var + _BN_EPS)
    shift = beta - moving_mean * scale
    return _tc_ffn(hpart[0], hpart[1], scale.reshape(1, _D),
                   shift.reshape(1, _D), W, b.reshape(1, _D))

# --- scband reference (transcript-rebuilt; emitter-appended) ---
"""Pipeline reference for scband-graph-conv-layer-mat-32495722561789 (READ-ONLY COPY).

The authoritative reference and input builder live on the scoring server;
editing this copy changes nothing except your own understanding.
"""

import jax, jax.numpy as jnp
import numpy as np

N_NODES = 10000
N_EDGES = 320000
D_FEAT = 128
HIDDEN_UNITS = 128
BN_EPS = 1e-3  # keras BatchNormalization default epsilon


def setup_inputs(seed: int = 0) -> dict:
    key = jax.random.key(seed)
    k1, k2, k3, k4 = jax.random.split(key, 4)
    H = jax.random.normal(k1, (N_NODES, D_FEAT), dtype=jnp.float32)
    edge_index = jax.random.randint(k2, (2, N_EDGES), 0, N_NODES, dtype=jnp.int32)
    adj_values = jax.random.uniform(k3, (N_EDGES,), dtype=jnp.float32)
    # BatchNormalization parameters (inference mode: moving stats)
    gamma = jnp.ones((D_FEAT,), dtype=jnp.float32)
    beta = jnp.zeros((D_FEAT,), dtype=jnp.float32)
    moving_mean = jnp.zeros((D_FEAT,), dtype=jnp.float32)
    moving_var = jnp.ones((D_FEAT,), dtype=jnp.float32)
    # Dense layer parameters
    W = jax.random.normal(k4, (D_FEAT, HIDDEN_UNITS), dtype=jnp.float32) * 0.05
    b = jnp.zeros((HIDDEN_UNITS,), dtype=jnp.float32)
    return {
        "H": H,
        "edge_index": edge_index,
        "adj_values": adj_values,
        "gamma": gamma,
        "beta": beta,
        "moving_mean": moving_mean,
        "moving_var": moving_var,
        "W": W,
        "b": b,
    }


def reference(H, edge_index, adj_values, gamma, beta, moving_mean, moving_var, W, b):
    # h = tf.sparse.sparse_dense_matmul(A, H):
    # out[row] += A_val * H[col]  (gather + scatter-add / segment_sum)
    row = edge_index[0]
    col = edge_index[1]
    msgs = H[col] * adj_values[:, None]
    h = jax.ops.segment_sum(msgs, row, num_segments=H.shape[0])
    # BatchNormalization (inference): (h - mean) / sqrt(var + eps) * gamma + beta
    xhat = (h - moving_mean) / jnp.sqrt(moving_var + BN_EPS)
    x = xhat * gamma + beta
    # Dropout is identity at inference
    # Dense with exact GELU activation (tf.nn.gelu default approximate=False)
    out = jax.nn.gelu(x @ W + b, approximate=False)
    return out

if __name__ == "__main__":
    import jax
    _d = setup_inputs()
    print(jax.jit(kernel)(*tuple(_d.values())))

</pallas_src>

<mosaic_0001>
#map = affine_map<(d0, d1) -> (0, 0)>
#map1 = affine_map<(d0, d1) -> (0)>
#map2 = affine_map<(d0, d1) -> (0, 0, 0)>
module attributes {stable_mosaic.version = 14 : i64} {
  func.func @_sc_body(%arg0: i32, %arg1: i32, %arg2: memref<10000x64xi32, #tpu.memory_space<hbm>>, %arg3: memref<327680xi32, #tpu.memory_space<hbm>>, %arg4: memref<327680xi32, #tpu.memory_space<hbm>>, %arg5: memref<327680xf32, #tpu.memory_space<hbm>>, %arg6: memref<2x10000x128xf32, #tpu.memory_space<hbm>>, %arg7: memref<128xi32, #tpu.memory_space<vmem>>, %arg8: memref<128xi32, #tpu.memory_space<vmem>>, %arg9: memref<128xi32, #tpu.memory_space<vmem>>, %arg10: memref<128xi32, #tpu.memory_space<vmem>>, %arg11: memref<128xf32, #tpu.memory_space<vmem>>, %arg12: memref<128xf32, #tpu.memory_space<vmem>>, %arg13: memref<128x64xi32, #tpu.memory_space<vmem>>, %arg14: memref<128x64xi32, #tpu.memory_space<vmem>>, %arg15: memref<128x128xf32, #tpu.memory_space<vmem>>, %arg16: memref<128x128xf32, #tpu.memory_space<vmem>>, %arg17: memref<8x128xf32, #tpu.memory_space<vmem>>, %arg18: memref<10000x128xf32, #tpu.memory_space<vmem_shared>>, %arg19: memref<!tpu.dma_semaphore, #tpu.memory_space<semaphore_mem>>, %arg20: memref<!tpu.dma_semaphore, #tpu.memory_space<semaphore_mem>>, %arg21: memref<!tpu.dma_semaphore, #tpu.memory_space<semaphore_mem>>, %arg22: memref<!tpu.dma_semaphore, #tpu.memory_space<semaphore_mem>>, %arg23: memref<!tpu.dma_semaphore, #tpu.memory_space<semaphore_mem>>, %arg24: memref<!tpu.dma_semaphore, #tpu.memory_space<semaphore_mem>>) attributes {dimension_semantics = [#tpu.dimension_semantics<core_parallel>, #tpu.dimension_semantics<subcore_parallel>], iteration_bounds = array<i64: 2, 16>, scalar_prefetch = 0 : i64, scratch_operands = 18 : i64, tpu.core_type = #tpu.core_type<sc_vector_subcore>, window_params = [{transform_indices = #map}, {transform_indices = #map1}, {transform_indices = #map1}, {transform_indices = #map1}, {transform_indices = #map2}]} {
    %mul3A = arith.constant 16 : i32
    %mul3A_0 = arith.muli %arg0, %mul3A : i32
    %add3A = arith.addi %mul3A_0, %arg1 : i32
    %scan3A = arith.constant 0 : i32
    %scan3A_1 = arith.constant 0 : i32
    %scan3A_2 = arith.constant 8 : i32
    %scan3A_3 = arith.addi %scan3A_1, %scan3A_2 : i32
    %scan3A_4 = arith.constant 1 : i32
    %scan3A_5 = scf.for %scan3A_375 = %scan3A_1 to %scan3A_3 step %scan3A_4 iter_args(%scan3A_376 = %scan3A) -> (i32)  : i32 {
      %broadcast_in_dim3A = arith.constant 0.000000e+00 : f32
      %broadcast_in_dim3A_377 = vector.broadcast %broadcast_in_dim3A : f32 to vector<16xf32>
      %swap3A = arith.index_cast %scan3A_375 : i32 to index
      %swap3A_378 = arith.constant 0 : index
      %swap3A_379 = tpu.vector_load %arg17[%swap3A, %swap3A_378] {strides = array<i32>} : memref<8x128xf32, #tpu.memory_space<vmem>>, vector<16xf32>,
      tpu.vector_store %arg17[%swap3A, %swap3A_378], %broadcast_in_dim3A_377 {strides = array<i32>} : memref<8x128xf32, #tpu.memory_space<vmem>>, vector<16xf32>,
      %broadcast_in_dim3A_380 = arith.constant 0.000000e+00 : f32
      %broadcast_in_dim3A_381 = vector.broadcast %broadcast_in_dim3A_380 : f32 to vector<16xf32>
      %swap3A_382 = arith.index_cast %scan3A_375 : i32 to index
      %swap3A_383 = arith.constant 16 : index
      %swap3A_384 = tpu.vector_load %arg17[%swap3A_382, %swap3A_383] {strides = array<i32>} : memref<8x128xf32, #tpu.memory_space<vmem>>, vector<16xf32>,
      tpu.vector_store %arg17[%swap3A_382, %swap3A_383], %broadcast_in_dim3A_381 {strides = array<i32>} : memref<8x128xf32, #tpu.memory_space<vmem>>, vector<16xf32>,
      %broadcast_in_dim3A_385 = arith.constant 0.000000e+00 : f32
      %broadcast_in_dim3A_386 = vector.broadcast %broadcast_in_dim3A_385 : f32 to vector<16xf32>
      %swap3A_387 = arith.index_cast %scan3A_375 : i32 to index
      %swap3A_388 = arith.constant 32 : index
      %swap3A_389 = tpu.vector_load %arg17[%swap3A_387, %swap3A_388] {strides = array<i32>} : memref<8x128xf32, #tpu.memory_space<vmem>>, vector<16xf32>,
      tpu.vector_store %arg17[%swap3A_387, %swap3A_388], %broadcast_in_dim3A_386 {strides = array<i32>} : memref<8x128xf32, #tpu.memory_space<vmem>>, vector<16xf32>,
      %broadcast_in_dim3A_390 = arith.constant 0.000000e+00 : f32
      %broadcast_in_dim3A_391 = vector.broadcast %broadcast_in_dim3A_390 : f32 to vector<16xf32>
      %swap3A_392 = arith.index_cast %scan3A_375 : i32 to index
      %swap3A_393 = arith.constant 48 : index
      %swap3A_394 = tpu.vector_load %arg17[%swap3A_392, %swap3A_393] {strides = array<i32>} : memref<8x128xf32, #tpu.memory_space<vmem>>, vector<16xf32>,
      tpu.vector_store %arg17[%swap3A_392, %swap3A_393], %broadcast_in_dim3A_391 {strides = array<i32>} : memref<8x128xf32, #tpu.memory_space<vmem>>, vector<16xf32>,
      %broadcast_in_dim3A_395 = arith.constant 0.000000e+00 : f32
      %broadcast_in_dim3A_396 = vector.broadcast %broadcast_in_dim3A_395 : f32 to vector<16xf32>
      %swap3A_397 = arith.index_cast %scan3A_375 : i32 to index
      %swap3A_398 = arith.constant 64 : index
      %swap3A_399 = tpu.vector_load %arg17[%swap3A_397, %swap3A_398] {strides = array<i32>} : memref<8x128xf32, #tpu.memory_space<vmem>>, vector<16xf32>,
      tpu.vector_store %arg17[%swap3A_397, %swap3A_398], %broadcast_in_dim3A_396 {strides = array<i32>} : memref<8x128xf32, #tpu.memory_space<vmem>>, vector<16xf32>,
      %broadcast_in_dim3A_400 = arith.constant 0.000000e+00 : f32
      %broadcast_in_dim3A_401 = vector.broadcast %broadcast_in_dim3A_400 : f32 to vector<16xf32>
      %swap3A_402 = arith.index_cast %scan3A_375 : i32 to index
      %swap3A_403 = arith.constant 80 : index
      %swap3A_404 = tpu.vector_load %arg17[%swap3A_402, %swap3A_403] {strides = array<i32>} : memref<8x128xf32, #tpu.memory_space<vmem>>, vector<16xf32>,
      tpu.vector_store %arg17[%swap3A_402, %swap3A_403], %broadcast_in_dim3A_401 {strides = array<i32>} : memref<8x128xf32, #tpu.memory_space<vmem>>, vector<16xf32>,
      %broadcast_in_dim3A_405 = arith.constant 0.000000e+00 : f32
      %broadcast_in_dim3A_406 = vector.broadcast %broadcast_in_dim3A_405 : f32 to vector<16xf32>
      %swap3A_407 = arith.index_cast %scan3A_375 : i32 to index
      %swap3A_408 = arith.constant 96 : index
      %swap3A_409 = tpu.vector_load %arg17[%swap3A_407, %swap3A_408] {strides = array<i32>} : memref<8x128xf32, #tpu.memory_space<vmem>>, vector<16xf32>,
      tpu.vector_store %arg17[%swap3A_407, %swap3A_408], %broadcast_in_dim3A_406 {strides = array<i32>} : memref<8x128xf32, #tpu.memory_space<vmem>>, vector<16xf32>,
      %broadcast_in_dim3A_410 = arith.constant 0.000000e+00 : f32
      %broadcast_in_dim3A_411 = vector.broadcast %broadcast_in_dim3A_410 : f32 to vector<16xf32>
      %swap3A_412 = arith.index_cast %scan3A_375 : i32 to index
      %swap3A_413 = arith.constant 112 : index
      %swap3A_414 = tpu.vector_load %arg17[%swap3A_412, %swap3A_413] {strides = array<i32>} : memref<8x128xf32, #tpu.memory_space<vmem>>, vector<16xf32>,
      tpu.vector_store %arg17[%swap3A_412, %swap3A_413], %broadcast_in_dim3A_411 {strides = array<i32>} : memref<8x128xf32, #tpu.memory_space<vmem>>, vector<16xf32>,
      %scan3A_415 = arith.constant 0 : i32
      scf.yield %scan3A_415 : i32
    }
    %scan3A_6 = arith.constant 8 : i32
    %mul3A_7 = arith.constant 624 : i32
    %mul3A_8 = arith.muli %arg1, %mul3A_7 : i32
    %add3A_9 = arith.constant 0 : i32
    %add3A_10 = arith.addi %mul3A_8, %add3A_9 : i32
    "tpu.region"() ({
      %run_scoped3A = tpu.sem_alloc : memref<!tpu.dma_semaphore, #tpu.memory_space<semaphore_mem>>
      %dma_start3A_375 = arith.constant 0 : i32
      %dma_start3A_376 = tpu.memref_slice %arg18[%add3A_10, %dma_start3A_375] : memref<10000x128xf32, #tpu.memory_space<vmem_shared>> -> memref<8x128xf32, #tpu.memory_space<vmem_shared>>
      %dma_start3A_377 = arith.constant 0 : i32
      %dma_start3A_378 = tpu.memref_slice %arg18[%add3A_10, %dma_start3A_377] : memref<10000x128xf32, #tpu.memory_space<vmem_shared>> -> memref<8x128xf32, #tpu.memory_space<vmem_shared>>
      tpu.enqueue_dma source(%arg17 : memref<8x128xf32, #tpu.memory_space<vmem>>) target(%dma_start3A_378 : memref<8x128xf32, #tpu.memory_space<vmem_shared>>) target_semaphore(%run_scoped3A : memref<!tpu.dma_semaphore, #tpu.memory_space<semaphore_mem>>)
      %dma_wait3A_379 = arith.constant 0 : i32
      %dma_wait3A_380 = tpu.memref_slice %arg18[%add3A_10, %dma_wait3A_379] : memref<10000x128xf32, #tpu.memory_space<vmem_shared>> -> memref<8x128xf32, #tpu.memory_space<vmem_shared>>
      %dma_wait3A_381 = arith.constant 0 : i32
      %dma_wait3A_382 = tpu.memref_slice %arg18[%add3A_10, %dma_wait3A_381] : memref<10000x128xf32, #tpu.memory_space<vmem_shared>> -> memref<8x128xf32, #tpu.memory_space<vmem_shared>>
      tpu.wait_dma2 semaphore(%run_scoped3A : memref<!tpu.dma_semaphore, #tpu.memory_space<semaphore_mem>>) src(%arg17 : memref<8x128xf32, #tpu.memory_space<vmem>>) dst(%dma_wait3A_382 : memref<8x128xf32, #tpu.memory_space<vmem_shared>>)
      tpu.yield
    }) : () -> ()
    %mul3A_11 = arith.constant 624 : i32
    %mul3A_12 = arith.muli %arg1, %mul3A_11 : i32
    %add3A_13 = arith.constant 8 : i32
    %add3A_14 = arith.addi %mul3A_12, %add3A_13 : i32
    "tpu.region"() ({
      %run_scoped3A = tpu.sem_alloc : memref<!tpu.dma_semaphore, #tpu.memory_space<semaphore_mem>>
      %dma_start3A_375 = arith.constant 0 : i32
      %dma_start3A_376 = tpu.memref_slice %arg18[%add3A_14, %dma_start3A_375] : memref<10000x128xf32, #tpu.memory_space<vmem_shared>> -> memref<8x128xf32, #tpu.memory_space<vmem_shared>>
      %dma_start3A_377 = arith.constant 0 : i32
      %dma_start3A_378 = tpu.memref_slice %arg18[%add3A_14, %dma_start3A_377] : memref<10000x128xf32, #tpu.memory_space<vmem_shared>> -> memref<8x128xf32, #tpu.memory_space<vmem_shared>>
      tpu.enqueue_dma source(%arg17 : memref<8x128xf32, #tpu.memory_space<vmem>>) target(%dma_start3A_378 : memref<8x128xf32, #tpu.memory_space<vmem_shared>>) target_semaphore(%run_scoped3A : memref<!tpu.dma_semaphore, #tpu.memory_space<semaphore_mem>>)
      %dma_wait3A_379 = arith.constant 0 : i32
      %dma_wait3A_380 = tpu.memref_slice %arg18[%add3A_14, %dma_wait3A_379] : memref<10000x128xf32, #tpu.memory_space<vmem_shared>> -> memref<8x128xf32, #tpu.memory_space<vmem_shared>>
      %dma_wait3A_381 = arith.constant 0 : i32
      %dma_wait3A_382 = tpu.memref_slice %arg18[%add3A_14, %dma_wait3A_381] : memref<10000x128xf32, #tpu.memory_space<vmem_shared>> -> memref<8x128xf32, #tpu.memory_space<vmem_shared>>
      tpu.wait_dma2 semaphore(%run_scoped3A : memref<!tpu.dma_semaphore, #tpu.memory_space<semaphore_mem>>) src(%arg17 : memref<8x128xf32, #tpu.memory_space<vmem>>) dst(%dma_wait3A_382 : memref<8x128xf32, #tpu.memory_space<vmem_shared>>)
      tpu.yield
    }) : () -> ()
    %mul3A_15 = arith.constant 624 : i32
    %mul3A_16 = arith.muli %arg1, %mul3A_15 : i32
    %add3A_17 = arith.constant 16 : i32
    %add3A_18 = arith.addi %mul3A_16, %add3A_17 : i32
    "tpu.region"() ({
      %run_scoped3A = tpu.sem_alloc : memref<!tpu.dma_semaphore, #tpu.memory_space<semaphore_mem>>
      %dma_start3A_375 = arith.constant 0 : i32
      %dma_start3A_376 = tpu.memref_slice %arg18[%add3A_18, %dma_start3A_375] : memref<10000x128xf32, #tpu.memory_space<vmem_shared>> -> memref<8x128xf32, #tpu.memory_space<vmem_shared>>
      %dma_start3A_377 = arith.constant 0 : i32
      %dma_start3A_378 = tpu.memref_slice %arg18[%add3A_18, %dma_start3A_377] : memref<10000x128xf32, #tpu.memory_space<vmem_shared>> -> memref<8x128xf32, #tpu.memory_space<vmem_shared>>
      tpu.enqueue_dma source(%arg17 : memref<8x128xf32, #tpu.memory_space<vmem>>) target(%dma_start3A_378 : memref<8x128xf32, #tpu.memory_space<vmem_shared>>) target_semaphore(%run_scoped3A : memref<!tpu.dma_semaphore, #tpu.memory_space<semaphore_mem>>)
      %dma_wait3A_379 = arith.constant 0 : i32
      %dma_wait3A_380 = tpu.memref_slice %arg18[%add3A_18, %dma_wait3A_379] : memref<10000x128xf32, #tpu.memory_space<vmem_shared>> -> memref<8x128xf32, #tpu.memory_space<vmem_shared>>
      %dma_wait3A_381 = arith.constant 0 : i32
      %dma_wait3A_382 = tpu.memref_slice %arg18[%add3A_18, %dma_wait3A_381] : memref<10000x128xf32, #tpu.memory_space<vmem_shared>> -> memref<8x128xf32, #tpu.memory_space<vmem_shared>>
      tpu.wait_dma2 semaphore(%run_scoped3A : memref<!tpu.dma_semaphore, #tpu.memory_space<semaphore_mem>>) src(%arg17 : memref<8x128xf32, #tpu.memory_space<vmem>>) dst(%dma_wait3A_382 : memref<8x128xf32, #tpu.memory_space<vmem_shared>>)
      tpu.yield
    }) : () -> ()
    %mul3A_19 = arith.constant 624 : i32
    %mul3A_20 = arith.muli %arg1, %mul3A_19 : i32
    %add3A_21 = arith.constant 24 : i32
    %add3A_22 = arith.addi %mul3A_20, %add3A_21 : i32
    "tpu.region"() ({
      %run_scoped3A = tpu.sem_alloc : memref<!tpu.dma_semaphore, #tpu.memory_space<semaphore_mem>>
      %dma_start3A_375 = arith.constant 0 : i32
      %dma_start3A_376 = tpu.memref_slice %arg18[%add3A_22, %dma_start3A_375] : memref<10000x128xf32, #tpu.memory_space<vmem_shared>> -> memref<8x128xf32, #tpu.memory_space<vmem_shared>>
      %dma_start3A_377 = arith.constant 0 : i32
      %dma_start3A_378 = tpu.memref_slice %arg18[%add3A_22, %dma_start3A_377] : memref<10000x128xf32, #tpu.memory_space<vmem_shared>> -> memref<8x128xf32, #tpu.memory_space<vmem_shared>>
      tpu.enqueue_dma source(%arg17 : memref<8x128xf32, #tpu.memory_space<vmem>>) target(%dma_start3A_378 : memref<8x128xf32, #tpu.memory_space<vmem_shared>>) target_semaphore(%run_scoped3A : memref<!tpu.dma_semaphore, #tpu.memory_space<semaphore_mem>>)
      %dma_wait3A_379 = arith.constant 0 : i32
      %dma_wait3A_380 = tpu.memref_slice %arg18[%add3A_22, %dma_wait3A_379] : memref<10000x128xf32, #tpu.memory_space<vmem_shared>> -> memref<8x128xf32, #tpu.memory_space<vmem_shared>>
      %dma_wait3A_381 = arith.constant 0 : i32
      %dma_wait3A_382 = tpu.memref_slice %arg18[%add3A_22, %dma_wait3A_381] : memref<10000x128xf32, #tpu.memory_space<vmem_shared>> -> memref<8x128xf32, #tpu.memory_space<vmem_shared>>
      tpu.wait_dma2 semaphore(%run_scoped3A : memref<!tpu.dma_semaphore, #tpu.memory_space<semaphore_mem>>) src(%arg17 : memref<8x128xf32, #tpu.memory_space<vmem>>) dst(%dma_wait3A_382 : memref<8x128xf32, #tpu.memory_space<vmem_shared>>)
      tpu.yield
    }) : () -> ()
    %mul3A_23 = arith.constant 624 : i32
    %mul3A_24 = arith.muli %arg1, %mul3A_23 : i32
    %add3A_25 = arith.constant 32 : i32
    %add3A_26 = arith.addi %mul3A_24, %add3A_25 : i32
    "tpu.region"() ({
      %run_scoped3A = tpu.sem_alloc : memref<!tpu.dma_semaphore, #tpu.memory_space<semaphore_mem>>
      %dma_start3A_375 = arith.constant 0 : i32
      %dma_start3A_376 = tpu.memref_slice %arg18[%add3A_26, %dma_start3A_375] : memref<10000x128xf32, #tpu.memory_space<vmem_shared>> -> memref<8x128xf32, #tpu.memory_space<vmem_shared>>
      %dma_start3A_377 = arith.constant 0 : i32
      %dma_start3A_378 = tpu.memref_slice %arg18[%add3A_26, %dma_start3A_377] : memref<10000x128xf32, #tpu.memory_space<vmem_shared>> -> memref<8x128xf32, #tpu.memory_space<vmem_shared>>
      tpu.enqueue_dma source(%arg17 : memref<8x128xf32, #tpu.memory_space<vmem>>) target(%dma_start3A_378 : memref<8x128xf32, #tpu.memory_space<vmem_shared>>) target_semaphore(%run_scoped3A : memref<!tpu.dma_semaphore, #tpu.memory_space<semaphore_mem>>)
      %dma_wait3A_379 = arith.constant 0 : i32
      %dma_wait3A_380 = tpu.memref_slice %arg18[%add3A_26, %dma_wait3A_379] : memref<10000x128xf32, #tpu.memory_space<vmem_shared>> -> memref<8x128xf32, #tpu.memory_space<vmem_shared>>
      %dma_wait3A_381 = arith.constant 0 : i32
      %dma_wait3A_382 = tpu.memref_slice %arg18[%add3A_26, %dma_wait3A_381] : memref<10000x128xf32, #tpu.memory_space<vmem_shared>> -> memref<8x128xf32, #tpu.memory_space<vmem_shared>>
      tpu.wait_dma2 semaphore(%run_scoped3A : memref<!tpu.dma_semaphore, #tpu.memory_space<semaphore_mem>>) src(%arg17 : memref<8x128xf32, #tpu.memory_space<vmem>>) dst(%dma_wait3A_382 : memref<8x128xf32, #tpu.memory_space<vmem_shared>>)
      tpu.yield
    }) : () -> ()
    %mul3A_27 = arith.constant 624 : i32
    %mul3A_28 = arith.muli %arg1, %mul3A_27 : i32
    %add3A_29 = arith.constant 40 : i32
    %add3A_30 = arith.addi %mul3A_28, %add3A_29 : i32
    "tpu.region"() ({
      %run_scoped3A = tpu.sem_alloc : memref<!tpu.dma_semaphore, #tpu.memory_space<semaphore_mem>>
      %dma_start3A_375 = arith.constant 0 : i32
      %dma_start3A_376 = tpu.memref_slice %arg18[%add3A_30, %dma_start3A_375] : memref<10000x128xf32, #tpu.memory_space<vmem_shared>> -> memref<8x128xf32, #tpu.memory_space<vmem_shared>>
      %dma_start3A_377 = arith.constant 0 : i32
      %dma_start3A_378 = tpu.memref_slice %arg18[%add3A_30, %dma_start3A_377] : memref<10000x128xf32, #tpu.memory_space<vmem_shared>> -> memref<8x128xf32, #tpu.memory_space<vmem_shared>>
      tpu.enqueue_dma source(%arg17 : memref<8x128xf32, #tpu.memory_space<vmem>>) target(%dma_start3A_378 : memref<8x128xf32, #tpu.memory_space<vmem_shared>>) target_semaphore(%run_scoped3A : memref<!tpu.dma_semaphore, #tpu.memory_space<semaphore_mem>>)
      %dma_wait3A_379 = arith.constant 0 : i32
      %dma_wait3A_380 = tpu.memref_slice %arg18[%add3A_30, %dma_wait3A_379] : memref<10000x128xf32, #tpu.memory_space<vmem_shared>> -> memref<8x128xf32, #tpu.memory_space<vmem_shared>>
      %dma_wait3A_381 = arith.constant 0 : i32
      %dma_wait3A_382 = tpu.memref_slice %arg18[%add3A_30, %dma_wait3A_381] : memref<10000x128xf32, #tpu.memory_space<vmem_shared>> -> memref<8x128xf32, #tpu.memory_space<vmem_shared>>
      tpu.wait_dma2 semaphore(%run_scoped3A : memref<!tpu.dma_semaphore, #tpu.memory_space<semaphore_mem>>) src(%arg17 : memref<8x128xf32, #tpu.memory_space<vmem>>) dst(%dma_wait3A_382 : memref<8x128xf32, #tpu.memory_space<vmem_shared>>)
      tpu.yield
    }) : () -> ()
    %mul3A_31 = arith.constant 624 : i32
    %mul3A_32 = arith.muli %arg1, %mul3A_31 : i32
    %add3A_33 = arith.constant 48 : i32
    %add3A_34 = arith.addi %mul3A_32, %add3A_33 : i32
    "tpu.region"() ({
      %run_scoped3A = tpu.sem_alloc : memref<!tpu.dma_semaphore, #tpu.memory_space<semaphore_mem>>
      %dma_start3A_375 = arith.constant 0 : i32
      %dma_start3A_376 = tpu.memref_slice %arg18[%add3A_34, %dma_start3A_375] : memref<10000x128xf32, #tpu.memory_space<vmem_shared>> -> memref<8x128xf32, #tpu.memory_space<vmem_shared>>
      %dma_start3A_377 = arith.constant 0 : i32
      %dma_start3A_378 = tpu.memref_slice %arg18[%add3A_34, %dma_start3A_377] : memref<10000x128xf32, #tpu.memory_space<vmem_shared>> -> memref<8x128xf32, #tpu.memory_space<vmem_shared>>
      tpu.enqueue_dma source(%arg17 : memref<8x128xf32, #tpu.memory_space<vmem>>) target(%dma_start3A_378 : memref<8x128xf32, #tpu.memory_space<vmem_shared>>) target_semaphore(%run_scoped3A : memref<!tpu.dma_semaphore, #tpu.memory_space<semaphore_mem>>)
      %dma_wait3A_379 = arith.constant 0 : i32
      %dma_wait3A_380 = tpu.memref_slice %arg18[%add3A_34, %dma_wait3A_379] : memref<10000x128xf32, #tpu.memory_space<vmem_shared>> -> memref<8x128xf32, #tpu.memory_space<vmem_shared>>
      %dma_wait3A_381 = arith.constant 0 : i32
      %dma_wait3A_382 = tpu.memref_slice %arg18[%add3A_34, %dma_wait3A_381] : memref<10000x128xf32, #tpu.memory_space<vmem_shared>> -> memref<8x128xf32, #tpu.memory_space<vmem_shared>>
      tpu.wait_dma2 semaphore(%run_scoped3A : memref<!tpu.dma_semaphore, #tpu.memory_space<semaphore_mem>>) src(%arg17 : memref<8x128xf32, #tpu.memory_space<vmem>>) dst(%dma_wait3A_382 : memref<8x128xf32, #tpu.memory_space<vmem_shared>>)
      tpu.yield
    }) : () -> ()
    %mul3A_35 = arith.constant 624 : i32
    %mul3A_36 = arith.muli %arg1, %mul3A_35 : i32
    %add3A_37 = arith.constant 56 : i32
    %add3A_38 = arith.addi %mul3A_36, %add3A_37 : i32
    "tpu.region"() ({
      %run_scoped3A = tpu.sem_alloc : memref<!tpu.dma_semaphore, #tpu.memory_space<semaphore_mem>>
      %dma_start3A_375 = arith.constant 0 : i32
      %dma_start3A_376 = tpu.memref_slice %arg18[%add3A_38, %dma_start3A_375] : memref<10000x128xf32, #tpu.memory_space<vmem_shared>> -> memref<8x128xf32, #tpu.memory_space<vmem_shared>>
      %dma_start3A_377 = arith.constant 0 : i32
      %dma_start3A_378 = tpu.memref_slice %arg18[%add3A_38, %dma_start3A_377] : memref<10000x128xf32, #tpu.memory_space<vmem_shared>> -> memref<8x128xf32, #tpu.memory_space<vmem_shared>>
      tpu.enqueue_dma source(%arg17 : memref<8x128xf32, #tpu.memory_space<vmem>>) target(%dma_start3A_378 : memref<8x128xf32, #tpu.memory_space<vmem_shared>>) target_semaphore(%run_scoped3A : memref<!tpu.dma_semaphore, #tpu.memory_space<semaphore_mem>>)
      %dma_wait3A_379 = arith.constant 0 : i32
      %dma_wait3A_380 = tpu.memref_slice %arg18[%add3A_38, %dma_wait3A_379] : memref<10000x128xf32, #tpu.memory_space<vmem_shared>> -> memref<8x128xf32, #tpu.memory_space<vmem_shared>>
      %dma_wait3A_381 = arith.constant 0 : i32
      %dma_wait3A_382 = tpu.memref_slice %arg18[%add3A_38, %dma_wait3A_381] : memref<10000x128xf32, #tpu.memory_space<vmem_shared>> -> memref<8x128xf32, #tpu.memory_space<vmem_shared>>
      tpu.wait_dma2 semaphore(%run_scoped3A : memref<!tpu.dma_semaphore, #tpu.memory_space<semaphore_mem>>) src(%arg17 : memref<8x128xf32, #tpu.memory_space<vmem>>) dst(%dma_wait3A_382 : memref<8x128xf32, #tpu.memory_space<vmem_shared>>)
      tpu.yield
    }) : () -> ()
    %mul3A_39 = arith.constant 624 : i32
    %mul3A_40 = arith.muli %arg1, %mul3A_39 : i32
    %add3A_41 = arith.constant 64 : i32
    %add3A_42 = arith.addi %mul3A_40, %add3A_41 : i32
    "tpu.region"() ({
      %run_scoped3A = tpu.sem_alloc : memref<!tpu.dma_semaphore, #tpu.memory_space<semaphore_mem>>
      %dma_start3A_375 = arith.constant 0 : i32
      %dma_start3A_376 = tpu.memref_slice %arg18[%add3A_42, %dma_start3A_375] : memref<10000x128xf32, #tpu.memory_space<vmem_shared>> -> memref<8x128xf32, #tpu.memory_space<vmem_shared>>
      %dma_start3A_377 = arith.constant 0 : i32
      %dma_start3A_378 = tpu.memref_slice %arg18[%add3A_42, %dma_start3A_377] : memref<10000x128xf32, #tpu.memory_space<vmem_shared>> -> memref<8x128xf32, #tpu.memory_space<vmem_shared>>
      tpu.enqueue_dma source(%arg17 : memref<8x128xf32, #tpu.memory_space<vmem>>) target(%dma_start3A_378 : memref<8x128xf32, #tpu.memory_space<vmem_shared>>) target_semaphore(%run_scoped3A : memref<!tpu.dma_semaphore, #tpu.memory_space<semaphore_mem>>)
      %dma_wait3A_379 = arith.constant 0 : i32
      %dma_wait3A_380 = tpu.memref_slice %arg18[%add3A_42, %dma_wait3A_379] : memref<10000x128xf32, #tpu.memory_space<vmem_shared>> -> memref<8x128xf32, #tpu.memory_space<vmem_shared>>
      %dma_wait3A_381 = arith.constant 0 : i32
      %dma_wait3A_382 = tpu.memref_slice %arg18[%add3A_42, %dma_wait3A_381] : memref<10000x128xf32, #tpu.memory_space<vmem_shared>> -> memref<8x128xf32, #tpu.memory_space<vmem_shared>>
      tpu.wait_dma2 semaphore(%run_scoped3A : memref<!tpu.dma_semaphore, #tpu.memory_space<semaphore_mem>>) src(%arg17 : memref<8x128xf32, #tpu.memory_space<vmem>>) dst(%dma_wait3A_382 : memref<8x128xf32, #tpu.memory_space<vmem_shared>>)
      tpu.yield
    }) : () -> ()
    %mul3A_43 = arith.constant 624 : i32
    %mul3A_44 = arith.muli %arg1, %mul3A_43 : i32
    %add3A_45 = arith.constant 72 : i32
    %add3A_46 = arith.addi %mul3A_44, %add3A_45 : i32
    "tpu.region"() ({
      %run_scoped3A = tpu.sem_alloc : memref<!tpu.dma_semaphore, #tpu.memory_space<semaphore_mem>>
      %dma_start3A_375 = arith.constant 0 : i32
      %dma_start3A_376 = tpu.memref_slice %arg18[%add3A_46, %dma_start3A_375] : memref<10000x128xf32, #tpu.memory_space<vmem_shared>> -> memref<8x128xf32, #tpu.memory_space<vmem_shared>>
      %dma_start3A_377 = arith.constant 0 : i32
      %dma_start3A_378 = tpu.memref_slice %arg18[%add3A_46, %dma_start3A_377] : memref<10000x128xf32, #tpu.memory_space<vmem_shared>> -> memref<8x128xf32, #tpu.memory_space<vmem_shared>>
      tpu.enqueue_dma source(%arg17 : memref<8x128xf32, #tpu.memory_space<vmem>>) target(%dma_start3A_378 : memref<8x128xf32, #tpu.memory_space<vmem_shared>>) target_semaphore(%run_scoped3A : memref<!tpu.dma_semaphore, #tpu.memory_space<semaphore_mem>>)
      %dma_wait3A_379 = arith.constant 0 : i32
      %dma_wait3A_380 = tpu.memref_slice %arg18[%add3A_46, %dma_wait3A_379] : memref<10000x128xf32, #tpu.memory_space<vmem_shared>> -> memref<8x128xf32, #tpu.memory_space<vmem_shared>>
      %dma_wait3A_381 = arith.constant 0 : i32
      %dma_wait3A_382 = tpu.memref_slice %arg18[%add3A_46, %dma_wait3A_381] : memref<10000x128xf32, #tpu.memory_space<vmem_shared>> -> memref<8x128xf32, #tpu.memory_space<vmem_shared>>
      tpu.wait_dma2 semaphore(%run_scoped3A : memref<!tpu.dma_semaphore, #tpu.memory_space<semaphore_mem>>) src(%arg17 : memref<8x128xf32, #tpu.memory_space<vmem>>) dst(%dma_wait3A_382 : memref<8x128xf32, #tpu.memory_space<vmem_shared>>)
      tpu.yield
    }) : () -> ()
    %mul3A_47 = arith.constant 624 : i32
    %mul3A_48 = arith.muli %arg1, %mul3A_47 : i32
    %add3A_49 = arith.constant 80 : i32
    %add3A_50 = arith.addi %mul3A_48, %add3A_49 : i32
    "tpu.region"() ({
      %run_scoped3A = tpu.sem_alloc : memref<!tpu.dma_semaphore, #tpu.memory_space<semaphore_mem>>
      %dma_start3A_375 = arith.constant 0 : i32
      %dma_start3A_376 = tpu.memref_slice %arg18[%add3A_50, %dma_start3A_375] : memref<10000x128xf32, #tpu.memory_space<vmem_shared>> -> memref<8x128xf32, #tpu.memory_space<vmem_shared>>
      %dma_start3A_377 = arith.constant 0 : i32
      %dma_start3A_378 = tpu.memref_slice %arg18[%add3A_50, %dma_start3A_377] : memref<10000x128xf32, #tpu.memory_space<vmem_shared>> -> memref<8x128xf32, #tpu.memory_space<vmem_shared>>
      tpu.enqueue_dma source(%arg17 : memref<8x128xf32, #tpu.memory_space<vmem>>) target(%dma_start3A_378 : memref<8x128xf32, #tpu.memory_space<vmem_shared>>) target_semaphore(%run_scoped3A : memref<!tpu.dma_semaphore, #tpu.memory_space<semaphore_mem>>)
      %dma_wait3A_379 = arith.constant 0 : i32
      %dma_wait3A_380 = tpu.memref_slice %arg18[%add3A_50, %dma_wait3A_379] : memref<10000x128xf32, #tpu.memory_space<vmem_shared>> -> memref<8x128xf32, #tpu.memory_space<vmem_shared>>
      %dma_wait3A_381 = arith.constant 0 : i32
      %dma_wait3A_382 = tpu.memref_slice %arg18[%add3A_50, %dma_wait3A_381] : memref<10000x128xf32, #tpu.memory_space<vmem_shared>> -> memref<8x128xf32, #tpu.memory_space<vmem_shared>>
      tpu.wait_dma2 semaphore(%run_scoped3A : memref<!tpu.dma_semaphore, #tpu.memory_space<semaphore_mem>>) src(%arg17 : memref<8x128xf32, #tpu.memory_space<vmem>>) dst(%dma_wait3A_382 : memref<8x128xf32, #tpu.memory_space<vmem_shared>>)
      tpu.yield
    }) : () -> ()
    %mul3A_51 = arith.constant 624 : i32
    %mul3A_52 = arith.muli %arg1, %mul3A_51 : i32
    %add3A_53 = arith.constant 88 : i32
    %add3A_54 = arith.addi %mul3A_52, %add3A_53 : i32
    "tpu.region"() ({
      %run_scoped3A = tpu.sem_alloc : memref<!tpu.dma_semaphore, #tpu.memory_space<semaphore_mem>>
      %dma_start3A_375 = arith.constant 0 : i32
      %dma_start3A_376 = tpu.memref_slice %arg18[%add3A_54, %dma_start3A_375] : memref<10000x128xf32, #tpu.memory_space<vmem_shared>> -> memref<8x128xf32, #tpu.memory_space<vmem_shared>>
      %dma_start3A_377 = arith.constant 0 : i32
      %dma_start3A_378 = tpu.memref_slice %arg18[%add3A_54, %dma_start3A_377] : memref<10000x128xf32, #tpu.memory_space<vmem_shared>> -> memref<8x128xf32, #tpu.memory_space<vmem_shared>>
      tpu.enqueue_dma source(%arg17 : memref<8x128xf32, #tpu.memory_space<vmem>>) target(%dma_start3A_378 : memref<8x128xf32, #tpu.memory_space<vmem_shared>>) target_semaphore(%run_scoped3A : memref<!tpu.dma_semaphore, #tpu.memory_space<semaphore_mem>>)
      %dma_wait3A_379 = arith.constant 0 : i32
      %dma_wait3A_380 = tpu.memref_slice %arg18[%add3A_54, %dma_wait3A_379] : memref<10000x128xf32, #tpu.memory_space<vmem_shared>> -> memref<8x128xf32, #tpu.memory_space<vmem_shared>>
      %dma_wait3A_381 = arith.constant 0 : i32
      %dma_wait3A_382 = tpu.memref_slice %arg18[%add3A_54, %dma_wait3A_381] : memref<10000x128xf32, #tpu.memory_space<vmem_shared>> -> memref<8x128xf32, #tpu.memory_space<vmem_shared>>
      tpu.wait_dma2 semaphore(%run_scoped3A : memref<!tpu.dma_semaphore, #tpu.memory_space<semaphore_mem>>) src(%arg17 : memref<8x128xf32, #tpu.memory_space<vmem>>) dst(%dma_wait3A_382 : memref<8x128xf32, #tpu.memory_space<vmem_shared>>)
      tpu.yield
    }) : () -> ()
    %mul3A_55 = arith.constant 624 : i32
    %mul3A_56 = arith.muli %arg1, %mul3A_55 : i32
    %add3A_57 = arith.constant 96 : i32
    %add3A_58 = arith.addi %mul3A_56, %add3A_57 : i32
    "tpu.region"() ({
      %run_scoped3A = tpu.sem_alloc : memref<!tpu.dma_semaphore, #tpu.memory_space<semaphore_mem>>
      %dma_start3A_375 = arith.constant 0 : i32
      %dma_start3A_376 = tpu.memref_slice %arg18[%add3A_58, %dma_start3A_375] : memref<10000x128xf32, #tpu.memory_space<vmem_shared>> -> memref<8x128xf32, #tpu.memory_space<vmem_shared>>
      %dma_start3A_377 = arith.constant 0 : i32
      %dma_start3A_378 = tpu.memref_slice %arg18[%add3A_58, %dma_start3A_377] : memref<10000x128xf32, #tpu.memory_space<vmem_shared>> -> memref<8x128xf32, #tpu.memory_space<vmem_shared>>
      tpu.enqueue_dma source(%arg17 : memref<8x128xf32, #tpu.memory_space<vmem>>) target(%dma_start3A_378 : memref<8x128xf32, #tpu.memory_space<vmem_shared>>) target_semaphore(%run_scoped3A : memref<!tpu.dma_semaphore, #tpu.memory_space<semaphore_mem>>)
      %dma_wait3A_379 = arith.constant 0 : i32
      %dma_wait3A_380 = tpu.memref_slice %arg18[%add3A_58, %dma_wait3A_379] : memref<10000x128xf32, #tpu.memory_space<vmem_shared>> -> memref<8x128xf32, #tpu.memory_space<vmem_shared>>
      %dma_wait3A_381 = arith.constant 0 : i32
      %dma_wait3A_382 = tpu.memref_slice %arg18[%add3A_58, %dma_wait3A_381] : memref<10000x128xf32, #tpu.memory_space<vmem_shared>> -> memref<8x128xf32, #tpu.memory_space<vmem_shared>>
      tpu.wait_dma2 semaphore(%run_scoped3A : memref<!tpu.dma_semaphore, #tpu.memory_space<semaphore_mem>>) src(%arg17 : memref<8x128xf32, #tpu.memory_space<vmem>>) dst(%dma_wait3A_382 : memref<8x128xf32, #tpu.memory_space<vmem_shared>>)
      tpu.yield
    }) : () -> ()
    %mul3A_59 = arith.constant 624 : i32
    %mul3A_60 = arith.muli %arg1, %mul3A_59 : i32
    %add3A_61 = arith.constant 104 : i32
    %add3A_62 = arith.addi %mul3A_60, %add3A_61 : i32
    "tpu.region"() ({
      %run_scoped3A = tpu.sem_alloc : memref<!tpu.dma_semaphore, #tpu.memory_space<semaphore_mem>>
      %dma_start3A_375 = arith.constant 0 : i32
      %dma_start3A_376 = tpu.memref_slice %arg18[%add3A_62, %dma_start3A_375] : memref<10000x128xf32, #tpu.memory_space<vmem_shared>> -> memref<8x128xf32, #tpu.memory_space<vmem_shared>>
      %dma_start3A_377 = arith.constant 0 : i32
      %dma_start3A_378 = tpu.memref_slice %arg18[%add3A_62, %dma_start3A_377] : memref<10000x128xf32, #tpu.memory_space<vmem_shared>> -> memref<8x128xf32, #tpu.memory_space<vmem_shared>>
      tpu.enqueue_dma source(%arg17 : memref<8x128xf32, #tpu.memory_space<vmem>>) target(%dma_start3A_378 : memref<8x128xf32, #tpu.memory_space<vmem_shared>>) target_semaphore(%run_scoped3A : memref<!tpu.dma_semaphore, #tpu.memory_space<semaphore_mem>>)
      %dma_wait3A_379 = arith.constant 0 : i32
      %dma_wait3A_380 = tpu.memref_slice %arg18[%add3A_62, %dma_wait3A_379] : memref<10000x128xf32, #tpu.memory_space<vmem_shared>> -> memref<8x128xf32, #tpu.memory_space<vmem_shared>>
      %dma_wait3A_381 = arith.constant 0 : i32
      %dma_wait3A_382 = tpu.memref_slice %arg18[%add3A_62, %dma_wait3A_381] : memref<10000x128xf32, #tpu.memory_space<vmem_shared>> -> memref<8x128xf32, #tpu.memory_space<vmem_shared>>
      tpu.wait_dma2 semaphore(%run_scoped3A : memref<!tpu.dma_semaphore, #tpu.memory_space<semaphore_mem>>) src(%arg17 : memref<8x128xf32, #tpu.memory_space<vmem>>) dst(%dma_wait3A_382 : memref<8x128xf32, #tpu.memory_space<vmem_shared>>)
      tpu.yield
    }) : () -> ()
    %mul3A_63 = arith.constant 624 : i32
    %mul3A_64 = arith.muli %arg1, %mul3A_63 : i32
    %add3A_65 = arith.constant 112 : i32
    %add3A_66 = arith.addi %mul3A_64, %add3A_65 : i32
    "tpu.region"() ({
      %run_scoped3A = tpu.sem_alloc : memref<!tpu.dma_semaphore, #tpu.memory_space<semaphore_mem>>
      %dma_start3A_375 = arith.constant 0 : i32
      %dma_start3A_376 = tpu.memref_slice %arg18[%add3A_66, %dma_start3A_375] : memref<10000x128xf32, #tpu.memory_space<vmem_shared>> -> memref<8x128xf32, #tpu.memory_space<vmem_shared>>
      %dma_start3A_377 = arith.constant 0 : i32
      %dma_start3A_378 = tpu.memref_slice %arg18[%add3A_66, %dma_start3A_377] : memref<10000x128xf32, #tpu.memory_space<vmem_shared>> -> memref<8x128xf32, #tpu.memory_space<vmem_shared>>
      tpu.enqueue_dma source(%arg17 : memref<8x128xf32, #tpu.memory_space<vmem>>) target(%dma_start3A_378 : memref<8x128xf32, #tpu.memory_space<vmem_shared>>) target_semaphore(%run_scoped3A : memref<!tpu.dma_semaphore, #tpu.memory_space<semaphore_mem>>)
      %dma_wait3A_379 = arith.constant 0 : i32
      %dma_wait3A_380 = tpu.memref_slice %arg18[%add3A_66, %dma_wait3A_379] : memref<10000x128xf32, #tpu.memory_space<vmem_shared>> -> memref<8x128xf32, #tpu.memory_space<vmem_shared>>
      %dma_wait3A_381 = arith.constant 0 : i32
      %dma_wait3A_382 = tpu.memref_slice %arg18[%add3A_66, %dma_wait3A_381] : memref<10000x128xf32, #tpu.memory_space<vmem_shared>> -> memref<8x128xf32, #tpu.memory_space<vmem_shared>>
      tpu.wait_dma2 semaphore(%run_scoped3A : memref<!tpu.dma_semaphore, #tpu.memory_space<semaphore_mem>>) src(%arg17 : memref<8x128xf32, #tpu.memory_space<vmem>>) dst(%dma_wait3A_382 : memref<8x128xf32, #tpu.memory_space<vmem_shared>>)
      tpu.yield
    }) : () -> ()
    %mul3A_67 = arith.constant 624 : i32
    %mul3A_68 = arith.muli %arg1, %mul3A_67 : i32
    %add3A_69 = arith.constant 120 : i32
    %add3A_70 = arith.addi %mul3A_68, %add3A_69 : i32
    "tpu.region"() ({
      %run_scoped3A = tpu.sem_alloc : memref<!tpu.dma_semaphore, #tpu.memory_space<semaphore_mem>>
      %dma_start3A_375 = arith.constant 0 : i32
      %dma_start3A_376 = tpu.memref_slice %arg18[%add3A_70, %dma_start3A_375] : memref<10000x128xf32, #tpu.memory_space<vmem_shared>> -> memref<8x128xf32, #tpu.memory_space<vmem_shared>>
      %dma_start3A_377 = arith.constant 0 : i32
      %dma_start3A_378 = tpu.memref_slice %arg18[%add3A_70, %dma_start3A_377] : memref<10000x128xf32, #tpu.memory_space<vmem_shared>> -> memref<8x128xf32, #tpu.memory_space<vmem_shared>>
      tpu.enqueue_dma source(%arg17 : memref<8x128xf32, #tpu.memory_space<vmem>>) target(%dma_start3A_378 : memref<8x128xf32, #tpu.memory_space<vmem_shared>>) target_semaphore(%run_scoped3A : memref<!tpu.dma_semaphore, #tpu.memory_space<semaphore_mem>>)
      %dma_wait3A_379 = arith.constant 0 : i32
      %dma_wait3A_380 = tpu.memref_slice %arg18[%add3A_70, %dma_wait3A_379] : memref<10000x128xf32, #tpu.memory_space<vmem_shared>> -> memref<8x128xf32, #tpu.memory_space<vmem_shared>>
      %dma_wait3A_381 = arith.constant 0 : i32
      %dma_wait3A_382 = tpu.memref_slice %arg18[%add3A_70, %dma_wait3A_381] : memref<10000x128xf32, #tpu.memory_space<vmem_shared>> -> memref<8x128xf32, #tpu.memory_space<vmem_shared>>
      tpu.wait_dma2 semaphore(%run_scoped3A : memref<!tpu.dma_semaphore, #tpu.memory_space<semaphore_mem>>) src(%arg17 : memref<8x128xf32, #tpu.memory_space<vmem>>) dst(%dma_wait3A_382 : memref<8x128xf32, #tpu.memory_space<vmem_shared>>)
      tpu.yield
    }) : () -> ()
    %mul3A_71 = arith.constant 624 : i32
    %mul3A_72 = arith.muli %arg1, %mul3A_71 : i32
    %add3A_73 = arith.constant 128 : i32
    %add3A_74 = arith.addi %mul3A_72, %add3A_73 : i32
    "tpu.region"() ({
      %run_scoped3A = tpu.sem_alloc : memref<!tpu.dma_semaphore, #tpu.memory_space<semaphore_mem>>
      %dma_start3A_375 = arith.constant 0 : i32
      %dma_start3A_376 = tpu.memref_slice %arg18[%add3A_74, %dma_start3A_375] : memref<10000x128xf32, #tpu.memory_space<vmem_shared>> -> memref<8x128xf32, #tpu.memory_space<vmem_shared>>
      %dma_start3A_377 = arith.constant 0 : i32
      %dma_start3A_378 = tpu.memref_slice %arg18[%add3A_74, %dma_start3A_377] : memref<10000x128xf32, #tpu.memory_space<vmem_shared>> -> memref<8x128xf32, #tpu.memory_space<vmem_shared>>
      tpu.enqueue_dma source(%arg17 : memref<8x128xf32, #tpu.memory_space<vmem>>) target(%dma_start3A_378 : memref<8x128xf32, #tpu.memory_space<vmem_shared>>) target_semaphore(%run_scoped3A : memref<!tpu.dma_semaphore, #tpu.memory_space<semaphore_mem>>)
      %dma_wait3A_379 = arith.constant 0 : i32
      %dma_wait3A_380 = tpu.memref_slice %arg18[%add3A_74, %dma_wait3A_379] : memref<10000x128xf32, #tpu.memory_space<vmem_shared>> -> memref<8x128xf32, #tpu.memory_space<vmem_shared>>
      %dma_wait3A_381 = arith.constant 0 : i32
      %dma_wait3A_382 = tpu.memref_slice %arg18[%add3A_74, %dma_wait3A_381] : memref<10000x128xf32, #tpu.memory_space<vmem_shared>> -> memref<8x128xf32, #tpu.memory_space<vmem_shared>>
      tpu.wait_dma2 semaphore(%run_scoped3A : memref<!tpu.dma_semaphore, #tpu.memory_space<semaphore_mem>>) src(%arg17 : memref<8x128xf32, #tpu.memory_space<vmem>>) dst(%dma_wait3A_382 : memref<8x128xf32, #tpu.memory_space<vmem_shared>>)
      tpu.yield
    }) : () -> ()
    %mul3A_75 = arith.constant 624 : i32
    %mul3A_76 = arith.muli %arg1, %mul3A_75 : i32
    %add3A_77 = arith.constant 136 : i32
    %add3A_78 = arith.addi %mul3A_76, %add3A_77 : i32
    "tpu.region"() ({
      %run_scoped3A = tpu.sem_alloc : memref<!tpu.dma_semaphore, #tpu.memory_space<semaphore_mem>>
      %dma_start3A_375 = arith.constant 0 : i32
      %dma_start3A_376 = tpu.memref_slice %arg18[%add3A_78, %dma_start3A_375] : memref<10000x128xf32, #tpu.memory_space<vmem_shared>> -> memref<8x128xf32, #tpu.memory_space<vmem_shared>>
      %dma_start3A_377 = arith.constant 0 : i32
      %dma_start3A_378 = tpu.memref_slice %arg18[%add3A_78, %dma_start3A_377] : memref<10000x128xf32, #tpu.memory_space<vmem_shared>> -> memref<8x128xf32, #tpu.memory_space<vmem_shared>>
      tpu.enqueue_dma source(%arg17 : memref<8x128xf32, #tpu.memory_space<vmem>>) target(%dma_start3A_378 : memref<8x128xf32, #tpu.memory_space<vmem_shared>>) target_semaphore(%run_scoped3A : memref<!tpu.dma_semaphore, #tpu.memory_space<semaphore_mem>>)
      %dma_wait3A_379 = arith.constant 0 : i32
      %dma_wait3A_380 = tpu.memref_slice %arg18[%add3A_78, %dma_wait3A_379] : memref<10000x128xf32, #tpu.memory_space<vmem_shared>> -> memref<8x128xf32, #tpu.memory_space<vmem_shared>>
      %dma_wait3A_381 = arith.constant 0 : i32
      %dma_wait3A_382 = tpu.memref_slice %arg18[%add3A_78, %dma_wait3A_381] : memref<10000x128xf32, #tpu.memory_space<vmem_shared>> -> memref<8x128xf32, #tpu.memory_space<vmem_shared>>
      tpu.wait_dma2 semaphore(%run_scoped3A : memref<!tpu.dma_semaphore, #tpu.memory_space<semaphore_mem>>) src(%arg17 : memref<8x128xf32, #tpu.memory_space<vmem>>) dst(%dma_wait3A_382 : memref<8x128xf32, #tpu.memory_space<vmem_shared>>)
      tpu.yield
    }) : () -> ()
    %mul3A_79 = arith.constant 624 : i32
    %mul3A_80 = arith.muli %arg1, %mul3A_79 : i32
    %add3A_81 = arith.constant 144 : i32
    %add3A_82 = arith.addi %mul3A_80, %add3A_81 : i32
    "tpu.region"() ({
      %run_scoped3A = tpu.sem_alloc : memref<!tpu.dma_semaphore, #tpu.memory_space<semaphore_mem>>
      %dma_start3A_375 = arith.constant 0 : i32
      %dma_start3A_376 = tpu.memref_slice %arg18[%add3A_82, %dma_start3A_375] : memref<10000x128xf32, #tpu.memory_space<vmem_shared>> -> memref<8x128xf32, #tpu.memory_space<vmem_shared>>
      %dma_start3A_377 = arith.constant 0 : i32
      %dma_start3A_378 = tpu.memref_slice %arg18[%add3A_82, %dma_start3A_377] : memref<10000x128xf32, #tpu.memory_space<vmem_shared>> -> memref<8x128xf32, #tpu.memory_space<vmem_shared>>
      tpu.enqueue_dma source(%arg17 : memref<8x128xf32, #tpu.memory_space<vmem>>) target(%dma_start3A_378 : memref<8x128xf32, #tpu.memory_space<vmem_shared>>) target_semaphore(%run_scoped3A : memref<!tpu.dma_semaphore, #tpu.memory_space<semaphore_mem>>)
      %dma_wait3A_379 = arith.constant 0 : i32
      %dma_wait3A_380 = tpu.memref_slice %arg18[%add3A_82, %dma_wait3A_379] : memref<10000x128xf32, #tpu.memory_space<vmem_shared>> -> memref<8x128xf32, #tpu.memory_space<vmem_shared>>
      %dma_wait3A_381 = arith.constant 0 : i32
      %dma_wait3A_382 = tpu.memref_slice %arg18[%add3A_82, %dma_wait3A_381] : memref<10000x128xf32, #tpu.memory_space<vmem_shared>> -> memref<8x128xf32, #tpu.memory_space<vmem_shared>>
      tpu.wait_dma2 semaphore(%run_scoped3A : memref<!tpu.dma_semaphore, #tpu.memory_space<semaphore_mem>>) src(%arg17 : memref<8x128xf32, #tpu.memory_space<vmem>>) dst(%dma_wait3A_382 : memref<8x128xf32, #tpu.memory_space<vmem_shared>>)
      tpu.yield
    }) : () -> ()
    %mul3A_83 = arith.constant 624 : i32
    %mul3A_84 = arith.muli %arg1, %mul3A_83 : i32
    %add3A_85 = arith.constant 152 : i32
    %add3A_86 = arith.addi %mul3A_84, %add3A_85 : i32
    "tpu.region"() ({
      %run_scoped3A = tpu.sem_alloc : memref<!tpu.dma_semaphore, #tpu.memory_space<semaphore_mem>>
      %dma_start3A_375 = arith.constant 0 : i32
      %dma_start3A_376 = tpu.memref_slice %arg18[%add3A_86, %dma_start3A_375] : memref<10000x128xf32, #tpu.memory_space<vmem_shared>> -> memref<8x128xf32, #tpu.memory_space<vmem_shared>>
      %dma_start3A_377 = arith.constant 0 : i32
      %dma_start3A_378 = tpu.memref_slice %arg18[%add3A_86, %dma_start3A_377] : memref<10000x128xf32, #tpu.memory_space<vmem_shared>> -> memref<8x128xf32, #tpu.memory_space<vmem_shared>>
      tpu.enqueue_dma source(%arg17 : memref<8x128xf32, #tpu.memory_space<vmem>>) target(%dma_start3A_378 : memref<8x128xf32, #tpu.memory_space<vmem_shared>>) target_semaphore(%run_scoped3A : memref<!tpu.dma_semaphore, #tpu.memory_space<semaphore_mem>>)
      %dma_wait3A_379 = arith.constant 0 : i32
      %dma_wait3A_380 = tpu.memref_slice %arg18[%add3A_86, %dma_wait3A_379] : memref<10000x128xf32, #tpu.memory_space<vmem_shared>> -> memref<8x128xf32, #tpu.memory_space<vmem_shared>>
      %dma_wait3A_381 = arith.constant 0 : i32
      %dma_wait3A_382 = tpu.memref_slice %arg18[%add3A_86, %dma_wait3A_381] : memref<10000x128xf32, #tpu.memory_space<vmem_shared>> -> memref<8x128xf32, #tpu.memory_space<vmem_shared>>
      tpu.wait_dma2 semaphore(%run_scoped3A : memref<!tpu.dma_semaphore, #tpu.memory_space<semaphore_mem>>) src(%arg17 : memref<8x128xf32, #tpu.memory_space<vmem>>) dst(%dma_wait3A_382 : memref<8x128xf32, #tpu.memory_space<vmem_shared>>)
      tpu.yield
    }) : () -> ()
    %mul3A_87 = arith.constant 624 : i32
    %mul3A_88 = arith.muli %arg1, %mul3A_87 : i32
    %add3A_89 = arith.constant 160 : i32
    %add3A_90 = arith.addi %mul3A_88, %add3A_89 : i32
    "tpu.region"() ({
      %run_scoped3A = tpu.sem_alloc : memref<!tpu.dma_semaphore, #tpu.memory_space<semaphore_mem>>
      %dma_start3A_375 = arith.constant 0 : i32
      %dma_start3A_376 = tpu.memref_slice %arg18[%add3A_90, %dma_start3A_375] : memref<10000x128xf32, #tpu.memory_space<vmem_shared>> -> memref<8x128xf32, #tpu.memory_space<vmem_shared>>
      %dma_start3A_377 = arith.constant 0 : i32
      %dma_start3A_378 = tpu.memref_slice %arg18[%add3A_90, %dma_start3A_377] : memref<10000x128xf32, #tpu.memory_space<vmem_shared>> -> memref<8x128xf32, #tpu.memory_space<vmem_shared>>
      tpu.enqueue_dma source(%arg17 : memref<8x128xf32, #tpu.memory_space<vmem>>) target(%dma_start3A_378 : memref<8x128xf32, #tpu.memory_space<vmem_shared>>) target_semaphore(%run_scoped3A : memref<!tpu.dma_semaphore, #tpu.memory_space<semaphore_mem>>)
      %dma_wait3A_379 = arith.constant 0 : i32
      %dma_wait3A_380 = tpu.memref_slice %arg18[%add3A_90, %dma_wait3A_379] : memref<10000x128xf32, #tpu.memory_space<vmem_shared>> -> memref<8x128xf32, #tpu.memory_space<vmem_shared>>
      %dma_wait3A_381 = arith.constant 0 : i32
      %dma_wait3A_382 = tpu.memref_slice %arg18[%add3A_90, %dma_wait3A_381] : memref<10000x128xf32, #tpu.memory_space<vmem_shared>> -> memref<8x128xf32, #tpu.memory_space<vmem_shared>>
      tpu.wait_dma2 semaphore(%run_scoped3A : memref<!tpu.dma_semaphore, #tpu.memory_space<semaphore_mem>>) src(%arg17 : memref<8x128xf32, #tpu.memory_space<vmem>>) dst(%dma_wait3A_382 : memref<8x128xf32, #tpu.memory_space<vmem_shared>>)
      tpu.yield
    }) : () -> ()
    %mul3A_91 = arith.constant 624 : i32
    %mul3A_92 = arith.muli %arg1, %mul3A_91 : i32
    %add3A_93 = arith.constant 168 : i32
    %add3A_94 = arith.addi %mul3A_92, %add3A_93 : i32
    "tpu.region"() ({
      %run_scoped3A = tpu.sem_alloc : memref<!tpu.dma_semaphore, #tpu.memory_space<semaphore_mem>>
      %dma_start3A_375 = arith.constant 0 : i32
      %dma_start3A_376 = tpu.memref_slice %arg18[%add3A_94, %dma_start3A_375] : memref<10000x128xf32, #tpu.memory_space<vmem_shared>> -> memref<8x128xf32, #tpu.memory_space<vmem_shared>>
      %dma_start3A_377 = arith.constant 0 : i32
      %dma_start3A_378 = tpu.memref_slice %arg18[%add3A_94, %dma_start3A_377] : memref<10000x128xf32, #tpu.memory_space<vmem_shared>> -> memref<8x128xf32, #tpu.memory_space<vmem_shared>>
      tpu.enqueue_dma source(%arg17 : memref<8x128xf32, #tpu.memory_space<vmem>>) target(%dma_start3A_378 : memref<8x128xf32, #tpu.memory_space<vmem_shared>>) target_semaphore(%run_scoped3A : memref<!tpu.dma_semaphore, #tpu.memory_space<semaphore_mem>>)
      %dma_wait3A_379 = arith.constant 0 : i32
      %dma_wait3A_380 = tpu.memref_slice %arg18[%add3A_94, %dma_wait3A_379] : memref<10000x128xf32, #tpu.memory_space<vmem_shared>> -> memref<8x128xf32, #tpu.memory_space<vmem_shared>>
      %dma_wait3A_381 = arith.constant 0 : i32
      %dma_wait3A_382 = tpu.memref_slice %arg18[%add3A_94, %dma_wait3A_381] : memref<10000x128xf32, #tpu.memory_space<vmem_shared>> -> memref<8x128xf32, #tpu.memory_space<vmem_shared>>
      tpu.wait_dma2 semaphore(%run_scoped3A : memref<!tpu.dma_semaphore, #tpu.memory_space<semaphore_mem>>) src(%arg17 : memref<8x128xf32, #tpu.memory_space<vmem>>) dst(%dma_wait3A_382 : memref<8x128xf32, #tpu.memory_space<vmem_shared>>)
      tpu.yield
    }) : () -> ()
    %mul3A_95 = arith.constant 624 : i32
    %mul3A_96 = arith.muli %arg1, %mul3A_95 : i32
    %add3A_97 = arith.constant 176 : i32
    %add3A_98 = arith.addi %mul3A_96, %add3A_97 : i32
    "tpu.region"() ({
      %run_scoped3A = tpu.sem_alloc : memref<!tpu.dma_semaphore, #tpu.memory_space<semaphore_mem>>
      %dma_start3A_375 = arith.constant 0 : i32
      %dma_start3A_376 = tpu.memref_slice %arg18[%add3A_98, %dma_start3A_375] : memref<10000x128xf32, #tpu.memory_space<vmem_shared>> -> memref<8x128xf32, #tpu.memory_space<vmem_shared>>
      %dma_start3A_377 = arith.constant 0 : i32
      %dma_start3A_378 = tpu.memref_slice %arg18[%add3A_98, %dma_start3A_377] : memref<10000x128xf32, #tpu.memory_space<vmem_shared>> -> memref<8x128xf32, #tpu.memory_space<vmem_shared>>
      tpu.enqueue_dma source(%arg17 : memref<8x128xf32, #tpu.memory_space<vmem>>) target(%dma_start3A_378 : memref<8x128xf32, #tpu.memory_space<vmem_shared>>) target_semaphore(%run_scoped3A : memref<!tpu.dma_semaphore, #tpu.memory_space<semaphore_mem>>)
      %dma_wait3A_379 = arith.constant 0 : i32
      %dma_wait3A_380 = tpu.memref_slice %arg18[%add3A_98, %dma_wait3A_379] : memref<10000x128xf32, #tpu.memory_space<vmem_shared>> -> memref<8x128xf32, #tpu.memory_space<vmem_shared>>
      %dma_wait3A_381 = arith.constant 0 : i32
      %dma_wait3A_382 = tpu.memref_slice %arg18[%add3A_98, %dma_wait3A_381] : memref<10000x128xf32, #tpu.memory_space<vmem_shared>> -> memref<8x128xf32, #tpu.memory_space<vmem_shared>>
      tpu.wait_dma2 semaphore(%run_scoped3A : memref<!tpu.dma_semaphore, #tpu.memory_space<semaphore_mem>>) src(%arg17 : memref<8x128xf32, #tpu.memory_space<vmem>>) dst(%dma_wait3A_382 : memref<8x128xf32, #tpu.memory_space<vmem_shared>>)
      tpu.yield
    }) : () -> ()
    %mul3A_99 = arith.constant 624 : i32
    %mul3A_100 = arith.muli %arg1, %mul3A_99 : i32
    %add3A_101 = arith.constant 184 : i32
    %add3A_102 = arith.addi %mul3A_100, %add3A_101 : i32
    "tpu.region"() ({
      %run_scoped3A = tpu.sem_alloc : memref<!tpu.dma_semaphore, #tpu.memory_space<semaphore_mem>>
      %dma_start3A_375 = arith.constant 0 : i32
      %dma_start3A_376 = tpu.memref_slice %arg18[%add3A_102, %dma_start3A_375] : memref<10000x128xf32, #tpu.memory_space<vmem_shared>> -> memref<8x128xf32, #tpu.memory_space<vmem_shared>>
      %dma_start3A_377 = arith.constant 0 : i32
      %dma_start3A_378 = tpu.memref_slice %arg18[%add3A_102, %dma_start3A_377] : memref<10000x128xf32, #tpu.memory_space<vmem_shared>> -> memref<8x128xf32, #tpu.memory_space<vmem_shared>>
      tpu.enqueue_dma source(%arg17 : memref<8x128xf32, #tpu.memory_space<vmem>>) target(%dma_start3A_378 : memref<8x128xf32, #tpu.memory_space<vmem_shared>>) target_semaphore(%run_scoped3A : memref<!tpu.dma_semaphore, #tpu.memory_space<semaphore_mem>>)
      %dma_wait3A_379 = arith.constant 0 : i32
      %dma_wait3A_380 = tpu.memref_slice %arg18[%add3A_102, %dma_wait3A_379] : memref<10000x128xf32, #tpu.memory_space<vmem_shared>> -> memref<8x128xf32, #tpu.memory_space<vmem_shared>>
      %dma_wait3A_381 = arith.constant 0 : i32
      %dma_wait3A_382 = tpu.memref_slice %arg18[%add3A_102, %dma_wait3A_381] : memref<10000x128xf32, #tpu.memory_space<vmem_shared>> -> memref<8x128xf32, #tpu.memory_space<vmem_shared>>
      tpu.wait_dma2 semaphore(%run_scoped3A : memref<!tpu.dma_semaphore, #tpu.memory_space<semaphore_mem>>) src(%arg17 : memref<8x128xf32, #tpu.memory_space<vmem>>) dst(%dma_wait3A_382 : memref<8x128xf32, #tpu.memory_space<vmem_shared>>)
      tpu.yield
    }) : () -> ()
    %mul3A_103 = arith.constant 624 : i32
    %mul3A_104 = arith.muli %arg1, %mul3A_103 : i32
    %add3A_105 = arith.constant 192 : i32
    %add3A_106 = arith.addi %mul3A_104, %add3A_105 : i32
    "tpu.region"() ({
      %run_scoped3A = tpu.sem_alloc : memref<!tpu.dma_semaphore, #tpu.memory_space<semaphore_mem>>
      %dma_start3A_375 = arith.constant 0 : i32
      %dma_start3A_376 = tpu.memref_slice %arg18[%add3A_106, %dma_start3A_375] : memref<10000x128xf32, #tpu.memory_space<vmem_shared>> -> memref<8x128xf32, #tpu.memory_space<vmem_shared>>
      %dma_start3A_377 = arith.constant 0 : i32
      %dma_start3A_378 = tpu.memref_slice %arg18[%add3A_106, %dma_start3A_377] : memref<10000x128xf32, #tpu.memory_space<vmem_shared>> -> memref<8x128xf32, #tpu.memory_space<vmem_shared>>
      tpu.enqueue_dma source(%arg17 : memref<8x128xf32, #tpu.memory_space<vmem>>) target(%dma_start3A_378 : memref<8x128xf32, #tpu.memory_space<vmem_shared>>) target_semaphore(%run_scoped3A : memref<!tpu.dma_semaphore, #tpu.memory_space<semaphore_mem>>)
      %dma_wait3A_379 = arith.constant 0 : i32
      %dma_wait3A_380 = tpu.memref_slice %arg18[%add3A_106, %dma_wait3A_379] : memref<10000x128xf32, #tpu.memory_space<vmem_shared>> -> memref<8x128xf32, #tpu.memory_space<vmem_shared>>
      %dma_wait3A_381 = arith.constant 0 : i32
      %dma_wait3A_382 = tpu.memref_slice %arg18[%add3A_106, %dma_wait3A_381] : memref<10000x128xf32, #tpu.memory_space<vmem_shared>> -> memref<8x128xf32, #tpu.memory_space<vmem_shared>>
      tpu.wait_dma2 semaphore(%run_scoped3A : memref<!tpu.dma_semaphore, #tpu.memory_space<semaphore_mem>>) src(%arg17 : memref<8x128xf32, #tpu.memory_space<vmem>>) dst(%dma_wait3A_382 : memref<8x128xf32, #tpu.memory_space<vmem_shared>>)
      tpu.yield
    }) : () -> ()
    %mul3A_107 = arith.constant 624 : i32
    %mul3A_108 = arith.muli %arg1, %mul3A_107 : i32
    %add3A_109 = arith.constant 200 : i32
    %add3A_110 = arith.addi %mul3A_108, %add3A_109 : i32
    "tpu.region"() ({
      %run_scoped3A = tpu.sem_alloc : memref<!tpu.dma_semaphore, #tpu.memory_space<semaphore_mem>>
      %dma_start3A_375 = arith.constant 0 : i32
      %dma_start3A_376 = tpu.memref_slice %arg18[%add3A_110, %dma_start3A_375] : memref<10000x128xf32, #tpu.memory_space<vmem_shared>> -> memref<8x128xf32, #tpu.memory_space<vmem_shared>>
      %dma_start3A_377 = arith.constant 0 : i32
      %dma_start3A_378 = tpu.memref_slice %arg18[%add3A_110, %dma_start3A_377] : memref<10000x128xf32, #tpu.memory_space<vmem_shared>> -> memref<8x128xf32, #tpu.memory_space<vmem_shared>>
      tpu.enqueue_dma source(%arg17 : memref<8x128xf32, #tpu.memory_space<vmem>>) target(%dma_start3A_378 : memref<8x128xf32, #tpu.memory_space<vmem_shared>>) target_semaphore(%run_scoped3A : memref<!tpu.dma_semaphore, #tpu.memory_space<semaphore_mem>>)
      %dma_wait3A_379 = arith.constant 0 : i32
      %dma_wait3A_380 = tpu.memref_slice %arg18[%add3A_110, %dma_wait3A_379] : memref<10000x128xf32, #tpu.memory_space<vmem_shared>> -> memref<8x128xf32, #tpu.memory_space<vmem_shared>>
      %dma_wait3A_381 = arith.constant 0 : i32
      %dma_wait3A_382 = tpu.memref_slice %arg18[%add3A_110, %dma_wait3A_381] : memref<10000x128xf32, #tpu.memory_space<vmem_shared>> -> memref<8x128xf32, #tpu.memory_space<vmem_shared>>
      tpu.wait_dma2 semaphore(%run_scoped3A : memref<!tpu.dma_semaphore, #tpu.memory_space<semaphore_mem>>) src(%arg17 : memref<8x128xf32, #tpu.memory_space<vmem>>) dst(%dma_wait3A_382 : memref<8x128xf32, #tpu.memory_space<vmem_shared>>)
      tpu.yield
    }) : () -> ()
    %mul3A_111 = arith.constant 624 : i32
    %mul3A_112 = arith.muli %arg1, %mul3A_111 : i32
    %add3A_113 = arith.constant 208 : i32
    %add3A_114 = arith.addi %mul3A_112, %add3A_113 : i32
    "tpu.region"() ({
      %run_scoped3A = tpu.sem_alloc : memref<!tpu.dma_semaphore, #tpu.memory_space<semaphore_mem>>
      %dma_start3A_375 = arith.constant 0 : i32
      %dma_start3A_376 = tpu.memref_slice %arg18[%add3A_114, %dma_start3A_375] : memref<10000x128xf32, #tpu.memory_space<vmem_shared>> -> memref<8x128xf32, #tpu.memory_space<vmem_shared>>
      %dma_start3A_377 = arith.constant 0 : i32
      %dma_start3A_378 = tpu.memref_slice %arg18[%add3A_114, %dma_start3A_377] : memref<10000x128xf32, #tpu.memory_space<vmem_shared>> -> memref<8x128xf32, #tpu.memory_space<vmem_shared>>
      tpu.enqueue_dma source(%arg17 : memref<8x128xf32, #tpu.memory_space<vmem>>) target(%dma_start3A_378 : memref<8x128xf32, #tpu.memory_space<vmem_shared>>) target_semaphore(%run_scoped3A : memref<!tpu.dma_semaphore, #tpu.memory_space<semaphore_mem>>)
      %dma_wait3A_379 = arith.constant 0 : i32
      %dma_wait3A_380 = tpu.memref_slice %arg18[%add3A_114, %dma_wait3A_379] : memref<10000x128xf32, #tpu.memory_space<vmem_shared>> -> memref<8x128xf32, #tpu.memory_space<vmem_shared>>
      %dma_wait3A_381 = arith.constant 0 : i32
      %dma_wait3A_382 = tpu.memref_slice %arg18[%add3A_114, %dma_wait3A_381] : memref<10000x128xf32, #tpu.memory_space<vmem_shared>> -> memref<8x128xf32, #tpu.memory_space<vmem_shared>>
      tpu.wait_dma2 semaphore(%run_scoped3A : memref<!tpu.dma_semaphore, #tpu.memory_space<semaphore_mem>>) src(%arg17 : memref<8x128xf32, #tpu.memory_space<vmem>>) dst(%dma_wait3A_382 : memref<8x128xf32, #tpu.memory_space<vmem_shared>>)
      tpu.yield
    }) : () -> ()
    %mul3A_115 = arith.constant 624 : i32
    %mul3A_116 = arith.muli %arg1, %mul3A_115 : i32
    %add3A_117 = arith.constant 216 : i32
    %add3A_118 = arith.addi %mul3A_116, %add3A_117 : i32
    "tpu.region"() ({
      %run_scoped3A = tpu.sem_alloc : memref<!tpu.dma_semaphore, #tpu.memory_space<semaphore_mem>>
      %dma_start3A_375 = arith.constant 0 : i32
      %dma_start3A_376 = tpu.memref_slice %arg18[%add3A_118, %dma_start3A_375] : memref<10000x128xf32, #tpu.memory_space<vmem_shared>> -> memref<8x128xf32, #tpu.memory_space<vmem_shared>>
      %dma_start3A_377 = arith.constant 0 : i32
      %dma_start3A_378 = tpu.memref_slice %arg18[%add3A_118, %dma_start3A_377] : memref<10000x128xf32, #tpu.memory_space<vmem_shared>> -> memref<8x128xf32, #tpu.memory_space<vmem_shared>>
      tpu.enqueue_dma source(%arg17 : memref<8x128xf32, #tpu.memory_space<vmem>>) target(%dma_start3A_378 : memref<8x128xf32, #tpu.memory_space<vmem_shared>>) target_semaphore(%run_scoped3A : memref<!tpu.dma_semaphore, #tpu.memory_space<semaphore_mem>>)
      %dma_wait3A_379 = arith.constant 0 : i32
      %dma_wait3A_380 = tpu.memref_slice %arg18[%add3A_118, %dma_wait3A_379] : memref<10000x128xf32, #tpu.memory_space<vmem_shared>> -> memref<8x128xf32, #tpu.memory_space<vmem_shared>>
      %dma_wait3A_381 = arith.constant 0 : i32
      %dma_wait3A_382 = tpu.memref_slice %arg18[%add3A_118, %dma_wait3A_381] : memref<10000x128xf32, #tpu.memory_space<vmem_shared>> -> memref<8x128xf32, #tpu.memory_space<vmem_shared>>
      tpu.wait_dma2 semaphore(%run_scoped3A : memref<!tpu.dma_semaphore, #tpu.memory_space<semaphore_mem>>) src(%arg17 : memref<8x128xf32, #tpu.memory_space<vmem>>) dst(%dma_wait3A_382 : memref<8x128xf32, #tpu.memory_space<vmem_shared>>)
      tpu.yield
    }) : () -> ()
    %mul3A_119 = arith.constant 624 : i32
    %mul3A_120 = arith.muli %arg1, %mul3A_119 : i32
    %add3A_121 = arith.constant 224 : i32
    %add3A_122 = arith.addi %mul3A_120, %add3A_121 : i32
    "tpu.region"() ({
      %run_scoped3A = tpu.sem_alloc : memref<!tpu.dma_semaphore, #tpu.memory_space<semaphore_mem>>
      %dma_start3A_375 = arith.constant 0 : i32
      %dma_start3A_376 = tpu.memref_slice %arg18[%add3A_122, %dma_start3A_375] : memref<10000x128xf32, #tpu.memory_space<vmem_shared>> -> memref<8x128xf32, #tpu.memory_space<vmem_shared>>
      %dma_start3A_377 = arith.constant 0 : i32
      %dma_start3A_378 = tpu.memref_slice %arg18[%add3A_122, %dma_start3A_377] : memref<10000x128xf32, #tpu.memory_space<vmem_shared>> -> memref<8x128xf32, #tpu.memory_space<vmem_shared>>
      tpu.enqueue_dma source(%arg17 : memref<8x128xf32, #tpu.memory_space<vmem>>) target(%dma_start3A_378 : memref<8x128xf32, #tpu.memory_space<vmem_shared>>) target_semaphore(%run_scoped3A : memref<!tpu.dma_semaphore, #tpu.memory_space<semaphore_mem>>)
      %dma_wait3A_379 = arith.constant 0 : i32
      %dma_wait3A_380 = tpu.memref_slice %arg18[%add3A_122, %dma_wait3A_379] : memref<10000x128xf32, #tpu.memory_space<vmem_shared>> -> memref<8x128xf32, #tpu.memory_space<vmem_shared>>
      %dma_wait3A_381 = arith.constant 0 : i32
      %dma_wait3A_382 = tpu.memref_slice %arg18[%add3A_122, %dma_wait3A_381] : memref<10000x128xf32, #tpu.memory_space<vmem_shared>> -> memref<8x128xf32, #tpu.memory_space<vmem_shared>>
      tpu.wait_dma2 semaphore(%run_scoped3A : memref<!tpu.dma_semaphore, #tpu.memory_space<semaphore_mem>>) src(%arg17 : memref<8x128xf32, #tpu.memory_space<vmem>>) dst(%dma_wait3A_382 : memref<8x128xf32, #tpu.memory_space<vmem_shared>>)
      tpu.yield
    }) : () -> ()
    %mul3A_123 = arith.constant 624 : i32
    %mul3A_124 = arith.muli %arg1, %mul3A_123 : i32
    %add3A_125 = arith.constant 232 : i32
    %add3A_126 = arith.addi %mul3A_124, %add3A_125 : i32
    "tpu.region"() ({
      %run_scoped3A = tpu.sem_alloc : memref<!tpu.dma_semaphore, #tpu.memory_space<semaphore_mem>>
      %dma_start3A_375 = arith.constant 0 : i32
      %dma_start3A_376 = tpu.memref_slice %arg18[%add3A_126, %dma_start3A_375] : memref<10000x128xf32, #tpu.memory_space<vmem_shared>> -> memref<8x128xf32, #tpu.memory_space<vmem_shared>>
      %dma_start3A_377 = arith.constant 0 : i32
      %dma_start3A_378 = tpu.memref_slice %arg18[%add3A_126, %dma_start3A_377] : memref<10000x128xf32, #tpu.memory_space<vmem_shared>> -> memref<8x128xf32, #tpu.memory_space<vmem_shared>>
      tpu.enqueue_dma source(%arg17 : memref<8x128xf32, #tpu.memory_space<vmem>>) target(%dma_start3A_378 : memref<8x128xf32, #tpu.memory_space<vmem_shared>>) target_semaphore(%run_scoped3A : memref<!tpu.dma_semaphore, #tpu.memory_space<semaphore_mem>>)
      %dma_wait3A_379 = arith.constant 0 : i32
      %dma_wait3A_380 = tpu.memref_slice %arg18[%add3A_126, %dma_wait3A_379] : memref<10000x128xf32, #tpu.memory_space<vmem_shared>> -> memref<8x128xf32, #tpu.memory_space<vmem_shared>>
      %dma_wait3A_381 = arith.constant 0 : i32
      %dma_wait3A_382 = tpu.memref_slice %arg18[%add3A_126, %dma_wait3A_381] : memref<10000x128xf32, #tpu.memory_space<vmem_shared>> -> memref<8x128xf32, #tpu.memory_space<vmem_shared>>
      tpu.wait_dma2 semaphore(%run_scoped3A : memref<!tpu.dma_semaphore, #tpu.memory_space<semaphore_mem>>) src(%arg17 : memref<8x128xf32, #tpu.memory_space<vmem>>) dst(%dma_wait3A_382 : memref<8x128xf32, #tpu.memory_space<vmem_shared>>)
      tpu.yield
    }) : () -> ()
    %mul3A_127 = arith.constant 624 : i32
    %mul3A_128 = arith.muli %arg1, %mul3A_127 : i32
    %add3A_129 = arith.constant 240 : i32
    %add3A_130 = arith.addi %mul3A_128, %add3A_129 : i32
    "tpu.region"() ({
      %run_scoped3A = tpu.sem_alloc : memref<!tpu.dma_semaphore, #tpu.memory_space<semaphore_mem>>
      %dma_start3A_375 = arith.constant 0 : i32
      %dma_start3A_376 = tpu.memref_slice %arg18[%add3A_130, %dma_start3A_375] : memref<10000x128xf32, #tpu.memory_space<vmem_shared>> -> memref<8x128xf32, #tpu.memory_space<vmem_shared>>
      %dma_start3A_377 = arith.constant 0 : i32
      %dma_start3A_378 = tpu.memref_slice %arg18[%add3A_130, %dma_start3A_377] : memref<10000x128xf32, #tpu.memory_space<vmem_shared>> -> memref<8x128xf32, #tpu.memory_space<vmem_shared>>
      tpu.enqueue_dma source(%arg17 : memref<8x128xf32, #tpu.memory_space<vmem>>) target(%dma_start3A_378 : memref<8x128xf32, #tpu.memory_space<vmem_shared>>) target_semaphore(%run_scoped3A : memref<!tpu.dma_semaphore, #tpu.memory_space<semaphore_mem>>)
      %dma_wait3A_379 = arith.constant 0 : i32
      %dma_wait3A_380 = tpu.memref_slice %arg18[%add3A_130, %dma_wait3A_379] : memref<10000x128xf32, #tpu.memory_space<vmem_shared>> -> memref<8x128xf32, #tpu.memory_space<vmem_shared>>
      %dma_wait3A_381 = arith.constant 0 : i32
      %dma_wait3A_382 = tpu.memref_slice %arg18[%add3A_130, %dma_wait3A_381] : memref<10000x128xf32, #tpu.memory_space<vmem_shared>> -> memref<8x128xf32, #tpu.memory_space<vmem_shared>>
      tpu.wait_dma2 semaphore(%run_scoped3A : memref<!tpu.dma_semaphore, #tpu.memory_space<semaphore_mem>>) src(%arg17 : memref<8x128xf32, #tpu.memory_space<vmem>>) dst(%dma_wait3A_382 : memref<8x128xf32, #tpu.memory_space<vmem_shared>>)
      tpu.yield
    }) : () -> ()
    %mul3A_131 = arith.constant 624 : i32
    %mul3A_132 = arith.muli %arg1, %mul3A_131 : i32
    %add3A_133 = arith.constant 248 : i32
    %add3A_134 = arith.addi %mul3A_132, %add3A_133 : i32
    "tpu.region"() ({
      %run_scoped3A = tpu.sem_alloc : memref<!tpu.dma_semaphore, #tpu.memory_space<semaphore_mem>>
      %dma_start3A_375 = arith.constant 0 : i32
      %dma_start3A_376 = tpu.memref_slice %arg18[%add3A_134, %dma_start3A_375] : memref<10000x128xf32, #tpu.memory_space<vmem_shared>> -> memref<8x128xf32, #tpu.memory_space<vmem_shared>>
      %dma_start3A_377 = arith.constant 0 : i32
      %dma_start3A_378 = tpu.memref_slice %arg18[%add3A_134, %dma_start3A_377] : memref<10000x128xf32, #tpu.memory_space<vmem_shared>> -> memref<8x128xf32, #tpu.memory_space<vmem_shared>>
      tpu.enqueue_dma source(%arg17 : memref<8x128xf32, #tpu.memory_space<vmem>>) target(%dma_start3A_378 : memref<8x128xf32, #tpu.memory_space<vmem_shared>>) target_semaphore(%run_scoped3A : memref<!tpu.dma_semaphore, #tpu.memory_space<semaphore_mem>>)
      %dma_wait3A_379 = arith.constant 0 : i32
      %dma_wait3A_380 = tpu.memref_slice %arg18[%add3A_134, %dma_wait3A_379] : memref<10000x128xf32, #tpu.memory_space<vmem_shared>> -> memref<8x128xf32, #tpu.memory_space<vmem_shared>>
      %dma_wait3A_381 = arith.constant 0 : i32
      %dma_wait3A_382 = tpu.memref_slice %arg18[%add3A_134, %dma_wait3A_381] : memref<10000x128xf32, #tpu.memory_space<vmem_shared>> -> memref<8x128xf32, #tpu.memory_space<vmem_shared>>
      tpu.wait_dma2 semaphore(%run_scoped3A : memref<!tpu.dma_semaphore, #tpu.memory_space<semaphore_mem>>) src(%arg17 : memref<8x128xf32, #tpu.memory_space<vmem>>) dst(%dma_wait3A_382 : memref<8x128xf32, #tpu.memory_space<vmem_shared>>)
      tpu.yield
    }) : () -> ()
    %mul3A_135 = arith.constant 624 : i32
    %mul3A_136 = arith.muli %arg1, %mul3A_135 : i32
    %add3A_137 = arith.constant 256 : i32
    %add3A_138 = arith.addi %mul3A_136, %add3A_137 : i32
    "tpu.region"() ({
      %run_scoped3A = tpu.sem_alloc : memref<!tpu.dma_semaphore, #tpu.memory_space<semaphore_mem>>
      %dma_start3A_375 = arith.constant 0 : i32
      %dma_start3A_376 = tpu.memref_slice %arg18[%add3A_138, %dma_start3A_375] : memref<10000x128xf32, #tpu.memory_space<vmem_shared>> -> memref<8x128xf32, #tpu.memory_space<vmem_shared>>
      %dma_start3A_377 = arith.constant 0 : i32
      %dma_start3A_378 = tpu.memref_slice %arg18[%add3A_138, %dma_start3A_377] : memref<10000x128xf32, #tpu.memory_space<vmem_shared>> -> memref<8x128xf32, #tpu.memory_space<vmem_shared>>
      tpu.enqueue_dma source(%arg17 : memref<8x128xf32, #tpu.memory_space<vmem>>) target(%dma_start3A_378 : memref<8x128xf32, #tpu.memory_space<vmem_shared>>) target_semaphore(%run_scoped3A : memref<!tpu.dma_semaphore, #tpu.memory_space<semaphore_mem>>)
      %dma_wait3A_379 = arith.constant 0 : i32
      %dma_wait3A_380 = tpu.memref_slice %arg18[%add3A_138, %dma_wait3A_379] : memref<10000x128xf32, #tpu.memory_space<vmem_shared>> -> memref<8x128xf32, #tpu.memory_space<vmem_shared>>
      %dma_wait3A_381 = arith.constant 0 : i32
      %dma_wait3A_382 = tpu.memref_slice %arg18[%add3A_138, %dma_wait3A_381] : memref<10000x128xf32, #tpu.memory_space<vmem_shared>> -> memref<8x128xf32, #tpu.memory_space<vmem_shared>>
      tpu.wait_dma2 semaphore(%run_scoped3A : memref<!tpu.dma_semaphore, #tpu.memory_space<semaphore_mem>>) src(%arg17 : memref<8x128xf32, #tpu.memory_space<vmem>>) dst(%dma_wait3A_382 : memref<8x128xf32, #tpu.memory_space<vmem_shared>>)
      tpu.yield
    }) : () -> ()
    %mul3A_139 = arith.constant 624 : i32
    %mul3A_140 = arith.muli %arg1, %mul3A_139 : i32
    %add3A_141 = arith.constant 264 : i32
    %add3A_142 = arith.addi %mul3A_140, %add3A_141 : i32
    "tpu.region"() ({
      %run_scoped3A = tpu.sem_alloc : memref<!tpu.dma_semaphore, #tpu.memory_space<semaphore_mem>>
      %dma_start3A_375 = arith.constant 0 : i32
      %dma_start3A_376 = tpu.memref_slice %arg18[%add3A_142, %dma_start3A_375] : memref<10000x128xf32, #tpu.memory_space<vmem_shared>> -> memref<8x128xf32, #tpu.memory_space<vmem_shared>>
      %dma_start3A_377 = arith.constant 0 : i32
      %dma_start3A_378 = tpu.memref_slice %arg18[%add3A_142, %dma_start3A_377] : memref<10000x128xf32, #tpu.memory_space<vmem_shared>> -> memref<8x128xf32, #tpu.memory_space<vmem_shared>>
      tpu.enqueue_dma source(%arg17 : memref<8x128xf32, #tpu.memory_space<vmem>>) target(%dma_start3A_378 : memref<8x128xf32, #tpu.memory_space<vmem_shared>>) target_semaphore(%run_scoped3A : memref<!tpu.dma_semaphore, #tpu.memory_space<semaphore_mem>>)
      %dma_wait3A_379 = arith.constant 0 : i32
      %dma_wait3A_380 = tpu.memref_slice %arg18[%add3A_142, %dma_wait3A_379] : memref<10000x128xf32, #tpu.memory_space<vmem_shared>> -> memref<8x128xf32, #tpu.memory_space<vmem_shared>>
      %dma_wait3A_381 = arith.constant 0 : i32
      %dma_wait3A_382 = tpu.memref_slice %arg18[%add3A_142, %dma_wait3A_381] : memref<10000x128xf32, #tpu.memory_space<vmem_shared>> -> memref<8x128xf32, #tpu.memory_space<vmem_shared>>
      tpu.wait_dma2 semaphore(%run_scoped3A : memref<!tpu.dma_semaphore, #tpu.memory_space<semaphore_mem>>) src(%arg17 : memref<8x128xf32, #tpu.memory_space<vmem>>) dst(%dma_wait3A_382 : memref<8x128xf32, #tpu.memory_space<vmem_shared>>)
      tpu.yield
    }) : () -> ()
    %mul3A_143 = arith.constant 624 : i32
    %mul3A_144 = arith.muli %arg1, %mul3A_143 : i32
    %add3A_145 = arith.constant 272 : i32
    %add3A_146 = arith.addi %mul3A_144, %add3A_145 : i32
    "tpu.region"() ({
      %run_scoped3A = tpu.sem_alloc : memref<!tpu.dma_semaphore, #tpu.memory_space<semaphore_mem>>
      %dma_start3A_375 = arith.constant 0 : i32
      %dma_start3A_376 = tpu.memref_slice %arg18[%add3A_146, %dma_start3A_375] : memref<10000x128xf32, #tpu.memory_space<vmem_shared>> -> memref<8x128xf32, #tpu.memory_space<vmem_shared>>
      %dma_start3A_377 = arith.constant 0 : i32
      %dma_start3A_378 = tpu.memref_slice %arg18[%add3A_146, %dma_start3A_377] : memref<10000x128xf32, #tpu.memory_space<vmem_shared>> -> memref<8x128xf32, #tpu.memory_space<vmem_shared>>
      tpu.enqueue_dma source(%arg17 : memref<8x128xf32, #tpu.memory_space<vmem>>) target(%dma_start3A_378 : memref<8x128xf32, #tpu.memory_space<vmem_shared>>) target_semaphore(%run_scoped3A : memref<!tpu.dma_semaphore, #tpu.memory_space<semaphore_mem>>)
      %dma_wait3A_379 = arith.constant 0 : i32
      %dma_wait3A_380 = tpu.memref_slice %arg18[%add3A_146, %dma_wait3A_379] : memref<10000x128xf32, #tpu.memory_space<vmem_shared>> -> memref<8x128xf32, #tpu.memory_space<vmem_shared>>
      %dma_wait3A_381 = arith.constant 0 : i32
      %dma_wait3A_382 = tpu.memref_slice %arg18[%add3A_146, %dma_wait3A_381] : memref<10000x128xf32, #tpu.memory_space<vmem_shared>> -> memref<8x128xf32, #tpu.memory_space<vmem_shared>>
      tpu.wait_dma2 semaphore(%run_scoped3A : memref<!tpu.dma_semaphore, #tpu.memory_space<semaphore_mem>>) src(%arg17 : memref<8x128xf32, #tpu.memory_space<vmem>>) dst(%dma_wait3A_382 : memref<8x128xf32, #tpu.memory_space<vmem_shared>>)
      tpu.yield
    }) : () -> ()
    %mul3A_147 = arith.constant 624 : i32
    %mul3A_148 = arith.muli %arg1, %mul3A_147 : i32
    %add3A_149 = arith.constant 280 : i32
    %add3A_150 = arith.addi %mul3A_148, %add3A_149 : i32
    "tpu.region"() ({
      %run_scoped3A = tpu.sem_alloc : memref<!tpu.dma_semaphore, #tpu.memory_space<semaphore_mem>>
      %dma_start3A_375 = arith.constant 0 : i32
      %dma_start3A_376 = tpu.memref_slice %arg18[%add3A_150, %dma_start3A_375] : memref<10000x128xf32, #tpu.memory_space<vmem_shared>> -> memref<8x128xf32, #tpu.memory_space<vmem_shared>>
      %dma_start3A_377 = arith.constant 0 : i32
      %dma_start3A_378 = tpu.memref_slice %arg18[%add3A_150, %dma_start3A_377] : memref<10000x128xf32, #tpu.memory_space<vmem_shared>> -> memref<8x128xf32, #tpu.memory_space<vmem_shared>>
      tpu.enqueue_dma source(%arg17 : memref<8x128xf32, #tpu.memory_space<vmem>>) target(%dma_start3A_378 : memref<8x128xf32, #tpu.memory_space<vmem_shared>>) target_semaphore(%run_scoped3A : memref<!tpu.dma_semaphore, #tpu.memory_space<semaphore_mem>>)
      %dma_wait3A_379 = arith.constant 0 : i32
      %dma_wait3A_380 = tpu.memref_slice %arg18[%add3A_150, %dma_wait3A_379] : memref<10000x128xf32, #tpu.memory_space<vmem_shared>> -> memref<8x128xf32, #tpu.memory_space<vmem_shared>>
      %dma_wait3A_381 = arith.constant 0 : i32
      %dma_wait3A_382 = tpu.memref_slice %arg18[%add3A_150, %dma_wait3A_381] : memref<10000x128xf32, #tpu.memory_space<vmem_shared>> -> memref<8x128xf32, #tpu.memory_space<vmem_shared>>
      tpu.wait_dma2 semaphore(%run_scoped3A : memref<!tpu.dma_semaphore, #tpu.memory_space<semaphore_mem>>) src(%arg17 : memref<8x128xf32, #tpu.memory_space<vmem>>) dst(%dma_wait3A_382 : memref<8x128xf32, #tpu.memory_space<vmem_shared>>)
      tpu.yield
    }) : () -> ()
    %mul3A_151 = arith.constant 624 : i32
    %mul3A_152 = arith.muli %arg1, %mul3A_151 : i32
    %add3A_153 = arith.constant 288 : i32
    %add3A_154 = arith.addi %mul3A_152, %add3A_153 : i32
    "tpu.region"() ({
      %run_scoped3A = tpu.sem_alloc : memref<!tpu.dma_semaphore, #tpu.memory_space<semaphore_mem>>
      %dma_start3A_375 = arith.constant 0 : i32
      %dma_start3A_376 = tpu.memref_slice %arg18[%add3A_154, %dma_start3A_375] : memref<10000x128xf32, #tpu.memory_space<vmem_shared>> -> memref<8x128xf32, #tpu.memory_space<vmem_shared>>
      %dma_start3A_377 = arith.constant 0 : i32
      %dma_start3A_378 = tpu.memref_slice %arg18[%add3A_154, %dma_start3A_377] : memref<10000x128xf32, #tpu.memory_space<vmem_shared>> -> memref<8x128xf32, #tpu.memory_space<vmem_shared>>
      tpu.enqueue_dma source(%arg17 : memref<8x128xf32, #tpu.memory_space<vmem>>) target(%dma_start3A_378 : memref<8x128xf32, #tpu.memory_space<vmem_shared>>) target_semaphore(%run_scoped3A : memref<!tpu.dma_semaphore, #tpu.memory_space<semaphore_mem>>)
      %dma_wait3A_379 = arith.constant 0 : i32
      %dma_wait3A_380 = tpu.memref_slice %arg18[%add3A_154, %dma_wait3A_379] : memref<10000x128xf32, #tpu.memory_space<vmem_shared>> -> memref<8x128xf32, #tpu.memory_space<vmem_shared>>
      %dma_wait3A_381 = arith.constant 0 : i32
      %dma_wait3A_382 = tpu.memref_slice %arg18[%add3A_154, %dma_wait3A_381] : memref<10000x128xf32, #tpu.memory_space<vmem_shared>> -> memref<8x128xf32, #tpu.memory_space<vmem_shared>>
      tpu.wait_dma2 semaphore(%run_scoped3A : memref<!tpu.dma_semaphore, #tpu.memory_space<semaphore_mem>>) src(%arg17 : memref<8x128xf32, #tpu.memory_space<vmem>>) dst(%dma_wait3A_382 : memref<8x128xf32, #tpu.memory_space<vmem_shared>>)
      tpu.yield
    }) : () -> ()
    %mul3A_155 = arith.constant 624 : i32
    %mul3A_156 = arith.muli %arg1, %mul3A_155 : i32
    %add3A_157 = arith.constant 296 : i32
    %add3A_158 = arith.addi %mul3A_156, %add3A_157 : i32
    "tpu.region"() ({
      %run_scoped3A = tpu.sem_alloc : memref<!tpu.dma_semaphore, #tpu.memory_space<semaphore_mem>>
      %dma_start3A_375 = arith.constant 0 : i32
      %dma_start3A_376 = tpu.memref_slice %arg18[%add3A_158, %dma_start3A_375] : memref<10000x128xf32, #tpu.memory_space<vmem_shared>> -> memref<8x128xf32, #tpu.memory_space<vmem_shared>>
      %dma_start3A_377 = arith.constant 0 : i32
      %dma_start3A_378 = tpu.memref_slice %arg18[%add3A_158, %dma_start3A_377] : memref<10000x128xf32, #tpu.memory_space<vmem_shared>> -> memref<8x128xf32, #tpu.memory_space<vmem_shared>>
      tpu.enqueue_dma source(%arg17 : memref<8x128xf32, #tpu.memory_space<vmem>>) target(%dma_start3A_378 : memref<8x128xf32, #tpu.memory_space<vmem_shared>>) target_semaphore(%run_scoped3A : memref<!tpu.dma_semaphore, #tpu.memory_space<semaphore_mem>>)
      %dma_wait3A_379 = arith.constant 0 : i32
      %dma_wait3A_380 = tpu.memref_slice %arg18[%add3A_158, %dma_wait3A_379] : memref<10000x128xf32, #tpu.memory_space<vmem_shared>> -> memref<8x128xf32, #tpu.memory_space<vmem_shared>>
      %dma_wait3A_381 = arith.constant 0 : i32
      %dma_wait3A_382 = tpu.memref_slice %arg18[%add3A_158, %dma_wait3A_381] : memref<10000x128xf32, #tpu.memory_space<vmem_shared>> -> memref<8x128xf32, #tpu.memory_space<vmem_shared>>
      tpu.wait_dma2 semaphore(%run_scoped3A : memref<!tpu.dma_semaphore, #tpu.memory_space<semaphore_mem>>) src(%arg17 : memref<8x128xf32, #tpu.memory_space<vmem>>) dst(%dma_wait3A_382 : memref<8x128xf32, #tpu.memory_space<vmem_shared>>)
      tpu.yield
    }) : () -> ()
    %mul3A_159 = arith.constant 624 : i32
    %mul3A_160 = arith.muli %arg1, %mul3A_159 : i32
    %add3A_161 = arith.constant 304 : i32
    %add3A_162 = arith.addi %mul3A_160, %add3A_161 : i32
    "tpu.region"() ({
      %run_scoped3A = tpu.sem_alloc : memref<!tpu.dma_semaphore, #tpu.memory_space<semaphore_mem>>
      %dma_start3A_375 = arith.constant 0 : i32
      %dma_start3A_376 = tpu.memref_slice %arg18[%add3A_162, %dma_start3A_375] : memref<10000x128xf32, #tpu.memory_space<vmem_shared>> -> memref<8x128xf32, #tpu.memory_space<vmem_shared>>
      %dma_start3A_377 = arith.constant 0 : i32
      %dma_start3A_378 = tpu.memref_slice %arg18[%add3A_162, %dma_start3A_377] : memref<10000x128xf32, #tpu.memory_space<vmem_shared>> -> memref<8x128xf32, #tpu.memory_space<vmem_shared>>
      tpu.enqueue_dma source(%arg17 : memref<8x128xf32, #tpu.memory_space<vmem>>) target(%dma_start3A_378 : memref<8x128xf32, #tpu.memory_space<vmem_shared>>) target_semaphore(%run_scoped3A : memref<!tpu.dma_semaphore, #tpu.memory_space<semaphore_mem>>)
      %dma_wait3A_379 = arith.constant 0 : i32
      %dma_wait3A_380 = tpu.memref_slice %arg18[%add3A_162, %dma_wait3A_379] : memref<10000x128xf32, #tpu.memory_space<vmem_shared>> -> memref<8x128xf32, #tpu.memory_space<vmem_shared>>
      %dma_wait3A_381 = arith.constant 0 : i32
      %dma_wait3A_382 = tpu.memref_slice %arg18[%add3A_162, %dma_wait3A_381] : memref<10000x128xf32, #tpu.memory_space<vmem_shared>> -> memref<8x128xf32, #tpu.memory_space<vmem_shared>>
      tpu.wait_dma2 semaphore(%run_scoped3A : memref<!tpu.dma_semaphore, #tpu.memory_space<semaphore_mem>>) src(%arg17 : memref<8x128xf32, #tpu.memory_space<vmem>>) dst(%dma_wait3A_382 : memref<8x128xf32, #tpu.memory_space<vmem_shared>>)
      tpu.yield
    }) : () -> ()
    %mul3A_163 = arith.constant 624 : i32
    %mul3A_164 = arith.muli %arg1, %mul3A_163 : i32
    %add3A_165 = arith.constant 312 : i32
    %add3A_166 = arith.addi %mul3A_164, %add3A_165 : i32
    "tpu.region"() ({
      %run_scoped3A = tpu.sem_alloc : memref<!tpu.dma_semaphore, #tpu.memory_space<semaphore_mem>>
      %dma_start3A_375 = arith.constant 0 : i32
      %dma_start3A_376 = tpu.memref_slice %arg18[%add3A_166, %dma_start3A_375] : memref<10000x128xf32, #tpu.memory_space<vmem_shared>> -> memref<8x128xf32, #tpu.memory_space<vmem_shared>>
      %dma_start3A_377 = arith.constant 0 : i32
      %dma_start3A_378 = tpu.memref_slice %arg18[%add3A_166, %dma_start3A_377] : memref<10000x128xf32, #tpu.memory_space<vmem_shared>> -> memref<8x128xf32, #tpu.memory_space<vmem_shared>>
      tpu.enqueue_dma source(%arg17 : memref<8x128xf32, #tpu.memory_space<vmem>>) target(%dma_start3A_378 : memref<8x128xf32, #tpu.memory_space<vmem_shared>>) target_semaphore(%run_scoped3A : memref<!tpu.dma_semaphore, #tpu.memory_space<semaphore_mem>>)
      %dma_wait3A_379 = arith.constant 0 : i32
      %dma_wait3A_380 = tpu.memref_slice %arg18[%add3A_166, %dma_wait3A_379] : memref<10000x128xf32, #tpu.memory_space<vmem_shared>> -> memref<8x128xf32, #tpu.memory_space<vmem_shared>>
      %dma_wait3A_381 = arith.constant 0 : i32
      %dma_wait3A_382 = tpu.memref_slice %arg18[%add3A_166, %dma_wait3A_381] : memref<10000x128xf32, #tpu.memory_space<vmem_shared>> -> memref<8x128xf32, #tpu.memory_space<vmem_shared>>
      tpu.wait_dma2 semaphore(%run_scoped3A : memref<!tpu.dma_semaphore, #tpu.memory_space<semaphore_mem>>) src(%arg17 : memref<8x128xf32, #tpu.memory_space<vmem>>) dst(%dma_wait3A_382 : memref<8x128xf32, #tpu.memory_space<vmem_shared>>)
      tpu.yield
    }) : () -> ()
    %mul3A_167 = arith.constant 624 : i32
    %mul3A_168 = arith.muli %arg1, %mul3A_167 : i32
    %add3A_169 = arith.constant 320 : i32
    %add3A_170 = arith.addi %mul3A_168, %add3A_169 : i32
    "tpu.region"() ({
      %run_scoped3A = tpu.sem_alloc : memref<!tpu.dma_semaphore, #tpu.memory_space<semaphore_mem>>
      %dma_start3A_375 = arith.constant 0 : i32
      %dma_start3A_376 = tpu.memref_slice %arg18[%add3A_170, %dma_start3A_375] : memref<10000x128xf32, #tpu.memory_space<vmem_shared>> -> memref<8x128xf32, #tpu.memory_space<vmem_shared>>
      %dma_start3A_377 = arith.constant 0 : i32
      %dma_start3A_378 = tpu.memref_slice %arg18[%add3A_170, %dma_start3A_377] : memref<10000x128xf32, #tpu.memory_space<vmem_shared>> -> memref<8x128xf32, #tpu.memory_space<vmem_shared>>
      tpu.enqueue_dma source(%arg17 : memref<8x128xf32, #tpu.memory_space<vmem>>) target(%dma_start3A_378 : memref<8x128xf32, #tpu.memory_space<vmem_shared>>) target_semaphore(%run_scoped3A : memref<!tpu.dma_semaphore, #tpu.memory_space<semaphore_mem>>)
      %dma_wait3A_379 = arith.constant 0 : i32
      %dma_wait3A_380 = tpu.memref_slice %arg18[%add3A_170, %dma_wait3A_379] : memref<10000x128xf32, #tpu.memory_space<vmem_shared>> -> memref<8x128xf32, #tpu.memory_space<vmem_shared>>
      %dma_wait3A_381 = arith.constant 0 : i32
      %dma_wait3A_382 = tpu.memref_slice %arg18[%add3A_170, %dma_wait3A_381] : memref<10000x128xf32, #tpu.memory_space<vmem_shared>> -> memref<8x128xf32, #tpu.memory_space<vmem_shared>>
      tpu.wait_dma2 semaphore(%run_scoped3A : memref<!tpu.dma_semaphore, #tpu.memory_space<semaphore_mem>>) src(%arg17 : memref<8x128xf32, #tpu.memory_space<vmem>>) dst(%dma_wait3A_382 : memref<8x128xf32, #tpu.memory_space<vmem_shared>>)
      tpu.yield
    }) : () -> ()
    %mul3A_171 = arith.constant 624 : i32
    %mul3A_172 = arith.muli %arg1, %mul3A_171 : i32
    %add3A_173 = arith.constant 328 : i32
    %add3A_174 = arith.addi %mul3A_172, %add3A_173 : i32
    "tpu.region"() ({
      %run_scoped3A = tpu.sem_alloc : memref<!tpu.dma_semaphore, #tpu.memory_space<semaphore_mem>>
      %dma_start3A_375 = arith.constant 0 : i32
      %dma_start3A_376 = tpu.memref_slice %arg18[%add3A_174, %dma_start3A_375] : memref<10000x128xf32, #tpu.memory_space<vmem_shared>> -> memref<8x128xf32, #tpu.memory_space<vmem_shared>>
      %dma_start3A_377 = arith.constant 0 : i32
      %dma_start3A_378 = tpu.memref_slice %arg18[%add3A_174, %dma_start3A_377] : memref<10000x128xf32, #tpu.memory_space<vmem_shared>> -> memref<8x128xf32, #tpu.memory_space<vmem_shared>>
      tpu.enqueue_dma source(%arg17 : memref<8x128xf32, #tpu.memory_space<vmem>>) target(%dma_start3A_378 : memref<8x128xf32, #tpu.memory_space<vmem_shared>>) target_semaphore(%run_scoped3A : memref<!tpu.dma_semaphore, #tpu.memory_space<semaphore_mem>>)
      %dma_wait3A_379 = arith.constant 0 : i32
      %dma_wait3A_380 = tpu.memref_slice %arg18[%add3A_174, %dma_wait3A_379] : memref<10000x128xf32, #tpu.memory_space<vmem_shared>> -> memref<8x128xf32, #tpu.memory_space<vmem_shared>>
      %dma_wait3A_381 = arith.constant 0 : i32
      %dma_wait3A_382 = tpu.memref_slice %arg18[%add3A_174, %dma_wait3A_381] : memref<10000x128xf32, #tpu.memory_space<vmem_shared>> -> memref<8x128xf32, #tpu.memory_space<vmem_shared>>
      tpu.wait_dma2 semaphore(%run_scoped3A : memref<!tpu.dma_semaphore, #tpu.memory_space<semaphore_mem>>) src(%arg17 : memref<8x128xf32, #tpu.memory_space<vmem>>) dst(%dma_wait3A_382 : memref<8x128xf32, #tpu.memory_space<vmem_shared>>)
      tpu.yield
    }) : () -> ()
    %mul3A_175 = arith.constant 624 : i32
    %mul3A_176 = arith.muli %arg1, %mul3A_175 : i32
    %add3A_177 = arith.constant 336 : i32
    %add3A_178 = arith.addi %mul3A_176, %add3A_177 : i32
    "tpu.region"() ({
      %run_scoped3A = tpu.sem_alloc : memref<!tpu.dma_semaphore, #tpu.memory_space<semaphore_mem>>
      %dma_start3A_375 = arith.constant 0 : i32
      %dma_start3A_376 = tpu.memref_slice %arg18[%add3A_178, %dma_start3A_375] : memref<10000x128xf32, #tpu.memory_space<vmem_shared>> -> memref<8x128xf32, #tpu.memory_space<vmem_shared>>
      %dma_start3A_377 = arith.constant 0 : i32
      %dma_start3A_378 = tpu.memref_slice %arg18[%add3A_178, %dma_start3A_377] : memref<10000x128xf32, #tpu.memory_space<vmem_shared>> -> memref<8x128xf32, #tpu.memory_space<vmem_shared>>
      tpu.enqueue_dma source(%arg17 : memref<8x128xf32, #tpu.memory_space<vmem>>) target(%dma_start3A_378 : memref<8x128xf32, #tpu.memory_space<vmem_shared>>) target_semaphore(%run_scoped3A : memref<!tpu.dma_semaphore, #tpu.memory_space<semaphore_mem>>)
      %dma_wait3A_379 = arith.constant 0 : i32
      %dma_wait3A_380 = tpu.memref_slice %arg18[%add3A_178, %dma_wait3A_379] : memref<10000x128xf32, #tpu.memory_space<vmem_shared>> -> memref<8x128xf32, #tpu.memory_space<vmem_shared>>
      %dma_wait3A_381 = arith.constant 0 : i32
      %dma_wait3A_382 = tpu.memref_slice %arg18[%add3A_178, %dma_wait3A_381] : memref<10000x128xf32, #tpu.memory_space<vmem_shared>> -> memref<8x128xf32, #tpu.memory_space<vmem_shared>>
      tpu.wait_dma2 semaphore(%run_scoped3A : memref<!tpu.dma_semaphore, #tpu.memory_space<semaphore_mem>>) src(%arg17 : memref<8x128xf32, #tpu.memory_space<vmem>>) dst(%dma_wait3A_382 : memref<8x128xf32, #tpu.memory_space<vmem_shared>>)
      tpu.yield
    }) : () -> ()
    %mul3A_179 = arith.constant 624 : i32
    %mul3A_180 = arith.muli %arg1, %mul3A_179 : i32
    %add3A_181 = arith.constant 344 : i32
    %add3A_182 = arith.addi %mul3A_180, %add3A_181 : i32
    "tpu.region"() ({
      %run_scoped3A = tpu.sem_alloc : memref<!tpu.dma_semaphore, #tpu.memory_space<semaphore_mem>>
      %dma_start3A_375 = arith.constant 0 : i32
      %dma_start3A_376 = tpu.memref_slice %arg18[%add3A_182, %dma_start3A_375] : memref<10000x128xf32, #tpu.memory_space<vmem_shared>> -> memref<8x128xf32, #tpu.memory_space<vmem_shared>>
      %dma_start3A_377 = arith.constant 0 : i32
      %dma_start3A_378 = tpu.memref_slice %arg18[%add3A_182, %dma_start3A_377] : memref<10000x128xf32, #tpu.memory_space<vmem_shared>> -> memref<8x128xf32, #tpu.memory_space<vmem_shared>>
      tpu.enqueue_dma source(%arg17 : memref<8x128xf32, #tpu.memory_space<vmem>>) target(%dma_start3A_378 : memref<8x128xf32, #tpu.memory_space<vmem_shared>>) target_semaphore(%run_scoped3A : memref<!tpu.dma_semaphore, #tpu.memory_space<semaphore_mem>>)
      %dma_wait3A_379 = arith.constant 0 : i32
      %dma_wait3A_380 = tpu.memref_slice %arg18[%add3A_182, %dma_wait3A_379] : memref<10000x128xf32, #tpu.memory_space<vmem_shared>> -> memref<8x128xf32, #tpu.memory_space<vmem_shared>>
      %dma_wait3A_381 = arith.constant 0 : i32
      %dma_wait3A_382 = tpu.memref_slice %arg18[%add3A_182, %dma_wait3A_381] : memref<10000x128xf32, #tpu.memory_space<vmem_shared>> -> memref<8x128xf32, #tpu.memory_space<vmem_shared>>
      tpu.wait_dma2 semaphore(%run_scoped3A : memref<!tpu.dma_semaphore, #tpu.memory_space<semaphore_mem>>) src(%arg17 : memref<8x128xf32, #tpu.memory_space<vmem>>) dst(%dma_wait3A_382 : memref<8x128xf32, #tpu.memory_space<vmem_shared>>)
      tpu.yield
    }) : () -> ()
    %mul3A_183 = arith.constant 624 : i32
    %mul3A_184 = arith.muli %arg1, %mul3A_183 : i32
    %add3A_185 = arith.constant 352 : i32
    %add3A_186 = arith.addi %mul3A_184, %add3A_185 : i32
    "tpu.region"() ({
      %run_scoped3A = tpu.sem_alloc : memref<!tpu.dma_semaphore, #tpu.memory_space<semaphore_mem>>
      %dma_start3A_375 = arith.constant 0 : i32
      %dma_start3A_376 = tpu.memref_slice %arg18[%add3A_186, %dma_start3A_375] : memref<10000x128xf32, #tpu.memory_space<vmem_shared>> -> memref<8x128xf32, #tpu.memory_space<vmem_shared>>
      %dma_start3A_377 = arith.constant 0 : i32
      %dma_start3A_378 = tpu.memref_slice %arg18[%add3A_186, %dma_start3A_377] : memref<10000x128xf32, #tpu.memory_space<vmem_shared>> -> memref<8x128xf32, #tpu.memory_space<vmem_shared>>
      tpu.enqueue_dma source(%arg17 : memref<8x128xf32, #tpu.memory_space<vmem>>) target(%dma_start3A_378 : memref<8x128xf32, #tpu.memory_space<vmem_shared>>) target_semaphore(%run_scoped3A : memref<!tpu.dma_semaphore, #tpu.memory_space<semaphore_mem>>)
      %dma_wait3A_379 = arith.constant 0 : i32
      %dma_wait3A_380 = tpu.memref_slice %arg18[%add3A_186, %dma_wait3A_379] : memref<10000x128xf32, #tpu.memory_space<vmem_shared>> -> memref<8x128xf32, #tpu.memory_space<vmem_shared>>
      %dma_wait3A_381 = arith.constant 0 : i32
      %dma_wait3A_382 = tpu.memref_slice %arg18[%add3A_186, %dma_wait3A_381] : memref<10000x128xf32, #tpu.memory_space<vmem_shared>> -> memref<8x128xf32, #tpu.memory_space<vmem_shared>>
      tpu.wait_dma2 semaphore(%run_scoped3A : memref<!tpu.dma_semaphore, #tpu.memory_space<semaphore_mem>>) src(%arg17 : memref<8x128xf32, #tpu.memory_space<vmem>>) dst(%dma_wait3A_382 : memref<8x128xf32, #tpu.memory_space<vmem_shared>>)
      tpu.yield
    }) : () -> ()
    %mul3A_187 = arith.constant 624 : i32
    %mul3A_188 = arith.muli %arg1, %mul3A_187 : i32
    %add3A_189 = arith.constant 360 : i32
    %add3A_190 = arith.addi %mul3A_188, %add3A_189 : i32
    "tpu.region"() ({
      %run_scoped3A = tpu.sem_alloc : memref<!tpu.dma_semaphore, #tpu.memory_space<semaphore_mem>>
      %dma_start3A_375 = arith.constant 0 : i32
      %dma_start3A_376 = tpu.memref_slice %arg18[%add3A_190, %dma_start3A_375] : memref<10000x128xf32, #tpu.memory_space<vmem_shared>> -> memref<8x128xf32, #tpu.memory_space<vmem_shared>>
      %dma_start3A_377 = arith.constant 0 : i32
      %dma_start3A_378 = tpu.memref_slice %arg18[%add3A_190, %dma_start3A_377] : memref<10000x128xf32, #tpu.memory_space<vmem_shared>> -> memref<8x128xf32, #tpu.memory_space<vmem_shared>>
      tpu.enqueue_dma source(%arg17 : memref<8x128xf32, #tpu.memory_space<vmem>>) target(%dma_start3A_378 : memref<8x128xf32, #tpu.memory_space<vmem_shared>>) target_semaphore(%run_scoped3A : memref<!tpu.dma_semaphore, #tpu.memory_space<semaphore_mem>>)
      %dma_wait3A_379 = arith.constant 0 : i32
      %dma_wait3A_380 = tpu.memref_slice %arg18[%add3A_190, %dma_wait3A_379] : memref<10000x128xf32, #tpu.memory_space<vmem_shared>> -> memref<8x128xf32, #tpu.memory_space<vmem_shared>>
      %dma_wait3A_381 = arith.constant 0 : i32
      %dma_wait3A_382 = tpu.memref_slice %arg18[%add3A_190, %dma_wait3A_381] : memref<10000x128xf32, #tpu.memory_space<vmem_shared>> -> memref<8x128xf32, #tpu.memory_space<vmem_shared>>
      tpu.wait_dma2 semaphore(%run_scoped3A : memref<!tpu.dma_semaphore, #tpu.memory_space<semaphore_mem>>) src(%arg17 : memref<8x128xf32, #tpu.memory_space<vmem>>) dst(%dma_wait3A_382 : memref<8x128xf32, #tpu.memory_space<vmem_shared>>)
      tpu.yield
    }) : () -> ()
    %mul3A_191 = arith.constant 624 : i32
    %mul3A_192 = arith.muli %arg1, %mul3A_191 : i32
    %add3A_193 = arith.constant 368 : i32
    %add3A_194 = arith.addi %mul3A_192, %add3A_193 : i32
    "tpu.region"() ({
      %run_scoped3A = tpu.sem_alloc : memref<!tpu.dma_semaphore, #tpu.memory_space<semaphore_mem>>
      %dma_start3A_375 = arith.constant 0 : i32
      %dma_start3A_376 = tpu.memref_slice %arg18[%add3A_194, %dma_start3A_375] : memref<10000x128xf32, #tpu.memory_space<vmem_shared>> -> memref<8x128xf32, #tpu.memory_space<vmem_shared>>
      %dma_start3A_377 = arith.constant 0 : i32
      %dma_start3A_378 = tpu.memref_slice %arg18[%add3A_194, %dma_start3A_377] : memref<10000x128xf32, #tpu.memory_space<vmem_shared>> -> memref<8x128xf32, #tpu.memory_space<vmem_shared>>
      tpu.enqueue_dma source(%arg17 : memref<8x128xf32, #tpu.memory_space<vmem>>) target(%dma_start3A_378 : memref<8x128xf32, #tpu.memory_space<vmem_shared>>) target_semaphore(%run_scoped3A : memref<!tpu.dma_semaphore, #tpu.memory_space<semaphore_mem>>)
      %dma_wait3A_379 = arith.constant 0 : i32
      %dma_wait3A_380 = tpu.memref_slice %arg18[%add3A_194, %dma_wait3A_379] : memref<10000x128xf32, #tpu.memory_space<vmem_shared>> -> memref<8x128xf32, #tpu.memory_space<vmem_shared>>
      %dma_wait3A_381 = arith.constant 0 : i32
      %dma_wait3A_382 = tpu.memref_slice %arg18[%add3A_194, %dma_wait3A_381] : memref<10000x128xf32, #tpu.memory_space<vmem_shared>> -> memref<8x128xf32, #tpu.memory_space<vmem_shared>>
      tpu.wait_dma2 semaphore(%run_scoped3A : memref<!tpu.dma_semaphore, #tpu.memory_space<semaphore_mem>>) src(%arg17 : memref<8x128xf32, #tpu.memory_space<vmem>>) dst(%dma_wait3A_382 : memref<8x128xf32, #tpu.memory_space<vmem_shared>>)
      tpu.yield
    }) : () -> ()
    %mul3A_195 = arith.constant 624 : i32
    %mul3A_196 = arith.muli %arg1, %mul3A_195 : i32
    %add3A_197 = arith.constant 376 : i32
    %add3A_198 = arith.addi %mul3A_196, %add3A_197 : i32
    "tpu.region"() ({
      %run_scoped3A = tpu.sem_alloc : memref<!tpu.dma_semaphore, #tpu.memory_space<semaphore_mem>>
      %dma_start3A_375 = arith.constant 0 : i32
      %dma_start3A_376 = tpu.memref_slice %arg18[%add3A_198, %dma_start3A_375] : memref<10000x128xf32, #tpu.memory_space<vmem_shared>> -> memref<8x128xf32, #tpu.memory_space<vmem_shared>>
      %dma_start3A_377 = arith.constant 0 : i32
      %dma_start3A_378 = tpu.memref_slice %arg18[%add3A_198, %dma_start3A_377] : memref<10000x128xf32, #tpu.memory_space<vmem_shared>> -> memref<8x128xf32, #tpu.memory_space<vmem_shared>>
      tpu.enqueue_dma source(%arg17 : memref<8x128xf32, #tpu.memory_space<vmem>>) target(%dma_start3A_378 : memref<8x128xf32, #tpu.memory_space<vmem_shared>>) target_semaphore(%run_scoped3A : memref<!tpu.dma_semaphore, #tpu.memory_space<semaphore_mem>>)
      %dma_wait3A_379 = arith.constant 0 : i32
      %dma_wait3A_380 = tpu.memref_slice %arg18[%add3A_198, %dma_wait3A_379] : memref<10000x128xf32, #tpu.memory_space<vmem_shared>> -> memref<8x128xf32, #tpu.memory_space<vmem_shared>>
      %dma_wait3A_381 = arith.constant 0 : i32
      %dma_wait3A_382 = tpu.memref_slice %arg18[%add3A_198, %dma_wait3A_381] : memref<10000x128xf32, #tpu.memory_space<vmem_shared>> -> memref<8x128xf32, #tpu.memory_space<vmem_shared>>
      tpu.wait_dma2 semaphore(%run_scoped3A : memref<!tpu.dma_semaphore, #tpu.memory_space<semaphore_mem>>) src(%arg17 : memref<8x128xf32, #tpu.memory_space<vmem>>) dst(%dma_wait3A_382 : memref<8x128xf32, #tpu.memory_space<vmem_shared>>)
      tpu.yield
    }) : () -> ()
    %mul3A_199 = arith.constant 624 : i32
    %mul3A_200 = arith.muli %arg1, %mul3A_199 : i32
    %add3A_201 = arith.constant 384 : i32
    %add3A_202 = arith.addi %mul3A_200, %add3A_201 : i32
    "tpu.region"() ({
      %run_scoped3A = tpu.sem_alloc : memref<!tpu.dma_semaphore, #tpu.memory_space<semaphore_mem>>
      %dma_start3A_375 = arith.constant 0 : i32
      %dma_start3A_376 = tpu.memref_slice %arg18[%add3A_202, %dma_start3A_375] : memref<10000x128xf32, #tpu.memory_space<vmem_shared>> -> memref<8x128xf32, #tpu.memory_space<vmem_shared>>
      %dma_start3A_377 = arith.constant 0 : i32
      %dma_start3A_378 = tpu.memref_slice %arg18[%add3A_202, %dma_start3A_377] : memref<10000x128xf32, #tpu.memory_space<vmem_shared>> -> memref<8x128xf32, #tpu.memory_space<vmem_shared>>
      tpu.enqueue_dma source(%arg17 : memref<8x128xf32, #tpu.memory_space<vmem>>) target(%dma_start3A_378 : memref<8x128xf32, #tpu.memory_space<vmem_shared>>) target_semaphore(%run_scoped3A : memref<!tpu.dma_semaphore, #tpu.memory_space<semaphore_mem>>)
      %dma_wait3A_379 = arith.constant 0 : i32
      %dma_wait3A_380 = tpu.memref_slice %arg18[%add3A_202, %dma_wait3A_379] : memref<10000x128xf32, #tpu.memory_space<vmem_shared>> -> memref<8x128xf32, #tpu.memory_space<vmem_shared>>
      %dma_wait3A_381 = arith.constant 0 : i32
      %dma_wait3A_382 = tpu.memref_slice %arg18[%add3A_202, %dma_wait3A_381] : memref<10000x128xf32, #tpu.memory_space<vmem_shared>> -> memref<8x128xf32, #tpu.memory_space<vmem_shared>>
      tpu.wait_dma2 semaphore(%run_scoped3A : memref<!tpu.dma_semaphore, #tpu.memory_space<semaphore_mem>>) src(%arg17 : memref<8x128xf32, #tpu.memory_space<vmem>>) dst(%dma_wait3A_382 : memref<8x128xf32, #tpu.memory_space<vmem_shared>>)
      tpu.yield
    }) : () -> ()
    %mul3A_203 = arith.constant 624 : i32
    %mul3A_204 = arith.muli %arg1, %mul3A_203 : i32
    %add3A_205 = arith.constant 392 : i32
    %add3A_206 = arith.addi %mul3A_204, %add3A_205 : i32
    "tpu.region"() ({
      %run_scoped3A = tpu.sem_alloc : memref<!tpu.dma_semaphore, #tpu.memory_space<semaphore_mem>>
      %dma_start3A_375 = arith.constant 0 : i32
      %dma_start3A_376 = tpu.memref_slice %arg18[%add3A_206, %dma_start3A_375] : memref<10000x128xf32, #tpu.memory_space<vmem_shared>> -> memref<8x128xf32, #tpu.memory_space<vmem_shared>>
      %dma_start3A_377 = arith.constant 0 : i32
      %dma_start3A_378 = tpu.memref_slice %arg18[%add3A_206, %dma_start3A_377] : memref<10000x128xf32, #tpu.memory_space<vmem_shared>> -> memref<8x128xf32, #tpu.memory_space<vmem_shared>>
      tpu.enqueue_dma source(%arg17 : memref<8x128xf32, #tpu.memory_space<vmem>>) target(%dma_start3A_378 : memref<8x128xf32, #tpu.memory_space<vmem_shared>>) target_semaphore(%run_scoped3A : memref<!tpu.dma_semaphore, #tpu.memory_space<semaphore_mem>>)
      %dma_wait3A_379 = arith.constant 0 : i32
      %dma_wait3A_380 = tpu.memref_slice %arg18[%add3A_206, %dma_wait3A_379] : memref<10000x128xf32, #tpu.memory_space<vmem_shared>> -> memref<8x128xf32, #tpu.memory_space<vmem_shared>>
      %dma_wait3A_381 = arith.constant 0 : i32
      %dma_wait3A_382 = tpu.memref_slice %arg18[%add3A_206, %dma_wait3A_381] : memref<10000x128xf32, #tpu.memory_space<vmem_shared>> -> memref<8x128xf32, #tpu.memory_space<vmem_shared>>
      tpu.wait_dma2 semaphore(%run_scoped3A : memref<!tpu.dma_semaphore, #tpu.memory_space<semaphore_mem>>) src(%arg17 : memref<8x128xf32, #tpu.memory_space<vmem>>) dst(%dma_wait3A_382 : memref<8x128xf32, #tpu.memory_space<vmem_shared>>)
      tpu.yield
    }) : () -> ()
    %mul3A_207 = arith.constant 624 : i32
    %mul3A_208 = arith.muli %arg1, %mul3A_207 : i32
    %add3A_209 = arith.constant 400 : i32
    %add3A_210 = arith.addi %mul3A_208, %add3A_209 : i32
    "tpu.region"() ({
      %run_scoped3A = tpu.sem_alloc : memref<!tpu.dma_semaphore, #tpu.memory_space<semaphore_mem>>
      %dma_start3A_375 = arith.constant 0 : i32
      %dma_start3A_376 = tpu.memref_slice %arg18[%add3A_210, %dma_start3A_375] : memref<10000x128xf32, #tpu.memory_space<vmem_shared>> -> memref<8x128xf32, #tpu.memory_space<vmem_shared>>
      %dma_start3A_377 = arith.constant 0 : i32
      %dma_start3A_378 = tpu.memref_slice %arg18[%add3A_210, %dma_start3A_377] : memref<10000x128xf32, #tpu.memory_space<vmem_shared>> -> memref<8x128xf32, #tpu.memory_space<vmem_shared>>
      tpu.enqueue_dma source(%arg17 : memref<8x128xf32, #tpu.memory_space<vmem>>) target(%dma_start3A_378 : memref<8x128xf32, #tpu.memory_space<vmem_shared>>) target_semaphore(%run_scoped3A : memref<!tpu.dma_semaphore, #tpu.memory_space<semaphore_mem>>)
      %dma_wait3A_379 = arith.constant 0 : i32
      %dma_wait3A_380 = tpu.memref_slice %arg18[%add3A_210, %dma_wait3A_379] : memref<10000x128xf32, #tpu.memory_space<vmem_shared>> -> memref<8x128xf32, #tpu.memory_space<vmem_shared>>
      %dma_wait3A_381 = arith.constant 0 : i32
      %dma_wait3A_382 = tpu.memref_slice %arg18[%add3A_210, %dma_wait3A_381] : memref<10000x128xf32, #tpu.memory_space<vmem_shared>> -> memref<8x128xf32, #tpu.memory_space<vmem_shared>>
      tpu.wait_dma2 semaphore(%run_scoped3A : memref<!tpu.dma_semaphore, #tpu.memory_space<semaphore_mem>>) src(%arg17 : memref<8x128xf32, #tpu.memory_space<vmem>>) dst(%dma_wait3A_382 : memref<8x128xf32, #tpu.memory_space<vmem_shared>>)
      tpu.yield
    }) : () -> ()
    %mul3A_211 = arith.constant 624 : i32
    %mul3A_212 = arith.muli %arg1, %mul3A_211 : i32
    %add3A_213 = arith.constant 408 : i32
    %add3A_214 = arith.addi %mul3A_212, %add3A_213 : i32
    "tpu.region"() ({
      %run_scoped3A = tpu.sem_alloc : memref<!tpu.dma_semaphore, #tpu.memory_space<semaphore_mem>>
      %dma_start3A_375 = arith.constant 0 : i32
      %dma_start3A_376 = tpu.memref_slice %arg18[%add3A_214, %dma_start3A_375] : memref<10000x128xf32, #tpu.memory_space<vmem_shared>> -> memref<8x128xf32, #tpu.memory_space<vmem_shared>>
      %dma_start3A_377 = arith.constant 0 : i32
      %dma_start3A_378 = tpu.memref_slice %arg18[%add3A_214, %dma_start3A_377] : memref<10000x128xf32, #tpu.memory_space<vmem_shared>> -> memref<8x128xf32, #tpu.memory_space<vmem_shared>>
      tpu.enqueue_dma source(%arg17 : memref<8x128xf32, #tpu.memory_space<vmem>>) target(%dma_start3A_378 : memref<8x128xf32, #tpu.memory_space<vmem_shared>>) target_semaphore(%run_scoped3A : memref<!tpu.dma_semaphore, #tpu.memory_space<semaphore_mem>>)
      %dma_wait3A_379 = arith.constant 0 : i32
      %dma_wait3A_380 = tpu.memref_slice %arg18[%add3A_214, %dma_wait3A_379] : memref<10000x128xf32, #tpu.memory_space<vmem_shared>> -> memref<8x128xf32, #tpu.memory_space<vmem_shared>>
      %dma_wait3A_381 = arith.constant 0 : i32
      %dma_wait3A_382 = tpu.memref_slice %arg18[%add3A_214, %dma_wait3A_381] : memref<10000x128xf32, #tpu.memory_space<vmem_shared>> -> memref<8x128xf32, #tpu.memory_space<vmem_shared>>
      tpu.wait_dma2 semaphore(%run_scoped3A : memref<!tpu.dma_semaphore, #tpu.memory_space<semaphore_mem>>) src(%arg17 : memref<8x128xf32, #tpu.memory_space<vmem>>) dst(%dma_wait3A_382 : memref<8x128xf32, #tpu.memory_space<vmem_shared>>)
      tpu.yield
    }) : () -> ()
    %mul3A_215 = arith.constant 624 : i32
    %mul3A_216 = arith.muli %arg1, %mul3A_215 : i32
    %add3A_217 = arith.constant 416 : i32
    %add3A_218 = arith.addi %mul3A_216, %add3A_217 : i32
    "tpu.region"() ({
      %run_scoped3A = tpu.sem_alloc : memref<!tpu.dma_semaphore, #tpu.memory_space<semaphore_mem>>
      %dma_start3A_375 = arith.constant 0 : i32
      %dma_start3A_376 = tpu.memref_slice %arg18[%add3A_218, %dma_start3A_375] : memref<10000x128xf32, #tpu.memory_space<vmem_shared>> -> memref<8x128xf32, #tpu.memory_space<vmem_shared>>
      %dma_start3A_377 = arith.constant 0 : i32
      %dma_start3A_378 = tpu.memref_slice %arg18[%add3A_218, %dma_start3A_377] : memref<10000x128xf32, #tpu.memory_space<vmem_shared>> -> memref<8x128xf32, #tpu.memory_space<vmem_shared>>
      tpu.enqueue_dma source(%arg17 : memref<8x128xf32, #tpu.memory_space<vmem>>) target(%dma_start3A_378 : memref<8x128xf32, #tpu.memory_space<vmem_shared>>) target_semaphore(%run_scoped3A : memref<!tpu.dma_semaphore, #tpu.memory_space<semaphore_mem>>)
      %dma_wait3A_379 = arith.constant 0 : i32
      %dma_wait3A_380 = tpu.memref_slice %arg18[%add3A_218, %dma_wait3A_379] : memref<10000x128xf32, #tpu.memory_space<vmem_shared>> -> memref<8x128xf32, #tpu.memory_space<vmem_shared>>
      %dma_wait3A_381 = arith.constant 0 : i32
      %dma_wait3A_382 = tpu.memref_slice %arg18[%add3A_218, %dma_wait3A_381] : memref<10000x128xf32, #tpu.memory_space<vmem_shared>> -> memref<8x128xf32, #tpu.memory_space<vmem_shared>>
      tpu.wait_dma2 semaphore(%run_scoped3A : memref<!tpu.dma_semaphore, #tpu.memory_space<semaphore_mem>>) src(%arg17 : memref<8x128xf32, #tpu.memory_space<vmem>>) dst(%dma_wait3A_382 : memref<8x128xf32, #tpu.memory_space<vmem_shared>>)
      tpu.yield
    }) : () -> ()
    %mul3A_219 = arith.constant 624 : i32
    %mul3A_220 = arith.muli %arg1, %mul3A_219 : i32
    %add3A_221 = arith.constant 424 : i32
    %add3A_222 = arith.addi %mul3A_220, %add3A_221 : i32
    "tpu.region"() ({
      %run_scoped3A = tpu.sem_alloc : memref<!tpu.dma_semaphore, #tpu.memory_space<semaphore_mem>>
      %dma_start3A_375 = arith.constant 0 : i32
      %dma_start3A_376 = tpu.memref_slice %arg18[%add3A_222, %dma_start3A_375] : memref<10000x128xf32, #tpu.memory_space<vmem_shared>> -> memref<8x128xf32, #tpu.memory_space<vmem_shared>>
      %dma_start3A_377 = arith.constant 0 : i32
      %dma_start3A_378 = tpu.memref_slice %arg18[%add3A_222, %dma_start3A_377] : memref<10000x128xf32, #tpu.memory_space<vmem_shared>> -> memref<8x128xf32, #tpu.memory_space<vmem_shared>>
      tpu.enqueue_dma source(%arg17 : memref<8x128xf32, #tpu.memory_space<vmem>>) target(%dma_start3A_378 : memref<8x128xf32, #tpu.memory_space<vmem_shared>>) target_semaphore(%run_scoped3A : memref<!tpu.dma_semaphore, #tpu.memory_space<semaphore_mem>>)
      %dma_wait3A_379 = arith.constant 0 : i32
      %dma_wait3A_380 = tpu.memref_slice %arg18[%add3A_222, %dma_wait3A_379] : memref<10000x128xf32, #tpu.memory_space<vmem_shared>> -> memref<8x128xf32, #tpu.memory_space<vmem_shared>>
      %dma_wait3A_381 = arith.constant 0 : i32
      %dma_wait3A_382 = tpu.memref_slice %arg18[%add3A_222, %dma_wait3A_381] : memref<10000x128xf32, #tpu.memory_space<vmem_shared>> -> memref<8x128xf32, #tpu.memory_space<vmem_shared>>
      tpu.wait_dma2 semaphore(%run_scoped3A : memref<!tpu.dma_semaphore, #tpu.memory_space<semaphore_mem>>) src(%arg17 : memref<8x128xf32, #tpu.memory_space<vmem>>) dst(%dma_wait3A_382 : memref<8x128xf32, #tpu.memory_space<vmem_shared>>)
      tpu.yield
    }) : () -> ()
    %mul3A_223 = arith.constant 624 : i32
    %mul3A_224 = arith.muli %arg1, %mul3A_223 : i32
    %add3A_225 = arith.constant 432 : i32
    %add3A_226 = arith.addi %mul3A_224, %add3A_225 : i32
    "tpu.region"() ({
      %run_scoped3A = tpu.sem_alloc : memref<!tpu.dma_semaphore, #tpu.memory_space<semaphore_mem>>
      %dma_start3A_375 = arith.constant 0 : i32
      %dma_start3A_376 = tpu.memref_slice %arg18[%add3A_226, %dma_start3A_375] : memref<10000x128xf32, #tpu.memory_space<vmem_shared>> -> memref<8x128xf32, #tpu.memory_space<vmem_shared>>
      %dma_start3A_377 = arith.constant 0 : i32
      %dma_start3A_378 = tpu.memref_slice %arg18[%add3A_226, %dma_start3A_377] : memref<10000x128xf32, #tpu.memory_space<vmem_shared>> -> memref<8x128xf32, #tpu.memory_space<vmem_shared>>
      tpu.enqueue_dma source(%arg17 : memref<8x128xf32, #tpu.memory_space<vmem>>) target(%dma_start3A_378 : memref<8x128xf32, #tpu.memory_space<vmem_shared>>) target_semaphore(%run_scoped3A : memref<!tpu.dma_semaphore, #tpu.memory_space<semaphore_mem>>)
      %dma_wait3A_379 = arith.constant 0 : i32
      %dma_wait3A_380 = tpu.memref_slice %arg18[%add3A_226, %dma_wait3A_379] : memref<10000x128xf32, #tpu.memory_space<vmem_shared>> -> memref<8x128xf32, #tpu.memory_space<vmem_shared>>
      %dma_wait3A_381 = arith.constant 0 : i32
      %dma_wait3A_382 = tpu.memref_slice %arg18[%add3A_226, %dma_wait3A_381] : memref<10000x128xf32, #tpu.memory_space<vmem_shared>> -> memref<8x128xf32, #tpu.memory_space<vmem_shared>>
      tpu.wait_dma2 semaphore(%run_scoped3A : memref<!tpu.dma_semaphore, #tpu.memory_space<semaphore_mem>>) src(%arg17 : memref<8x128xf32, #tpu.memory_space<vmem>>) dst(%dma_wait3A_382 : memref<8x128xf32, #tpu.memory_space<vmem_shared>>)
      tpu.yield
    }) : () -> ()
    %mul3A_227 = arith.constant 624 : i32
    %mul3A_228 = arith.muli %arg1, %mul3A_227 : i32
    %add3A_229 = arith.constant 440 : i32
    %add3A_230 = arith.addi %mul3A_228, %add3A_229 : i32
    "tpu.region"() ({
      %run_scoped3A = tpu.sem_alloc : memref<!tpu.dma_semaphore, #tpu.memory_space<semaphore_mem>>
      %dma_start3A_375 = arith.constant 0 : i32
      %dma_start3A_376 = tpu.memref_slice %arg18[%add3A_230, %dma_start3A_375] : memref<10000x128xf32, #tpu.memory_space<vmem_shared>> -> memref<8x128xf32, #tpu.memory_space<vmem_shared>>
      %dma_start3A_377 = arith.constant 0 : i32
      %dma_start3A_378 = tpu.memref_slice %arg18[%add3A_230, %dma_start3A_377] : memref<10000x128xf32, #tpu.memory_space<vmem_shared>> -> memref<8x128xf32, #tpu.memory_space<vmem_shared>>
      tpu.enqueue_dma source(%arg17 : memref<8x128xf32, #tpu.memory_space<vmem>>) target(%dma_start3A_378 : memref<8x128xf32, #tpu.memory_space<vmem_shared>>) target_semaphore(%run_scoped3A : memref<!tpu.dma_semaphore, #tpu.memory_space<semaphore_mem>>)
      %dma_wait3A_379 = arith.constant 0 : i32
      %dma_wait3A_380 = tpu.memref_slice %arg18[%add3A_230, %dma_wait3A_379] : memref<10000x128xf32, #tpu.memory_space<vmem_shared>> -> memref<8x128xf32, #tpu.memory_space<vmem_shared>>
      %dma_wait3A_381 = arith.constant 0 : i32
      %dma_wait3A_382 = tpu.memref_slice %arg18[%add3A_230, %dma_wait3A_381] : memref<10000x128xf32, #tpu.memory_space<vmem_shared>> -> memref<8x128xf32, #tpu.memory_space<vmem_shared>>
      tpu.wait_dma2 semaphore(%run_scoped3A : memref<!tpu.dma_semaphore, #tpu.memory_space<semaphore_mem>>) src(%arg17 : memref<8x128xf32, #tpu.memory_space<vmem>>) dst(%dma_wait3A_382 : memref<8x128xf32, #tpu.memory_space<vmem_shared>>)
      tpu.yield
    }) : () -> ()
    %mul3A_231 = arith.constant 624 : i32
    %mul3A_232 = arith.muli %arg1, %mul3A_231 : i32
    %add3A_233 = arith.constant 448 : i32
    %add3A_234 = arith.addi %mul3A_232, %add3A_233 : i32
    "tpu.region"() ({
      %run_scoped3A = tpu.sem_alloc : memref<!tpu.dma_semaphore, #tpu.memory_space<semaphore_mem>>
      %dma_start3A_375 = arith.constant 0 : i32
      %dma_start3A_376 = tpu.memref_slice %arg18[%add3A_234, %dma_start3A_375] : memref<10000x128xf32, #tpu.memory_space<vmem_shared>> -> memref<8x128xf32, #tpu.memory_space<vmem_shared>>
      %dma_start3A_377 = arith.constant 0 : i32
      %dma_start3A_378 = tpu.memref_slice %arg18[%add3A_234, %dma_start3A_377] : memref<10000x128xf32, #tpu.memory_space<vmem_shared>> -> memref<8x128xf32, #tpu.memory_space<vmem_shared>>
      tpu.enqueue_dma source(%arg17 : memref<8x128xf32, #tpu.memory_space<vmem>>) target(%dma_start3A_378 : memref<8x128xf32, #tpu.memory_space<vmem_shared>>) target_semaphore(%run_scoped3A : memref<!tpu.dma_semaphore, #tpu.memory_space<semaphore_mem>>)
      %dma_wait3A_379 = arith.constant 0 : i32
      %dma_wait3A_380 = tpu.memref_slice %arg18[%add3A_234, %dma_wait3A_379] : memref<10000x128xf32, #tpu.memory_space<vmem_shared>> -> memref<8x128xf32, #tpu.memory_space<vmem_shared>>
      %dma_wait3A_381 = arith.constant 0 : i32
      %dma_wait3A_382 = tpu.memref_slice %arg18[%add3A_234, %dma_wait3A_381] : memref<10000x128xf32, #tpu.memory_space<vmem_shared>> -> memref<8x128xf32, #tpu.memory_space<vmem_shared>>
      tpu.wait_dma2 semaphore(%run_scoped3A : memref<!tpu.dma_semaphore, #tpu.memory_space<semaphore_mem>>) src(%arg17 : memref<8x128xf32, #tpu.memory_space<vmem>>) dst(%dma_wait3A_382 : memref<8x128xf32, #tpu.memory_space<vmem_shared>>)
      tpu.yield
    }) : () -> ()
    %mul3A_235 = arith.constant 624 : i32
    %mul3A_236 = arith.muli %arg1, %mul3A_235 : i32
    %add3A_237 = arith.constant 456 : i32
    %add3A_238 = arith.addi %mul3A_236, %add3A_237 : i32
    "tpu.region"() ({
      %run_scoped3A = tpu.sem_alloc : memref<!tpu.dma_semaphore, #tpu.memory_space<semaphore_mem>>
      %dma_start3A_375 = arith.constant 0 : i32
      %dma_start3A_376 = tpu.memref_slice %arg18[%add3A_238, %dma_start3A_375] : memref<10000x128xf32, #tpu.memory_space<vmem_shared>> -> memref<8x128xf32, #tpu.memory_space<vmem_shared>>
      %dma_start3A_377 = arith.constant 0 : i32
      %dma_start3A_378 = tpu.memref_slice %arg18[%add3A_238, %dma_start3A_377] : memref<10000x128xf32, #tpu.memory_space<vmem_shared>> -> memref<8x128xf32, #tpu.memory_space<vmem_shared>>
      tpu.enqueue_dma source(%arg17 : memref<8x128xf32, #tpu.memory_space<vmem>>) target(%dma_start3A_378 : memref<8x128xf32, #tpu.memory_space<vmem_shared>>) target_semaphore(%run_scoped3A : memref<!tpu.dma_semaphore, #tpu.memory_space<semaphore_mem>>)
      %dma_wait3A_379 = arith.constant 0 : i32
      %dma_wait3A_380 = tpu.memref_slice %arg18[%add3A_238, %dma_wait3A_379] : memref<10000x128xf32, #tpu.memory_space<vmem_shared>> -> memref<8x128xf32, #tpu.memory_space<vmem_shared>>
      %dma_wait3A_381 = arith.constant 0 : i32
      %dma_wait3A_382 = tpu.memref_slice %arg18[%add3A_238, %dma_wait3A_381] : memref<10000x128xf32, #tpu.memory_space<vmem_shared>> -> memref<8x128xf32, #tpu.memory_space<vmem_shared>>
      tpu.wait_dma2 semaphore(%run_scoped3A : memref<!tpu.dma_semaphore, #tpu.memory_space<semaphore_mem>>) src(%arg17 : memref<8x128xf32, #tpu.memory_space<vmem>>) dst(%dma_wait3A_382 : memref<8x128xf32, #tpu.memory_space<vmem_shared>>)
      tpu.yield
    }) : () -> ()
    %mul3A_239 = arith.constant 624 : i32
    %mul3A_240 = arith.muli %arg1, %mul3A_239 : i32
    %add3A_241 = arith.constant 464 : i32
    %add3A_242 = arith.addi %mul3A_240, %add3A_241 : i32
    "tpu.region"() ({
      %run_scoped3A = tpu.sem_alloc : memref<!tpu.dma_semaphore, #tpu.memory_space<semaphore_mem>>
      %dma_start3A_375 = arith.constant 0 : i32
      %dma_start3A_376 = tpu.memref_slice %arg18[%add3A_242, %dma_start3A_375] : memref<10000x128xf32, #tpu.memory_space<vmem_shared>> -> memref<8x128xf32, #tpu.memory_space<vmem_shared>>
      %dma_start3A_377 = arith.constant 0 : i32
      %dma_start3A_378 = tpu.memref_slice %arg18[%add3A_242, %dma_start3A_377] : memref<10000x128xf32, #tpu.memory_space<vmem_shared>> -> memref<8x128xf32, #tpu.memory_space<vmem_shared>>
      tpu.enqueue_dma source(%arg17 : memref<8x128xf32, #tpu.memory_space<vmem>>) target(%dma_start3A_378 : memref<8x128xf32, #tpu.memory_space<vmem_shared>>) target_semaphore(%run_scoped3A : memref<!tpu.dma_semaphore, #tpu.memory_space<semaphore_mem>>)
      %dma_wait3A_379 = arith.constant 0 : i32
      %dma_wait3A_380 = tpu.memref_slice %arg18[%add3A_242, %dma_wait3A_379] : memref<10000x128xf32, #tpu.memory_space<vmem_shared>> -> memref<8x128xf32, #tpu.memory_space<vmem_shared>>
      %dma_wait3A_381 = arith.constant 0 : i32
      %dma_wait3A_382 = tpu.memref_slice %arg18[%add3A_242, %dma_wait3A_381] : memref<10000x128xf32, #tpu.memory_space<vmem_shared>> -> memref<8x128xf32, #tpu.memory_space<vmem_shared>>
      tpu.wait_dma2 semaphore(%run_scoped3A : memref<!tpu.dma_semaphore, #tpu.memory_space<semaphore_mem>>) src(%arg17 : memref<8x128xf32, #tpu.memory_space<vmem>>) dst(%dma_wait3A_382 : memref<8x128xf32, #tpu.memory_space<vmem_shared>>)
      tpu.yield
    }) : () -> ()
    %mul3A_243 = arith.constant 624 : i32
    %mul3A_244 = arith.muli %arg1, %mul3A_243 : i32
    %add3A_245 = arith.constant 472 : i32
    %add3A_246 = arith.addi %mul3A_244, %add3A_245 : i32
    "tpu.region"() ({
      %run_scoped3A = tpu.sem_alloc : memref<!tpu.dma_semaphore, #tpu.memory_space<semaphore_mem>>
      %dma_start3A_375 = arith.constant 0 : i32
      %dma_start3A_376 = tpu.memref_slice %arg18[%add3A_246, %dma_start3A_375] : memref<10000x128xf32, #tpu.memory_space<vmem_shared>> -> memref<8x128xf32, #tpu.memory_space<vmem_shared>>
      %dma_start3A_377 = arith.constant 0 : i32
      %dma_start3A_378 = tpu.memref_slice %arg18[%add3A_246, %dma_start3A_377] : memref<10000x128xf32, #tpu.memory_space<vmem_shared>> -> memref<8x128xf32, #tpu.memory_space<vmem_shared>>
      tpu.enqueue_dma source(%arg17 : memref<8x128xf32, #tpu.memory_space<vmem>>) target(%dma_start3A_378 : memref<8x128xf32, #tpu.memory_space<vmem_shared>>) target_semaphore(%run_scoped3A : memref<!tpu.dma_semaphore, #tpu.memory_space<semaphore_mem>>)
      %dma_wait3A_379 = arith.constant 0 : i32
      %dma_wait3A_380 = tpu.memref_slice %arg18[%add3A_246, %dma_wait3A_379] : memref<10000x128xf32, #tpu.memory_space<vmem_shared>> -> memref<8x128xf32, #tpu.memory_space<vmem_shared>>
      %dma_wait3A_381 = arith.constant 0 : i32
      %dma_wait3A_382 = tpu.memref_slice %arg18[%add3A_246, %dma_wait3A_381] : memref<10000x128xf32, #tpu.memory_space<vmem_shared>> -> memref<8x128xf32, #tpu.memory_space<vmem_shared>>
      tpu.wait_dma2 semaphore(%run_scoped3A : memref<!tpu.dma_semaphore, #tpu.memory_space<semaphore_mem>>) src(%arg17 : memref<8x128xf32, #tpu.memory_space<vmem>>) dst(%dma_wait3A_382 : memref<8x128xf32, #tpu.memory_space<vmem_shared>>)
      tpu.yield
    }) : () -> ()
    %mul3A_247 = arith.constant 624 : i32
    %mul3A_248 = arith.muli %arg1, %mul3A_247 : i32
    %add3A_249 = arith.constant 480 : i32
    %add3A_250 = arith.addi %mul3A_248, %add3A_249 : i32
    "tpu.region"() ({
      %run_scoped3A = tpu.sem_alloc : memref<!tpu.dma_semaphore, #tpu.memory_space<semaphore_mem>>
      %dma_start3A_375 = arith.constant 0 : i32
      %dma_start3A_376 = tpu.memref_slice %arg18[%add3A_250, %dma_start3A_375] : memref<10000x128xf32, #tpu.memory_space<vmem_shared>> -> memref<8x128xf32, #tpu.memory_space<vmem_shared>>
      %dma_start3A_377 = arith.constant 0 : i32
      %dma_start3A_378 = tpu.memref_slice %arg18[%add3A_250, %dma_start3A_377] : memref<10000x128xf32, #tpu.memory_space<vmem_shared>> -> memref<8x128xf32, #tpu.memory_space<vmem_shared>>
      tpu.enqueue_dma source(%arg17 : memref<8x128xf32, #tpu.memory_space<vmem>>) target(%dma_start3A_378 : memref<8x128xf32, #tpu.memory_space<vmem_shared>>) target_semaphore(%run_scoped3A : memref<!tpu.dma_semaphore, #tpu.memory_space<semaphore_mem>>)
      %dma_wait3A_379 = arith.constant 0 : i32
      %dma_wait3A_380 = tpu.memref_slice %arg18[%add3A_250, %dma_wait3A_379] : memref<10000x128xf32, #tpu.memory_space<vmem_shared>> -> memref<8x128xf32, #tpu.memory_space<vmem_shared>>
      %dma_wait3A_381 = arith.constant 0 : i32
      %dma_wait3A_382 = tpu.memref_slice %arg18[%add3A_250, %dma_wait3A_381] : memref<10000x128xf32, #tpu.memory_space<vmem_shared>> -> memref<8x128xf32, #tpu.memory_space<vmem_shared>>
      tpu.wait_dma2 semaphore(%run_scoped3A : memref<!tpu.dma_semaphore, #tpu.memory_space<semaphore_mem>>) src(%arg17 : memref<8x128xf32, #tpu.memory_space<vmem>>) dst(%dma_wait3A_382 : memref<8x128xf32, #tpu.memory_space<vmem_shared>>)
      tpu.yield
    }) : () -> ()
    %mul3A_251 = arith.constant 624 : i32
    %mul3A_252 = arith.muli %arg1, %mul3A_251 : i32
    %add3A_253 = arith.constant 488 : i32
    %add3A_254 = arith.addi %mul3A_252, %add3A_253 : i32
    "tpu.region"() ({
      %run_scoped3A = tpu.sem_alloc : memref<!tpu.dma_semaphore, #tpu.memory_space<semaphore_mem>>
      %dma_start3A_375 = arith.constant 0 : i32
      %dma_start3A_376 = tpu.memref_slice %arg18[%add3A_254, %dma_start3A_375] : memref<10000x128xf32, #tpu.memory_space<vmem_shared>> -> memref<8x128xf32, #tpu.memory_space<vmem_shared>>
      %dma_start3A_377 = arith.constant 0 : i32
      %dma_start3A_378 = tpu.memref_slice %arg18[%add3A_254, %dma_start3A_377] : memref<10000x128xf32, #tpu.memory_space<vmem_shared>> -> memref<8x128xf32, #tpu.memory_space<vmem_shared>>
      tpu.enqueue_dma source(%arg17 : memref<8x128xf32, #tpu.memory_space<vmem>>) target(%dma_start3A_378 : memref<8x128xf32, #tpu.memory_space<vmem_shared>>) target_semaphore(%run_scoped3A : memref<!tpu.dma_semaphore, #tpu.memory_space<semaphore_mem>>)
      %dma_wait3A_379 = arith.constant 0 : i32
      %dma_wait3A_380 = tpu.memref_slice %arg18[%add3A_254, %dma_wait3A_379] : memref<10000x128xf32, #tpu.memory_space<vmem_shared>> -> memref<8x128xf32, #tpu.memory_space<vmem_shared>>
      %dma_wait3A_381 = arith.constant 0 : i32
      %dma_wait3A_382 = tpu.memref_slice %arg18[%add3A_254, %dma_wait3A_381] : memref<10000x128xf32, #tpu.memory_space<vmem_shared>> -> memref<8x128xf32, #tpu.memory_space<vmem_shared>>
      tpu.wait_dma2 semaphore(%run_scoped3A : memref<!tpu.dma_semaphore, #tpu.memory_space<semaphore_mem>>) src(%arg17 : memref<8x128xf32, #tpu.memory_space<vmem>>) dst(%dma_wait3A_382 : memref<8x128xf32, #tpu.memory_space<vmem_shared>>)
      tpu.yield
    }) : () -> ()
    %mul3A_255 = arith.constant 624 : i32
    %mul3A_256 = arith.muli %arg1, %mul3A_255 : i32
    %add3A_257 = arith.constant 496 : i32
    %add3A_258 = arith.addi %mul3A_256, %add3A_257 : i32
    "tpu.region"() ({
      %run_scoped3A = tpu.sem_alloc : memref<!tpu.dma_semaphore, #tpu.memory_space<semaphore_mem>>
      %dma_start3A_375 = arith.constant 0 : i32
      %dma_start3A_376 = tpu.memref_slice %arg18[%add3A_258, %dma_start3A_375] : memref<10000x128xf32, #tpu.memory_space<vmem_shared>> -> memref<8x128xf32, #tpu.memory_space<vmem_shared>>
      %dma_start3A_377 = arith.constant 0 : i32
      %dma_start3A_378 = tpu.memref_slice %arg18[%add3A_258, %dma_start3A_377] : memref<10000x128xf32, #tpu.memory_space<vmem_shared>> -> memref<8x128xf32, #tpu.memory_space<vmem_shared>>
      tpu.enqueue_dma source(%arg17 : memref<8x128xf32, #tpu.memory_space<vmem>>) target(%dma_start3A_378 : memref<8x128xf32, #tpu.memory_space<vmem_shared>>) target_semaphore(%run_scoped3A : memref<!tpu.dma_semaphore, #tpu.memory_space<semaphore_mem>>)
      %dma_wait3A_379 = arith.constant 0 : i32
      %dma_wait3A_380 = tpu.memref_slice %arg18[%add3A_258, %dma_wait3A_379] : memref<10000x128xf32, #tpu.memory_space<vmem_shared>> -> memref<8x128xf32, #tpu.memory_space<vmem_shared>>
      %dma_wait3A_381 = arith.constant 0 : i32
      %dma_wait3A_382 = tpu.memref_slice %arg18[%add3A_258, %dma_wait3A_381] : memref<10000x128xf32, #tpu.memory_space<vmem_shared>> -> memref<8x128xf32, #tpu.memory_space<vmem_shared>>
      tpu.wait_dma2 semaphore(%run_scoped3A : memref<!tpu.dma_semaphore, #tpu.memory_space<semaphore_mem>>) src(%arg17 : memref<8x128xf32, #tpu.memory_space<vmem>>) dst(%dma_wait3A_382 : memref<8x128xf32, #tpu.memory_space<vmem_shared>>)
      tpu.yield
    }) : () -> ()
    %mul3A_259 = arith.constant 624 : i32
    %mul3A_260 = arith.muli %arg1, %mul3A_259 : i32
    %add3A_261 = arith.constant 504 : i32
    %add3A_262 = arith.addi %mul3A_260, %add3A_261 : i32
    "tpu.region"() ({
      %run_scoped3A = tpu.sem_alloc : memref<!tpu.dma_semaphore, #tpu.memory_space<semaphore_mem>>
      %dma_start3A_375 = arith.constant 0 : i32
      %dma_start3A_376 = tpu.memref_slice %arg18[%add3A_262, %dma_start3A_375] : memref<10000x128xf32, #tpu.memory_space<vmem_shared>> -> memref<8x128xf32, #tpu.memory_space<vmem_shared>>
      %dma_start3A_377 = arith.constant 0 : i32
      %dma_start3A_378 = tpu.memref_slice %arg18[%add3A_262, %dma_start3A_377] : memref<10000x128xf32, #tpu.memory_space<vmem_shared>> -> memref<8x128xf32, #tpu.memory_space<vmem_shared>>
      tpu.enqueue_dma source(%arg17 : memref<8x128xf32, #tpu.memory_space<vmem>>) target(%dma_start3A_378 : memref<8x128xf32, #tpu.memory_space<vmem_shared>>) target_semaphore(%run_scoped3A : memref<!tpu.dma_semaphore, #tpu.memory_space<semaphore_mem>>)
      %dma_wait3A_379 = arith.constant 0 : i32
      %dma_wait3A_380 = tpu.memref_slice %arg18[%add3A_262, %dma_wait3A_379] : memref<10000x128xf32, #tpu.memory_space<vmem_shared>> -> memref<8x128xf32, #tpu.memory_space<vmem_shared>>
      %dma_wait3A_381 = arith.constant 0 : i32
      %dma_wait3A_382 = tpu.memref_slice %arg18[%add3A_262, %dma_wait3A_381] : memref<10000x128xf32, #tpu.memory_space<vmem_shared>> -> memref<8x128xf32, #tpu.memory_space<vmem_shared>>
      tpu.wait_dma2 semaphore(%run_scoped3A : memref<!tpu.dma_semaphore, #tpu.memory_space<semaphore_mem>>) src(%arg17 : memref<8x128xf32, #tpu.memory_space<vmem>>) dst(%dma_wait3A_382 : memref<8x128xf32, #tpu.memory_space<vmem_shared>>)
      tpu.yield
    }) : () -> ()
    %mul3A_263 = arith.constant 624 : i32
    %mul3A_264 = arith.muli %arg1, %mul3A_263 : i32
    %add3A_265 = arith.constant 512 : i32
    %add3A_266 = arith.addi %mul3A_264, %add3A_265 : i32
    "tpu.region"() ({
      %run_scoped3A = tpu.sem_alloc : memref<!tpu.dma_semaphore, #tpu.memory_space<semaphore_mem>>
      %dma_start3A_375 = arith.constant 0 : i32
      %dma_start3A_376 = tpu.memref_slice %arg18[%add3A_266, %dma_start3A_375] : memref<10000x128xf32, #tpu.memory_space<vmem_shared>> -> memref<8x128xf32, #tpu.memory_space<vmem_shared>>
      %dma_start3A_377 = arith.constant 0 : i32
      %dma_start3A_378 = tpu.memref_slice %arg18[%add3A_266, %dma_start3A_377] : memref<10000x128xf32, #tpu.memory_space<vmem_shared>> -> memref<8x128xf32, #tpu.memory_space<vmem_shared>>
      tpu.enqueue_dma source(%arg17 : memref<8x128xf32, #tpu.memory_space<vmem>>) target(%dma_start3A_378 : memref<8x128xf32, #tpu.memory_space<vmem_shared>>) target_semaphore(%run_scoped3A : memref<!tpu.dma_semaphore, #tpu.memory_space<semaphore_mem>>)
      %dma_wait3A_379 = arith.constant 0 : i32
      %dma_wait3A_380 = tpu.memref_slice %arg18[%add3A_266, %dma_wait3A_379] : memref<10000x128xf32, #tpu.memory_space<vmem_shared>> -> memref<8x128xf32, #tpu.memory_space<vmem_shared>>
      %dma_wait3A_381 = arith.constant 0 : i32
      %dma_wait3A_382 = tpu.memref_slice %arg18[%add3A_266, %dma_wait3A_381] : memref<10000x128xf32, #tpu.memory_space<vmem_shared>> -> memref<8x128xf32, #tpu.memory_space<vmem_shared>>
      tpu.wait_dma2 semaphore(%run_scoped3A : memref<!tpu.dma_semaphore, #tpu.memory_space<semaphore_mem>>) src(%arg17 : memref<8x128xf32, #tpu.memory_space<vmem>>) dst(%dma_wait3A_382 : memref<8x128xf32, #tpu.memory_space<vmem_shared>>)
      tpu.yield
    }) : () -> ()
    %mul3A_267 = arith.constant 624 : i32
    %mul3A_268 = arith.muli %arg1, %mul3A_267 : i32
    %add3A_269 = arith.constant 520 : i32
    %add3A_270 = arith.addi %mul3A_268, %add3A_269 : i32
    "tpu.region"() ({
      %run_scoped3A = tpu.sem_alloc : memref<!tpu.dma_semaphore, #tpu.memory_space<semaphore_mem>>
      %dma_start3A_375 = arith.constant 0 : i32
      %dma_start3A_376 = tpu.memref_slice %arg18[%add3A_270, %dma_start3A_375] : memref<10000x128xf32, #tpu.memory_space<vmem_shared>> -> memref<8x128xf32, #tpu.memory_space<vmem_shared>>
      %dma_start3A_377 = arith.constant 0 : i32
      %dma_start3A_378 = tpu.memref_slice %arg18[%add3A_270, %dma_start3A_377] : memref<10000x128xf32, #tpu.memory_space<vmem_shared>> -> memref<8x128xf32, #tpu.memory_space<vmem_shared>>
      tpu.enqueue_dma source(%arg17 : memref<8x128xf32, #tpu.memory_space<vmem>>) target(%dma_start3A_378 : memref<8x128xf32, #tpu.memory_space<vmem_shared>>) target_semaphore(%run_scoped3A : memref<!tpu.dma_semaphore, #tpu.memory_space<semaphore_mem>>)
      %dma_wait3A_379 = arith.constant 0 : i32
      %dma_wait3A_380 = tpu.memref_slice %arg18[%add3A_270, %dma_wait3A_379] : memref<10000x128xf32, #tpu.memory_space<vmem_shared>> -> memref<8x128xf32, #tpu.memory_space<vmem_shared>>
      %dma_wait3A_381 = arith.constant 0 : i32
      %dma_wait3A_382 = tpu.memref_slice %arg18[%add3A_270, %dma_wait3A_381] : memref<10000x128xf32, #tpu.memory_space<vmem_shared>> -> memref<8x128xf32, #tpu.memory_space<vmem_shared>>
      tpu.wait_dma2 semaphore(%run_scoped3A : memref<!tpu.dma_semaphore, #tpu.memory_space<semaphore_mem>>) src(%arg17 : memref<8x128xf32, #tpu.memory_space<vmem>>) dst(%dma_wait3A_382 : memref<8x128xf32, #tpu.memory_space<vmem_shared>>)
      tpu.yield
    }) : () -> ()
    %mul3A_271 = arith.constant 624 : i32
    %mul3A_272 = arith.muli %arg1, %mul3A_271 : i32
    %add3A_273 = arith.constant 528 : i32
    %add3A_274 = arith.addi %mul3A_272, %add3A_273 : i32
    "tpu.region"() ({
      %run_scoped3A = tpu.sem_alloc : memref<!tpu.dma_semaphore, #tpu.memory_space<semaphore_mem>>
      %dma_start3A_375 = arith.constant 0 : i32
      %dma_start3A_376 = tpu.memref_slice %arg18[%add3A_274, %dma_start3A_375] : memref<10000x128xf32, #tpu.memory_space<vmem_shared>> -> memref<8x128xf32, #tpu.memory_space<vmem_shared>>
      %dma_start3A_377 = arith.constant 0 : i32
      %dma_start3A_378 = tpu.memref_slice %arg18[%add3A_274, %dma_start3A_377] : memref<10000x128xf32, #tpu.memory_space<vmem_shared>> -> memref<8x128xf32, #tpu.memory_space<vmem_shared>>
      tpu.enqueue_dma source(%arg17 : memref<8x128xf32, #tpu.memory_space<vmem>>) target(%dma_start3A_378 : memref<8x128xf32, #tpu.memory_space<vmem_shared>>) target_semaphore(%run_scoped3A : memref<!tpu.dma_semaphore, #tpu.memory_space<semaphore_mem>>)
      %dma_wait3A_379 = arith.constant 0 : i32
      %dma_wait3A_380 = tpu.memref_slice %arg18[%add3A_274, %dma_wait3A_379] : memref<10000x128xf32, #tpu.memory_space<vmem_shared>> -> memref<8x128xf32, #tpu.memory_space<vmem_shared>>
      %dma_wait3A_381 = arith.constant 0 : i32
      %dma_wait3A_382 = tpu.memref_slice %arg18[%add3A_274, %dma_wait3A_381] : memref<10000x128xf32, #tpu.memory_space<vmem_shared>> -> memref<8x128xf32, #tpu.memory_space<vmem_shared>>
      tpu.wait_dma2 semaphore(%run_scoped3A : memref<!tpu.dma_semaphore, #tpu.memory_space<semaphore_mem>>) src(%arg17 : memref<8x128xf32, #tpu.memory_space<vmem>>) dst(%dma_wait3A_382 : memref<8x128xf32, #tpu.memory_space<vmem_shared>>)
      tpu.yield
    }) : () -> ()
    %mul3A_275 = arith.constant 624 : i32
    %mul3A_276 = arith.muli %arg1, %mul3A_275 : i32
    %add3A_277 = arith.constant 536 : i32
    %add3A_278 = arith.addi %mul3A_276, %add3A_277 : i32
    "tpu.region"() ({
      %run_scoped3A = tpu.sem_alloc : memref<!tpu.dma_semaphore, #tpu.memory_space<semaphore_mem>>
      %dma_start3A_375 = arith.constant 0 : i32
      %dma_start3A_376 = tpu.memref_slice %arg18[%add3A_278, %dma_start3A_375] : memref<10000x128xf32, #tpu.memory_space<vmem_shared>> -> memref<8x128xf32, #tpu.memory_space<vmem_shared>>
      %dma_start3A_377 = arith.constant 0 : i32
      %dma_start3A_378 = tpu.memref_slice %arg18[%add3A_278, %dma_start3A_377] : memref<10000x128xf32, #tpu.memory_space<vmem_shared>> -> memref<8x128xf32, #tpu.memory_space<vmem_shared>>
      tpu.enqueue_dma source(%arg17 : memref<8x128xf32, #tpu.memory_space<vmem>>) target(%dma_start3A_378 : memref<8x128xf32, #tpu.memory_space<vmem_shared>>) target_semaphore(%run_scoped3A : memref<!tpu.dma_semaphore, #tpu.memory_space<semaphore_mem>>)
      %dma_wait3A_379 = arith.constant 0 : i32
      %dma_wait3A_380 = tpu.memref_slice %arg18[%add3A_278, %dma_wait3A_379] : memref<10000x128xf32, #tpu.memory_space<vmem_shared>> -> memref<8x128xf32, #tpu.memory_space<vmem_shared>>
      %dma_wait3A_381 = arith.constant 0 : i32
      %dma_wait3A_382 = tpu.memref_slice %arg18[%add3A_278, %dma_wait3A_381] : memref<10000x128xf32, #tpu.memory_space<vmem_shared>> -> memref<8x128xf32, #tpu.memory_space<vmem_shared>>
      tpu.wait_dma2 semaphore(%run_scoped3A : memref<!tpu.dma_semaphore, #tpu.memory_space<semaphore_mem>>) src(%arg17 : memref<8x128xf32, #tpu.memory_space<vmem>>) dst(%dma_wait3A_382 : memref<8x128xf32, #tpu.memory_space<vmem_shared>>)
      tpu.yield
    }) : () -> ()
    %mul3A_279 = arith.constant 624 : i32
    %mul3A_280 = arith.muli %arg1, %mul3A_279 : i32
    %add3A_281 = arith.constant 544 : i32
    %add3A_282 = arith.addi %mul3A_280, %add3A_281 : i32
    "tpu.region"() ({
      %run_scoped3A = tpu.sem_alloc : memref<!tpu.dma_semaphore, #tpu.memory_space<semaphore_mem>>
      %dma_start3A_375 = arith.constant 0 : i32
      %dma_start3A_376 = tpu.memref_slice %arg18[%add3A_282, %dma_start3A_375] : memref<10000x128xf32, #tpu.memory_space<vmem_shared>> -> memref<8x128xf32, #tpu.memory_space<vmem_shared>>
      %dma_start3A_377 = arith.constant 0 : i32
      %dma_start3A_378 = tpu.memref_slice %arg18[%add3A_282, %dma_start3A_377] : memref<10000x128xf32, #tpu.memory_space<vmem_shared>> -> memref<8x128xf32, #tpu.memory_space<vmem_shared>>
      tpu.enqueue_dma source(%arg17 : memref<8x128xf32, #tpu.memory_space<vmem>>) target(%dma_start3A_378 : memref<8x128xf32, #tpu.memory_space<vmem_shared>>) target_semaphore(%run_scoped3A : memref<!tpu.dma_semaphore, #tpu.memory_space<semaphore_mem>>)
      %dma_wait3A_379 = arith.constant 0 : i32
      %dma_wait3A_380 = tpu.memref_slice %arg18[%add3A_282, %dma_wait3A_379] : memref<10000x128xf32, #tpu.memory_space<vmem_shared>> -> memref<8x128xf32, #tpu.memory_space<vmem_shared>>
      %dma_wait3A_381 = arith.constant 0 : i32
      %dma_wait3A_382 = tpu.memref_slice %arg18[%add3A_282, %dma_wait3A_381] : memref<10000x128xf32, #tpu.memory_space<vmem_shared>> -> memref<8x128xf32, #tpu.memory_space<vmem_shared>>
      tpu.wait_dma2 semaphore(%run_scoped3A : memref<!tpu.dma_semaphore, #tpu.memory_space<semaphore_mem>>) src(%arg17 : memref<8x128xf32, #tpu.memory_space<vmem>>) dst(%dma_wait3A_382 : memref<8x128xf32, #tpu.memory_space<vmem_shared>>)
      tpu.yield
    }) : () -> ()
    %mul3A_283 = arith.constant 624 : i32
    %mul3A_284 = arith.muli %arg1, %mul3A_283 : i32
    %add3A_285 = arith.constant 552 : i32
    %add3A_286 = arith.addi %mul3A_284, %add3A_285 : i32
    "tpu.region"() ({
      %run_scoped3A = tpu.sem_alloc : memref<!tpu.dma_semaphore, #tpu.memory_space<semaphore_mem>>
      %dma_start3A_375 = arith.constant 0 : i32
      %dma_start3A_376 = tpu.memref_slice %arg18[%add3A_286, %dma_start3A_375] : memref<10000x128xf32, #tpu.memory_space<vmem_shared>> -> memref<8x128xf32, #tpu.memory_space<vmem_shared>>
      %dma_start3A_377 = arith.constant 0 : i32
      %dma_start3A_378 = tpu.memref_slice %arg18[%add3A_286, %dma_start3A_377] : memref<10000x128xf32, #tpu.memory_space<vmem_shared>> -> memref<8x128xf32, #tpu.memory_space<vmem_shared>>
      tpu.enqueue_dma source(%arg17 : memref<8x128xf32, #tpu.memory_space<vmem>>) target(%dma_start3A_378 : memref<8x128xf32, #tpu.memory_space<vmem_shared>>) target_semaphore(%run_scoped3A : memref<!tpu.dma_semaphore, #tpu.memory_space<semaphore_mem>>)
      %dma_wait3A_379 = arith.constant 0 : i32
      %dma_wait3A_380 = tpu.memref_slice %arg18[%add3A_286, %dma_wait3A_379] : memref<10000x128xf32, #tpu.memory_space<vmem_shared>> -> memref<8x128xf32, #tpu.memory_space<vmem_shared>>
      %dma_wait3A_381 = arith.constant 0 : i32
      %dma_wait3A_382 = tpu.memref_slice %arg18[%add3A_286, %dma_wait3A_381] : memref<10000x128xf32, #tpu.memory_space<vmem_shared>> -> memref<8x128xf32, #tpu.memory_space<vmem_shared>>
      tpu.wait_dma2 semaphore(%run_scoped3A : memref<!tpu.dma_semaphore, #tpu.memory_space<semaphore_mem>>) src(%arg17 : memref<8x128xf32, #tpu.memory_space<vmem>>) dst(%dma_wait3A_382 : memref<8x128xf32, #tpu.memory_space<vmem_shared>>)
      tpu.yield
    }) : () -> ()
    %mul3A_287 = arith.constant 624 : i32
    %mul3A_288 = arith.muli %arg1, %mul3A_287 : i32
    %add3A_289 = arith.constant 560 : i32
    %add3A_290 = arith.addi %mul3A_288, %add3A_289 : i32
    "tpu.region"() ({
      %run_scoped3A = tpu.sem_alloc : memref<!tpu.dma_semaphore, #tpu.memory_space<semaphore_mem>>
      %dma_start3A_375 = arith.constant 0 : i32
      %dma_start3A_376 = tpu.memref_slice %arg18[%add3A_290, %dma_start3A_375] : memref<10000x128xf32, #tpu.memory_space<vmem_shared>> -> memref<8x128xf32, #tpu.memory_space<vmem_shared>>
      %dma_start3A_377 = arith.constant 0 : i32
      %dma_start3A_378 = tpu.memref_slice %arg18[%add3A_290, %dma_start3A_377] : memref<10000x128xf32, #tpu.memory_space<vmem_shared>> -> memref<8x128xf32, #tpu.memory_space<vmem_shared>>
      tpu.enqueue_dma source(%arg17 : memref<8x128xf32, #tpu.memory_space<vmem>>) target(%dma_start3A_378 : memref<8x128xf32, #tpu.memory_space<vmem_shared>>) target_semaphore(%run_scoped3A : memref<!tpu.dma_semaphore, #tpu.memory_space<semaphore_mem>>)
      %dma_wait3A_379 = arith.constant 0 : i32
      %dma_wait3A_380 = tpu.memref_slice %arg18[%add3A_290, %dma_wait3A_379] : memref<10000x128xf32, #tpu.memory_space<vmem_shared>> -> memref<8x128xf32, #tpu.memory_space<vmem_shared>>
      %dma_wait3A_381 = arith.constant 0 : i32
      %dma_wait3A_382 = tpu.memref_slice %arg18[%add3A_290, %dma_wait3A_381] : memref<10000x128xf32, #tpu.memory_space<vmem_shared>> -> memref<8x128xf32, #tpu.memory_space<vmem_shared>>
      tpu.wait_dma2 semaphore(%run_scoped3A : memref<!tpu.dma_semaphore, #tpu.memory_space<semaphore_mem>>) src(%arg17 : memref<8x128xf32, #tpu.memory_space<vmem>>) dst(%dma_wait3A_382 : memref<8x128xf32, #tpu.memory_space<vmem_shared>>)
      tpu.yield
    }) : () -> ()
    %mul3A_291 = arith.constant 624 : i32
    %mul3A_292 = arith.muli %arg1, %mul3A_291 : i32
    %add3A_293 = arith.constant 568 : i32
    %add3A_294 = arith.addi %mul3A_292, %add3A_293 : i32
    "tpu.region"() ({
      %run_scoped3A = tpu.sem_alloc : memref<!tpu.dma_semaphore, #tpu.memory_space<semaphore_mem>>
      %dma_start3A_375 = arith.constant 0 : i32
      %dma_start3A_376 = tpu.memref_slice %arg18[%add3A_294, %dma_start3A_375] : memref<10000x128xf32, #tpu.memory_space<vmem_shared>> -> memref<8x128xf32, #tpu.memory_space<vmem_shared>>
      %dma_start3A_377 = arith.constant 0 : i32
      %dma_start3A_378 = tpu.memref_slice %arg18[%add3A_294, %dma_start3A_377] : memref<10000x128xf32, #tpu.memory_space<vmem_shared>> -> memref<8x128xf32, #tpu.memory_space<vmem_shared>>
      tpu.enqueue_dma source(%arg17 : memref<8x128xf32, #tpu.memory_space<vmem>>) target(%dma_start3A_378 : memref<8x128xf32, #tpu.memory_space<vmem_shared>>) target_semaphore(%run_scoped3A : memref<!tpu.dma_semaphore, #tpu.memory_space<semaphore_mem>>)
      %dma_wait3A_379 = arith.constant 0 : i32
      %dma_wait3A_380 = tpu.memref_slice %arg18[%add3A_294, %dma_wait3A_379] : memref<10000x128xf32, #tpu.memory_space<vmem_shared>> -> memref<8x128xf32, #tpu.memory_space<vmem_shared>>
      %dma_wait3A_381 = arith.constant 0 : i32
      %dma_wait3A_382 = tpu.memref_slice %arg18[%add3A_294, %dma_wait3A_381] : memref<10000x128xf32, #tpu.memory_space<vmem_shared>> -> memref<8x128xf32, #tpu.memory_space<vmem_shared>>
      tpu.wait_dma2 semaphore(%run_scoped3A : memref<!tpu.dma_semaphore, #tpu.memory_space<semaphore_mem>>) src(%arg17 : memref<8x128xf32, #tpu.memory_space<vmem>>) dst(%dma_wait3A_382 : memref<8x128xf32, #tpu.memory_space<vmem_shared>>)
      tpu.yield
    }) : () -> ()
    %mul3A_295 = arith.constant 624 : i32
    %mul3A_296 = arith.muli %arg1, %mul3A_295 : i32
    %add3A_297 = arith.constant 576 : i32
    %add3A_298 = arith.addi %mul3A_296, %add3A_297 : i32
    "tpu.region"() ({
      %run_scoped3A = tpu.sem_alloc : memref<!tpu.dma_semaphore, #tpu.memory_space<semaphore_mem>>
      %dma_start3A_375 = arith.constant 0 : i32
      %dma_start3A_376 = tpu.memref_slice %arg18[%add3A_298, %dma_start3A_375] : memref<10000x128xf32, #tpu.memory_space<vmem_shared>> -> memref<8x128xf32, #tpu.memory_space<vmem_shared>>
      %dma_start3A_377 = arith.constant 0 : i32
      %dma_start3A_378 = tpu.memref_slice %arg18[%add3A_298, %dma_start3A_377] : memref<10000x128xf32, #tpu.memory_space<vmem_shared>> -> memref<8x128xf32, #tpu.memory_space<vmem_shared>>
      tpu.enqueue_dma source(%arg17 : memref<8x128xf32, #tpu.memory_space<vmem>>) target(%dma_start3A_378 : memref<8x128xf32, #tpu.memory_space<vmem_shared>>) target_semaphore(%run_scoped3A : memref<!tpu.dma_semaphore, #tpu.memory_space<semaphore_mem>>)
      %dma_wait3A_379 = arith.constant 0 : i32
      %dma_wait3A_380 = tpu.memref_slice %arg18[%add3A_298, %dma_wait3A_379] : memref<10000x128xf32, #tpu.memory_space<vmem_shared>> -> memref<8x128xf32, #tpu.memory_space<vmem_shared>>
      %dma_wait3A_381 = arith.constant 0 : i32
      %dma_wait3A_382 = tpu.memref_slice %arg18[%add3A_298, %dma_wait3A_381] : memref<10000x128xf32, #tpu.memory_space<vmem_shared>> -> memref<8x128xf32, #tpu.memory_space<vmem_shared>>
      tpu.wait_dma2 semaphore(%run_scoped3A : memref<!tpu.dma_semaphore, #tpu.memory_space<semaphore_mem>>) src(%arg17 : memref<8x128xf32, #tpu.memory_space<vmem>>) dst(%dma_wait3A_382 : memref<8x128xf32, #tpu.memory_space<vmem_shared>>)
      tpu.yield
    }) : () -> ()
    %mul3A_299 = arith.constant 624 : i32
    %mul3A_300 = arith.muli %arg1, %mul3A_299 : i32
    %add3A_301 = arith.constant 584 : i32
    %add3A_302 = arith.addi %mul3A_300, %add3A_301 : i32
    "tpu.region"() ({
      %run_scoped3A = tpu.sem_alloc : memref<!tpu.dma_semaphore, #tpu.memory_space<semaphore_mem>>
      %dma_start3A_375 = arith.constant 0 : i32
      %dma_start3A_376 = tpu.memref_slice %arg18[%add3A_302, %dma_start3A_375] : memref<10000x128xf32, #tpu.memory_space<vmem_shared>> -> memref<8x128xf32, #tpu.memory_space<vmem_shared>>
      %dma_start3A_377 = arith.constant 0 : i32
      %dma_start3A_378 = tpu.memref_slice %arg18[%add3A_302, %dma_start3A_377] : memref<10000x128xf32, #tpu.memory_space<vmem_shared>> -> memref<8x128xf32, #tpu.memory_space<vmem_shared>>
      tpu.enqueue_dma source(%arg17 : memref<8x128xf32, #tpu.memory_space<vmem>>) target(%dma_start3A_378 : memref<8x128xf32, #tpu.memory_space<vmem_shared>>) target_semaphore(%run_scoped3A : memref<!tpu.dma_semaphore, #tpu.memory_space<semaphore_mem>>)
      %dma_wait3A_379 = arith.constant 0 : i32
      %dma_wait3A_380 = tpu.memref_slice %arg18[%add3A_302, %dma_wait3A_379] : memref<10000x128xf32, #tpu.memory_space<vmem_shared>> -> memref<8x128xf32, #tpu.memory_space<vmem_shared>>
      %dma_wait3A_381 = arith.constant 0 : i32
      %dma_wait3A_382 = tpu.memref_slice %arg18[%add3A_302, %dma_wait3A_381] : memref<10000x128xf32, #tpu.memory_space<vmem_shared>> -> memref<8x128xf32, #tpu.memory_space<vmem_shared>>
      tpu.wait_dma2 semaphore(%run_scoped3A : memref<!tpu.dma_semaphore, #tpu.memory_space<semaphore_mem>>) src(%arg17 : memref<8x128xf32, #tpu.memory_space<vmem>>) dst(%dma_wait3A_382 : memref<8x128xf32, #tpu.memory_space<vmem_shared>>)
      tpu.yield
    }) : () -> ()
    %mul3A_303 = arith.constant 624 : i32
    %mul3A_304 = arith.muli %arg1, %mul3A_303 : i32
    %add3A_305 = arith.constant 592 : i32
    %add3A_306 = arith.addi %mul3A_304, %add3A_305 : i32
    "tpu.region"() ({
      %run_scoped3A = tpu.sem_alloc : memref<!tpu.dma_semaphore, #tpu.memory_space<semaphore_mem>>
      %dma_start3A_375 = arith.constant 0 : i32
      %dma_start3A_376 = tpu.memref_slice %arg18[%add3A_306, %dma_start3A_375] : memref<10000x128xf32, #tpu.memory_space<vmem_shared>> -> memref<8x128xf32, #tpu.memory_space<vmem_shared>>
      %dma_start3A_377 = arith.constant 0 : i32
      %dma_start3A_378 = tpu.memref_slice %arg18[%add3A_306, %dma_start3A_377] : memref<10000x128xf32, #tpu.memory_space<vmem_shared>> -> memref<8x128xf32, #tpu.memory_space<vmem_shared>>
      tpu.enqueue_dma source(%arg17 : memref<8x128xf32, #tpu.memory_space<vmem>>) target(%dma_start3A_378 : memref<8x128xf32, #tpu.memory_space<vmem_shared>>) target_semaphore(%run_scoped3A : memref<!tpu.dma_semaphore, #tpu.memory_space<semaphore_mem>>)
      %dma_wait3A_379 = arith.constant 0 : i32
      %dma_wait3A_380 = tpu.memref_slice %arg18[%add3A_306, %dma_wait3A_379] : memref<10000x128xf32, #tpu.memory_space<vmem_shared>> -> memref<8x128xf32, #tpu.memory_space<vmem_shared>>
      %dma_wait3A_381 = arith.constant 0 : i32
      %dma_wait3A_382 = tpu.memref_slice %arg18[%add3A_306, %dma_wait3A_381] : memref<10000x128xf32, #tpu.memory_space<vmem_shared>> -> memref<8x128xf32, #tpu.memory_space<vmem_shared>>
      tpu.wait_dma2 semaphore(%run_scoped3A : memref<!tpu.dma_semaphore, #tpu.memory_space<semaphore_mem>>) src(%arg17 : memref<8x128xf32, #tpu.memory_space<vmem>>) dst(%dma_wait3A_382 : memref<8x128xf32, #tpu.memory_space<vmem_shared>>)
      tpu.yield
    }) : () -> ()
    %mul3A_307 = arith.constant 624 : i32
    %mul3A_308 = arith.muli %arg1, %mul3A_307 : i32
    %add3A_309 = arith.constant 600 : i32
    %add3A_310 = arith.addi %mul3A_308, %add3A_309 : i32
    "tpu.region"() ({
      %run_scoped3A = tpu.sem_alloc : memref<!tpu.dma_semaphore, #tpu.memory_space<semaphore_mem>>
      %dma_start3A_375 = arith.constant 0 : i32
      %dma_start3A_376 = tpu.memref_slice %arg18[%add3A_310, %dma_start3A_375] : memref<10000x128xf32, #tpu.memory_space<vmem_shared>> -> memref<8x128xf32, #tpu.memory_space<vmem_shared>>
      %dma_start3A_377 = arith.constant 0 : i32
      %dma_start3A_378 = tpu.memref_slice %arg18[%add3A_310, %dma_start3A_377] : memref<10000x128xf32, #tpu.memory_space<vmem_shared>> -> memref<8x128xf32, #tpu.memory_space<vmem_shared>>
      tpu.enqueue_dma source(%arg17 : memref<8x128xf32, #tpu.memory_space<vmem>>) target(%dma_start3A_378 : memref<8x128xf32, #tpu.memory_space<vmem_shared>>) target_semaphore(%run_scoped3A : memref<!tpu.dma_semaphore, #tpu.memory_space<semaphore_mem>>)
      %dma_wait3A_379 = arith.constant 0 : i32
      %dma_wait3A_380 = tpu.memref_slice %arg18[%add3A_310, %dma_wait3A_379] : memref<10000x128xf32, #tpu.memory_space<vmem_shared>> -> memref<8x128xf32, #tpu.memory_space<vmem_shared>>
      %dma_wait3A_381 = arith.constant 0 : i32
      %dma_wait3A_382 = tpu.memref_slice %arg18[%add3A_310, %dma_wait3A_381] : memref<10000x128xf32, #tpu.memory_space<vmem_shared>> -> memref<8x128xf32, #tpu.memory_space<vmem_shared>>
      tpu.wait_dma2 semaphore(%run_scoped3A : memref<!tpu.dma_semaphore, #tpu.memory_space<semaphore_mem>>) src(%arg17 : memref<8x128xf32, #tpu.memory_space<vmem>>) dst(%dma_wait3A_382 : memref<8x128xf32, #tpu.memory_space<vmem_shared>>)
      tpu.yield
    }) : () -> ()
    %mul3A_311 = arith.constant 624 : i32
    %mul3A_312 = arith.muli %arg1, %mul3A_311 : i32
    %add3A_313 = arith.constant 608 : i32
    %add3A_314 = arith.addi %mul3A_312, %add3A_313 : i32
    "tpu.region"() ({
      %run_scoped3A = tpu.sem_alloc : memref<!tpu.dma_semaphore, #tpu.memory_space<semaphore_mem>>
      %dma_start3A_375 = arith.constant 0 : i32
      %dma_start3A_376 = tpu.memref_slice %arg18[%add3A_314, %dma_start3A_375] : memref<10000x128xf32, #tpu.memory_space<vmem_shared>> -> memref<8x128xf32, #tpu.memory_space<vmem_shared>>
      %dma_start3A_377 = arith.constant 0 : i32
      %dma_start3A_378 = tpu.memref_slice %arg18[%add3A_314, %dma_start3A_377] : memref<10000x128xf32, #tpu.memory_space<vmem_shared>> -> memref<8x128xf32, #tpu.memory_space<vmem_shared>>
      tpu.enqueue_dma source(%arg17 : memref<8x128xf32, #tpu.memory_space<vmem>>) target(%dma_start3A_378 : memref<8x128xf32, #tpu.memory_space<vmem_shared>>) target_semaphore(%run_scoped3A : memref<!tpu.dma_semaphore, #tpu.memory_space<semaphore_mem>>)
      %dma_wait3A_379 = arith.constant 0 : i32
      %dma_wait3A_380 = tpu.memref_slice %arg18[%add3A_314, %dma_wait3A_379] : memref<10000x128xf32, #tpu.memory_space<vmem_shared>> -> memref<8x128xf32, #tpu.memory_space<vmem_shared>>
      %dma_wait3A_381 = arith.constant 0 : i32
      %dma_wait3A_382 = tpu.memref_slice %arg18[%add3A_314, %dma_wait3A_381] : memref<10000x128xf32, #tpu.memory_space<vmem_shared>> -> memref<8x128xf32, #tpu.memory_space<vmem_shared>>
      tpu.wait_dma2 semaphore(%run_scoped3A : memref<!tpu.dma_semaphore, #tpu.memory_space<semaphore_mem>>) src(%arg17 : memref<8x128xf32, #tpu.memory_space<vmem>>) dst(%dma_wait3A_382 : memref<8x128xf32, #tpu.memory_space<vmem_shared>>)
      tpu.yield
    }) : () -> ()
    %mul3A_315 = arith.constant 624 : i32
    %mul3A_316 = arith.muli %arg1, %mul3A_315 : i32
    %add3A_317 = arith.constant 616 : i32
    %add3A_318 = arith.addi %mul3A_316, %add3A_317 : i32
    "tpu.region"() ({
      %run_scoped3A = tpu.sem_alloc : memref<!tpu.dma_semaphore, #tpu.memory_space<semaphore_mem>>
      %dma_start3A_375 = arith.constant 0 : i32
      %dma_start3A_376 = tpu.memref_slice %arg18[%add3A_318, %dma_start3A_375] : memref<10000x128xf32, #tpu.memory_space<vmem_shared>> -> memref<8x128xf32, #tpu.memory_space<vmem_shared>>
      %dma_start3A_377 = arith.constant 0 : i32
      %dma_start3A_378 = tpu.memref_slice %arg18[%add3A_318, %dma_start3A_377] : memref<10000x128xf32, #tpu.memory_space<vmem_shared>> -> memref<8x128xf32, #tpu.memory_space<vmem_shared>>
      tpu.enqueue_dma source(%arg17 : memref<8x128xf32, #tpu.memory_space<vmem>>) target(%dma_start3A_378 : memref<8x128xf32, #tpu.memory_space<vmem_shared>>) target_semaphore(%run_scoped3A : memref<!tpu.dma_semaphore, #tpu.memory_space<semaphore_mem>>)
      %dma_wait3A_379 = arith.constant 0 : i32
      %dma_wait3A_380 = tpu.memref_slice %arg18[%add3A_318, %dma_wait3A_379] : memref<10000x128xf32, #tpu.memory_space<vmem_shared>> -> memref<8x128xf32, #tpu.memory_space<vmem_shared>>
      %dma_wait3A_381 = arith.constant 0 : i32
      %dma_wait3A_382 = tpu.memref_slice %arg18[%add3A_318, %dma_wait3A_381] : memref<10000x128xf32, #tpu.memory_space<vmem_shared>> -> memref<8x128xf32, #tpu.memory_space<vmem_shared>>
      tpu.wait_dma2 semaphore(%run_scoped3A : memref<!tpu.dma_semaphore, #tpu.memory_space<semaphore_mem>>) src(%arg17 : memref<8x128xf32, #tpu.memory_space<vmem>>) dst(%dma_wait3A_382 : memref<8x128xf32, #tpu.memory_space<vmem_shared>>)
      tpu.yield
    }) : () -> ()
    %eq3A = arith.constant 0 : i32
    %eq3A_319 = arith.cmpi eq, %arg1, %eq3A : i32
    %convert_element_type3A = arith.extui %eq3A_319 : i1 to i32
    %cond3A = arith.constant 0 : i32
    %cond3A_320 = arith.cmpi ne, %convert_element_type3A, %cond3A : i32
    scf.if %cond3A_320 {
      "tpu.region"() ({
        %run_scoped3A = tpu.sem_alloc : memref<!tpu.dma_semaphore, #tpu.memory_space<semaphore_mem>>
        %dma_start3A_375 = arith.constant 0 : i32
        %dma_start3A_376 = arith.constant 0 : i32
        %dma_start3A_377 = tpu.memref_slice %arg17[%dma_start3A_375, %dma_start3A_376] : memref<8x128xf32, #tpu.memory_space<vmem>> -> memref<16x128xf32, #tpu.memory_space<vmem>>
        %dma_start3A_378 = arith.constant 9984 : i32
        %dma_start3A_379 = arith.constant 0 : i32
        %dma_start3A_380 = tpu.memref_slice %arg18[%dma_start3A_378, %dma_start3A_379] : memref<10000x128xf32, #tpu.memory_space<vmem_shared>> -> memref<16x128xf32, #tpu.memory_space<vmem_shared>>
        %dma_start3A_381 = arith.constant 9984 : i32
        %dma_start3A_382 = arith.constant 0 : i32
        %dma_start3A_383 = tpu.memref_slice %arg18[%dma_start3A_381, %dma_start3A_382] : memref<10000x128xf32, #tpu.memory_space<vmem_shared>> -> memref<16x128xf32, #tpu.memory_space<vmem_shared>>
        %dma_start3A_384 = arith.constant 0 : i32
        %dma_start3A_385 = arith.constant 0 : i32
        %dma_start3A_386 = tpu.memref_slice %arg17[%dma_start3A_384, %dma_start3A_385] : memref<8x128xf32, #tpu.memory_space<vmem>> -> memref<16x128xf32, #tpu.memory_space<vmem>>
        tpu.enqueue_dma source(%dma_start3A_386 : memref<16x128xf32, #tpu.memory_space<vmem>>) target(%dma_start3A_383 : memref<16x128xf32, #tpu.memory_space<vmem_shared>>) target_semaphore(%run_scoped3A : memref<!tpu.dma_semaphore, #tpu.memory_space<semaphore_mem>>)
        %dma_wait3A_387 = arith.constant 0 : i32
        %dma_wait3A_388 = arith.constant 0 : i32
        %dma_wait3A_389 = tpu.memref_slice %arg17[%dma_wait3A_387, %dma_wait3A_388] : memref<8x128xf32, #tpu.memory_space<vmem>> -> memref<16x128xf32, #tpu.memory_space<vmem>>
        %dma_wait3A_390 = arith.constant 9984 : i32
        %dma_wait3A_391 = arith.constant 0 : i32
        %dma_wait3A_392 = tpu.memref_slice %arg18[%dma_wait3A_390, %dma_wait3A_391] : memref<10000x128xf32, #tpu.memory_space<vmem_shared>> -> memref<16x128xf32, #tpu.memory_space<vmem_shared>>
        %dma_wait3A_393 = arith.constant 9984 : i32
        %dma_wait3A_394 = arith.constant 0 : i32
        %dma_wait3A_395 = tpu.memref_slice %arg18[%dma_wait3A_393, %dma_wait3A_394] : memref<10000x128xf32, #tpu.memory_space<vmem_shared>> -> memref<16x128xf32, #tpu.memory_space<vmem_shared>>
        %dma_wait3A_396 = arith.constant 0 : i32
        %dma_wait3A_397 = arith.constant 0 : i32
        %dma_wait3A_398 = tpu.memref_slice %arg17[%dma_wait3A_396, %dma_wait3A_397] : memref<8x128xf32, #tpu.memory_space<vmem>> -> memref<16x128xf32, #tpu.memory_space<vmem>>
        tpu.wait_dma2 semaphore(%run_scoped3A : memref<!tpu.dma_semaphore, #tpu.memory_space<semaphore_mem>>) src(%dma_wait3A_398 : memref<16x128xf32, #tpu.memory_space<vmem>>) dst(%dma_wait3A_395 : memref<16x128xf32, #tpu.memory_space<vmem_shared>>)
        tpu.yield
      }) : () -> ()
    } else {
    }
    %barrier3A = arith.constant 0 : index
    tpu.barrier barrier_id(%barrier3A)
    %mul3A_321 = arith.constant 10240 : i32
    %mul3A_322 = arith.muli %add3A, %mul3A_321 : i32
    %add3A_323 = arith.constant 0 : i32
    %add3A_324 = arith.addi %mul3A_322, %add3A_323 : i32
    %dma_start3A = tpu.memref_slice %arg3[%add3A_324] : memref<327680xi32, #tpu.memory_space<hbm>> -> memref<128xi32, #tpu.memory_space<hbm>>
    %dma_start3A_325 = tpu.memref_slice %arg3[%add3A_324] : memref<327680xi32, #tpu.memory_space<hbm>> -> memref<128xi32, #tpu.memory_space<hbm>>
    tpu.enqueue_dma source(%dma_start3A_325 : memref<128xi32, #tpu.memory_space<hbm>>) target(%arg7 : memref<128xi32, #tpu.memory_space<vmem>>) target_semaphore(%arg21 : memref<!tpu.dma_semaphore, #tpu.memory_space<semaphore_mem>>)
    %dma_start3A_326 = tpu.memref_slice %arg4[%add3A_324] : memref<327680xi32, #tpu.memory_space<hbm>> -> memref<128xi32, #tpu.memory_space<hbm>>
    %dma_start3A_327 = tpu.memref_slice %arg4[%add3A_324] : memref<327680xi32, #tpu.memory_space<hbm>> -> memref<128xi32, #tpu.memory_space<hbm>>
    tpu.enqueue_dma source(%dma_start3A_327 : memref<128xi32, #tpu.memory_space<hbm>>) target(%arg9 : memref<128xi32, #tpu.memory_space<vmem>>) target_semaphore(%arg21 : memref<!tpu.dma_semaphore, #tpu.memory_space<semaphore_mem>>)
    %dma_start3A_328 = tpu.memref_slice %arg5[%add3A_324] : memref<327680xf32, #tpu.memory_space<hbm>> -> memref<128xf32, #tpu.memory_space<hbm>>
    %dma_start3A_329 = tpu.memref_slice %arg5[%add3A_324] : memref<327680xf32, #tpu.memory_space<hbm>> -> memref<128xf32, #tpu.memory_space<hbm>>
    tpu.enqueue_dma source(%dma_start3A_329 : memref<128xf32, #tpu.memory_space<hbm>>) target(%arg11 : memref<128xf32, #tpu.memory_space<vmem>>) target_semaphore(%arg21 : memref<!tpu.dma_semaphore, #tpu.memory_space<semaphore_mem>>)
    %add3A_330 = arith.constant 128 : i32
    %add3A_331 = arith.addi %mul3A_322, %add3A_330 : i32
    %dma_start3A_332 = tpu.memref_slice %arg3[%add3A_331] : memref<327680xi32, #tpu.memory_space<hbm>> -> memref<128xi32, #tpu.memory_space<hbm>>
    %dma_start3A_333 = tpu.memref_slice %arg3[%add3A_331] : memref<327680xi32, #tpu.memory_space<hbm>> -> memref<128xi32, #tpu.memory_space<hbm>>
    tpu.enqueue_dma source(%dma_start3A_333 : memref<128xi32, #tpu.memory_space<hbm>>) target(%arg8 : memref<128xi32, #tpu.memory_space<vmem>>) target_semaphore(%arg22 : memref<!tpu.dma_semaphore, #tpu.memory_space<semaphore_mem>>)
    %dma_start3A_334 = tpu.memref_slice %arg4[%add3A_331] : memref<327680xi32, #tpu.memory_space<hbm>> -> memref<128xi32, #tpu.memory_space<hbm>>
    %dma_start3A_335 = tpu.memref_slice %arg4[%add3A_331] : memref<327680xi32, #tpu.memory_space<hbm>> -> memref<128xi32, #tpu.memory_space<hbm>>
    tpu.enqueue_dma source(%dma_start3A_335 : memref<128xi32, #tpu.memory_space<hbm>>) target(%arg10 : memref<128xi32, #tpu.memory_space<vmem>>) target_semaphore(%arg22 : memref<!tpu.dma_semaphore, #tpu.memory_space<semaphore_mem>>)
    %dma_start3A_336 = tpu.memref_slice %arg5[%add3A_331] : memref<327680xf32, #tpu.memory_space<hbm>> -> memref<128xf32, #tpu.memory_space<hbm>>
    %dma_start3A_337 = tpu.memref_slice %arg5[%add3A_331] : memref<327680xf32, #tpu.memory_space<hbm>> -> memref<128xf32, #tpu.memory_space<hbm>>
    tpu.enqueue_dma source(%dma_start3A_337 : memref<128xf32, #tpu.memory_space<hbm>>) target(%arg12 : memref<128xf32, #tpu.memory_space<vmem>>) target_semaphore(%arg22 : memref<!tpu.dma_semaphore, #tpu.memory_space<semaphore_mem>>)
    %dma_wait3A = arith.constant 0 : i32
    %dma_wait3A_338 = tpu.memref_slice %arg3[%dma_wait3A] : memref<327680xi32, #tpu.memory_space<hbm>> -> memref<128xi32, #tpu.memory_space<hbm>>
    %dma_wait3A_339 = arith.constant 0 : i32
    %dma_wait3A_340 = tpu.memref_slice %arg3[%dma_wait3A_339] : memref<327680xi32, #tpu.memory_space<hbm>> -> memref<128xi32, #tpu.memory_space<hbm>>
    tpu.wait_dma2 semaphore(%arg21 : memref<!tpu.dma_semaphore, #tpu.memory_space<semaphore_mem>>) src(%dma_wait3A_340 : memref<128xi32, #tpu.memory_space<hbm>>) dst(%arg7 : memref<128xi32, #tpu.memory_space<vmem>>)
    %dma_wait3A_341 = arith.constant 0 : i32
    %dma_wait3A_342 = tpu.memref_slice %arg3[%dma_wait3A_341] : memref<327680xi32, #tpu.memory_space<hbm>> -> memref<128xi32, #tpu.memory_space<hbm>>
    %dma_wait3A_343 = arith.constant 0 : i32
    %dma_wait3A_344 = tpu.memref_slice %arg3[%dma_wait3A_343] : memref<327680xi32, #tpu.memory_space<hbm>> -> memref<128xi32, #tpu.memory_space<hbm>>
    tpu.wait_dma2 semaphore(%arg21 : memref<!tpu.dma_semaphore, #tpu.memory_space<semaphore_mem>>) src(%dma_wait3A_344 : memref<128xi32, #tpu.memory_space<hbm>>) dst(%arg9 : memref<128xi32, #tpu.memory_space<vmem>>)
    %dma_wait3A_345 = arith.constant 0 : i32
    %dma_wait3A_346 = tpu.memref_slice %arg5[%dma_wait3A_345] : memref<327680xf32, #tpu.memory_space<hbm>> -> memref<128xf32, #tpu.memory_space<hbm>>
    %dma_wait3A_347 = arith.constant 0 : i32
    %dma_wait3A_348 = tpu.memref_slice %arg5[%dma_wait3A_347] : memref<327680xf32, #tpu.memory_space<hbm>> -> memref<128xf32, #tpu.memory_space<hbm>>
    tpu.wait_dma2 semaphore(%arg21 : memref<!tpu.dma_semaphore, #tpu.memory_space<semaphore_mem>>) src(%dma_wait3A_348 : memref<128xf32, #tpu.memory_space<hbm>>) dst(%arg11 : memref<128xf32, #tpu.memory_space<vmem>>)
    %dma_start3A_349 = arith.constant 0 : i32
    %dma_start3A_350 = arith.constant 0 : i32
    %dma_start3A_351 = tpu.memref_slice %arg2[%dma_start3A_349, %dma_start3A_350] : memref<10000x64xi32, #tpu.memory_space<hbm>> -> memref<10000x64xi32, #tpu.memory_space<hbm>>
    tpu.enqueue_indirect_dma source(%dma_start3A_351 : memref<10000x64xi32, #tpu.memory_space<hbm>>) target(%arg13 : memref<128x64xi32, #tpu.memory_space<vmem>>) offsets(%arg9 : memref<128xi32, #tpu.memory_space<vmem>>) semaphore(%arg19 : memref<!tpu.dma_semaphore, #tpu.memory_space<semaphore_mem>>)
    %scan3A_352 = arith.constant 0 : i32
    %scan3A_353 = arith.constant 0 : i32
    %scan3A_354 = arith.constant 40 : i32
    %scan3A_355 = arith.addi %scan3A_353, %scan3A_354 : i32
    %scan3A_356 = arith.constant 1 : i32
    %scan3A_357 = scf.for %scan3A_375 = %scan3A_353 to %scan3A_355 step %scan3A_356 iter_args(%scan3A_376 = %scan3A_352) -> (i32)  : i32 {
      %mul3A_377 = arith.constant 2 : i32
      %mul3A_378 = arith.muli %mul3A_377, %scan3A_375 : i32
      %lt3A = arith.constant 39 : i32
      %lt3A_379 = arith.cmpi slt, %scan3A_375, %lt3A : i32
      %dma_wait3A_380 = arith.constant 0 : i32
      %dma_wait3A_381 = tpu.memref_slice %arg3[%dma_wait3A_380] : memref<327680xi32, #tpu.memory_space<hbm>> -> memref<128xi32, #tpu.memory_space<hbm>>
      %dma_wait3A_382 = arith.constant 0 : i32
      %dma_wait3A_383 = tpu.memref_slice %arg3[%dma_wait3A_382] : memref<327680xi32, #tpu.memory_space<hbm>> -> memref<128xi32, #tpu.memory_space<hbm>>
      tpu.wait_dma2 semaphore(%arg22 : memref<!tpu.dma_semaphore, #tpu.memory_space<semaphore_mem>>) src(%dma_wait3A_383 : memref<128xi32, #tpu.memory_space<hbm>>) dst(%arg8 : memref<128xi32, #tpu.memory_space<vmem>>)
      %dma_wait3A_384 = arith.constant 0 : i32
      %dma_wait3A_385 = tpu.memref_slice %arg3[%dma_wait3A_384] : memref<327680xi32, #tpu.memory_space<hbm>> -> memref<128xi32, #tpu.memory_space<hbm>>
      %dma_wait3A_386 = arith.constant 0 : i32
      %dma_wait3A_387 = tpu.memref_slice %arg3[%dma_wait3A_386] : memref<327680xi32, #tpu.memory_space<hbm>> -> memref<128xi32, #tpu.memory_space<hbm>>
      tpu.wait_dma2 semaphore(%arg22 : memref<!tpu.dma_semaphore, #tpu.memory_space<semaphore_mem>>) src(%dma_wait3A_387 : memref<128xi32, #tpu.memory_space<hbm>>) dst(%arg10 : memref<128xi32, #tpu.memory_space<vmem>>)
      %dma_wait3A_388 = arith.constant 0 : i32
      %dma_wait3A_389 = tpu.memref_slice %arg5[%dma_wait3A_388] : memref<327680xf32, #tpu.memory_space<hbm>> -> memref<128xf32, #tpu.memory_space<hbm>>
      %dma_wait3A_390 = arith.constant 0 : i32
      %dma_wait3A_391 = tpu.memref_slice %arg5[%dma_wait3A_390] : memref<327680xf32, #tpu.memory_space<hbm>> -> memref<128xf32, #tpu.memory_space<hbm>>
      tpu.wait_dma2 semaphore(%arg22 : memref<!tpu.dma_semaphore, #tpu.memory_space<semaphore_mem>>) src(%dma_wait3A_391 : memref<128xf32, #tpu.memory_space<hbm>>) dst(%arg12 : memref<128xf32, #tpu.memory_space<vmem>>)
      %dma_start3A_392 = arith.constant 0 : i32
      %dma_start3A_393 = arith.constant 0 : i32
      %dma_start3A_394 = tpu.memref_slice %arg2[%dma_start3A_392, %dma_start3A_393] : memref<10000x64xi32, #tpu.memory_space<hbm>> -> memref<10000x64xi32, #tpu.memory_space<hbm>>
      tpu.enqueue_indirect_dma source(%dma_start3A_394 : memref<10000x64xi32, #tpu.memory_space<hbm>>) target(%arg14 : memref<128x64xi32, #tpu.memory_space<vmem>>) offsets(%arg10 : memref<128xi32, #tpu.memory_space<vmem>>) semaphore(%arg20 : memref<!tpu.dma_semaphore, #tpu.memory_space<semaphore_mem>>)
      %gt3A = arith.constant 0 : i32
      %gt3A_395 = arith.cmpi sgt, %scan3A_375, %gt3A : i32
      %convert_element_type3A_396 = arith.extui %gt3A_395 : i1 to i32
      %cond3A_397 = arith.constant 0 : i32
      %cond3A_398 = arith.cmpi ne, %convert_element_type3A_396, %cond3A_397 : i32
      scf.if %cond3A_398 {
        %dma_wait3A_437 = arith.constant 0 : i32
        %dma_wait3A_438 = arith.constant 0 : i32
        %dma_wait3A_439 = tpu.memref_slice %arg18[%dma_wait3A_437, %dma_wait3A_438] : memref<10000x128xf32, #tpu.memory_space<vmem_shared>> -> memref<10000x128xf32, #tpu.memory_space<vmem_shared>>
        tpu.wait_indirect_dma semaphore(%arg23 : memref<!tpu.dma_semaphore, #tpu.memory_space<semaphore_mem>>) src(%arg15 : memref<128x128xf32, #tpu.memory_space<vmem>>) dst(%dma_wait3A_439 : memref<10000x128xf32, #tpu.memory_space<vmem_shared>>)
      } else {
      }
      %dma_wait3A_399 = arith.constant 0 : i32
      %dma_wait3A_400 = arith.constant 0 : i32
      %dma_wait3A_401 = tpu.memref_slice %arg2[%dma_wait3A_399, %dma_wait3A_400] : memref<10000x64xi32, #tpu.memory_space<hbm>> -> memref<10000x64xi32, #tpu.memory_space<hbm>>
      tpu.wait_indirect_dma semaphore(%arg19 : memref<!tpu.dma_semaphore, #tpu.memory_space<semaphore_mem>>) src(%dma_wait3A_401 : memref<10000x64xi32, #tpu.memory_space<hbm>>) dst(%arg13 : memref<128x64xi32, #tpu.memory_space<vmem>>)
      %scan3A_402 = arith.constant 0 : i32
      %scan3A_403 = arith.constant 0 : i32
      %scan3A_404 = arith.constant 64 : i32
      %scan3A_405 = arith.addi %scan3A_403, %scan3A_404 : i32
      %scan3A_406 = arith.constant 1 : i32
      %scan3A_407 = scf.for %scan3A_437 = %scan3A_403 to %scan3A_405 step %scan3A_406 iter_args(%scan3A_438 = %scan3A_402) -> (i32)  : i32 {
        %mul3A_439 = arith.constant 2 : i32
        %mul3A_440 = arith.muli %mul3A_439, %scan3A_437 : i32
        %add3A_441 = arith.constant 0 : i32
        %add3A_442 = arith.addi %mul3A_440, %add3A_441 : i32
        %broadcast_in_dim3A = vector.broadcast %add3A_442 : i32 to vector<16xi32>
        %gather3A = tpu.vector_load_idx %arg11[%broadcast_in_dim3A] : memref<128xf32, #tpu.memory_space<vmem>>[vector<16xi32>], vector<16xf32>,
        %get3A = arith.index_cast %add3A_442 : i32 to index
        %get3A_443 = arith.constant 0 : index
        %get3A_444 = tpu.vector_load %arg13[%get3A, %get3A_443] {strides = array<i32>} : memref<128x64xi32, #tpu.memory_space<vmem>>, vector<16xi32>,
        %shift_left3A = arith.constant 16 : i32
        %shift_left3A_445 = vector.broadcast %shift_left3A : i32 to vector<16xi32>
        %shift_left3A_446 = arith.shli %get3A_444, %shift_left3A_445 : vector<16xi32>
        %bitcast3A = vector.bitcast %shift_left3A_446 : vector<16xi32> to vector<16xf32>
        %and3A = arith.constant -65536 : i32
        %and3A_447 = vector.broadcast %and3A : i32 to vector<16xi32>
        %and3A_448 = arith.andi %get3A_444, %and3A_447 : vector<16xi32>
        %bitcast3A_449 = vector.bitcast %and3A_448 : vector<16xi32> to vector<16xf32>
        %mul3A_450 = arith.mulf %bitcast3A, %gather3A : vector<16xf32>
        %swap3A = arith.index_cast %add3A_442 : i32 to index
        %swap3A_451 = arith.constant 0 : index
        %swap3A_452 = tpu.vector_load %arg15[%swap3A, %swap3A_451] {strides = array<i32>} : memref<128x128xf32, #tpu.memory_space<vmem>>, vector<16xf32>,
        tpu.vector_store %arg15[%swap3A, %swap3A_451], %mul3A_450 {strides = array<i32>} : memref<128x128xf32, #tpu.memory_space<vmem>>, vector<16xf32>,
        %mul3A_453 = arith.mulf %bitcast3A_449, %gather3A : vector<16xf32>
        %swap3A_454 = arith.index_cast %add3A_442 : i32 to index
        %swap3A_455 = arith.constant 16 : index
        %swap3A_456 = tpu.vector_load %arg15[%swap3A_454, %swap3A_455] {strides = array<i32>} : memref<128x128xf32, #tpu.memory_space<vmem>>, vector<16xf32>,
        tpu.vector_store %arg15[%swap3A_454, %swap3A_455], %mul3A_453 {strides = array<i32>} : memref<128x128xf32, #tpu.memory_space<vmem>>, vector<16xf32>,
        %get3A_457 = arith.index_cast %add3A_442 : i32 to index
        %get3A_458 = arith.constant 16 : index
        %get3A_459 = tpu.vector_load %arg13[%get3A_457, %get3A_458] {strides = array<i32>} : memref<128x64xi32, #tpu.memory_space<vmem>>, vector<16xi32>,
        %shift_left3A_460 = arith.constant 16 : i32
        %shift_left3A_461 = vector.broadcast %shift_left3A_460 : i32 to vector<16xi32>
        %shift_left3A_462 = arith.shli %get3A_459, %shift_left3A_461 : vector<16xi32>
        %bitcast3A_463 = vector.bitcast %shift_left3A_462 : vector<16xi32> to vector<16xf32>
        %and3A_464 = arith.constant -65536 : i32
        %and3A_465 = vector.broadcast %and3A_464 : i32 to vector<16xi32>
        %and3A_466 = arith.andi %get3A_459, %and3A_465 : vector<16xi32>
        %bitcast3A_467 = vector.bitcast %and3A_466 : vector<16xi32> to vector<16xf32>
        %mul3A_468 = arith.mulf %bitcast3A_463, %gather3A : vector<16xf32>
        %swap3A_469 = arith.index_cast %add3A_442 : i32 to index
        %swap3A_470 = arith.constant 32 : index
        %swap3A_471 = tpu.vector_load %arg15[%swap3A_469, %swap3A_470] {strides = array<i32>} : memref<128x128xf32, #tpu.memory_space<vmem>>, vector<16xf32>,
        tpu.vector_store %arg15[%swap3A_469, %swap3A_470], %mul3A_468 {strides = array<i32>} : memref<128x128xf32, #tpu.memory_space<vmem>>, vector<16xf32>,
        %mul3A_472 = arith.mulf %bitcast3A_467, %gather3A : vector<16xf32>
        %swap3A_473 = arith.index_cast %add3A_442 : i32 to index
        %swap3A_474 = arith.constant 48 : index
        %swap3A_475 = tpu.vector_load %arg15[%swap3A_473, %swap3A_474] {strides = array<i32>} : memref<128x128xf32, #tpu.memory_space<vmem>>, vector<16xf32>,
        tpu.vector_store %arg15[%swap3A_473, %swap3A_474], %mul3A_472 {strides = array<i32>} : memref<128x128xf32, #tpu.memory_space<vmem>>, vector<16xf32>,
        %get3A_476 = arith.index_cast %add3A_442 : i32 to index
        %get3A_477 = arith.constant 32 : index
        %get3A_478 = tpu.vector_load %arg13[%get3A_476, %get3A_477] {strides = array<i32>} : memref<128x64xi32, #tpu.memory_space<vmem>>, vector<16xi32>,
        %shift_left3A_479 = arith.constant 16 : i32
        %shift_left3A_480 = vector.broadcast %shift_left3A_479 : i32 to vector<16xi32>
        %shift_left3A_481 = arith.shli %get3A_478, %shift_left3A_480 : vector<16xi32>
        %bitcast3A_482 = vector.bitcast %shift_left3A_481 : vector<16xi32> to vector<16xf32>
        %and3A_483 = arith.constant -65536 : i32
        %and3A_484 = vector.broadcast %and3A_483 : i32 to vector<16xi32>
        %and3A_485 = arith.andi %get3A_478, %and3A_484 : vector<16xi32>
        %bitcast3A_486 = vector.bitcast %and3A_485 : vector<16xi32> to vector<16xf32>
        %mul3A_487 = arith.mulf %bitcast3A_482, %gather3A : vector<16xf32>
        %swap3A_488 = arith.index_cast %add3A_442 : i32 to index
        %swap3A_489 = arith.constant 64 : index
        %swap3A_490 = tpu.vector_load %arg15[%swap3A_488, %swap3A_489] {strides = array<i32>} : memref<128x128xf32, #tpu.memory_space<vmem>>, vector<16xf32>,
        tpu.vector_store %arg15[%swap3A_488, %swap3A_489], %mul3A_487 {strides = array<i32>} : memref<128x128xf32, #tpu.memory_space<vmem>>, vector<16xf32>,
        %mul3A_491 = arith.mulf %bitcast3A_486, %gather3A : vector<16xf32>
        %swap3A_492 = arith.index_cast %add3A_442 : i32 to index
        %swap3A_493 = arith.constant 80 : index
        %swap3A_494 = tpu.vector_load %arg15[%swap3A_492, %swap3A_493] {strides = array<i32>} : memref<128x128xf32, #tpu.memory_space<vmem>>, vector<16xf32>,
        tpu.vector_store %arg15[%swap3A_492, %swap3A_493], %mul3A_491 {strides = array<i32>} : memref<128x128xf32, #tpu.memory_space<vmem>>, vector<16xf32>,
        %get3A_495 = arith.index_cast %add3A_442 : i32 to index
        %get3A_496 = arith.constant 48 : index
        %get3A_497 = tpu.vector_load %arg13[%get3A_495, %get3A_496] {strides = array<i32>} : memref<128x64xi32, #tpu.memory_space<vmem>>, vector<16xi32>,
        %shift_left3A_498 = arith.constant 16 : i32
        %shift_left3A_499 = vector.broadcast %shift_left3A_498 : i32 to vector<16xi32>
        %shift_left3A_500 = arith.shli %get3A_497, %shift_left3A_499 : vector<16xi32>
        %bitcast3A_501 = vector.bitcast %shift_left3A_500 : vector<16xi32> to vector<16xf32>
        %and3A_502 = arith.constant -65536 : i32
        %and3A_503 = vector.broadcast %and3A_502 : i32 to vector<16xi32>
        %and3A_504 = arith.andi %get3A_497, %and3A_503 : vector<16xi32>
        %bitcast3A_505 = vector.bitcast %and3A_504 : vector<16xi32> to vector<16xf32>
        %mul3A_506 = arith.mulf %bitcast3A_501, %gather3A : vector<16xf32>
        %swap3A_507 = arith.index_cast %add3A_442 : i32 to index
        %swap3A_508 = arith.constant 96 : index
        %swap3A_509 = tpu.vector_load %arg15[%swap3A_507, %swap3A_508] {strides = array<i32>} : memref<128x128xf32, #tpu.memory_space<vmem>>, vector<16xf32>,
        tpu.vector_store %arg15[%swap3A_507, %swap3A_508], %mul3A_506 {strides = array<i32>} : memref<128x128xf32, #tpu.memory_space<vmem>>, vector<16xf32>,
        %mul3A_510 = arith.mulf %bitcast3A_505, %gather3A : vector<16xf32>
        %swap3A_511 = arith.index_cast %add3A_442 : i32 to index
        %swap3A_512 = arith.constant 112 : index
        %swap3A_513 = tpu.vector_load %arg15[%swap3A_511, %swap3A_512] {strides = array<i32>} : memref<128x128xf32, #tpu.memory_space<vmem>>, vector<16xf32>,
        tpu.vector_store %arg15[%swap3A_511, %swap3A_512], %mul3A_510 {strides = array<i32>} : memref<128x128xf32, #tpu.memory_space<vmem>>, vector<16xf32>,
        %mul3A_514 = arith.constant 2 : i32
        %mul3A_515 = arith.muli %mul3A_514, %scan3A_437 : i32
        %add3A_516 = arith.constant 1 : i32
        %add3A_517 = arith.addi %mul3A_515, %add3A_516 : i32
        %broadcast_in_dim3A_518 = vector.broadcast %add3A_517 : i32 to vector<16xi32>
        %gather3A_519 = tpu.vector_load_idx %arg11[%broadcast_in_dim3A_518] : memref<128xf32, #tpu.memory_space<vmem>>[vector<16xi32>], vector<16xf32>,
        %get3A_520 = arith.index_cast %add3A_517 : i32 to index
        %get3A_521 = arith.constant 0 : index
        %get3A_522 = tpu.vector_load %arg13[%get3A_520, %get3A_521] {strides = array<i32>} : memref<128x64xi32, #tpu.memory_space<vmem>>, vector<16xi32>,
        %shift_left3A_523 = arith.constant 16 : i32
        %shift_left3A_524 = vector.broadcast %shift_left3A_523 : i32 to vector<16xi32>
        %shift_left3A_525 = arith.shli %get3A_522, %shift_left3A_524 : vector<16xi32>
        %bitcast3A_526 = vector.bitcast %shift_left3A_525 : vector<16xi32> to vector<16xf32>
        %and3A_527 = arith.constant -65536 : i32
        %and3A_528 = vector.broadcast %and3A_527 : i32 to vector<16xi32>
        %and3A_529 = arith.andi %get3A_522, %and3A_528 : vector<16xi32>
        %bitcast3A_530 = vector.bitcast %and3A_529 : vector<16xi32> to vector<16xf32>
        %mul3A_531 = arith.mulf %bitcast3A_526, %gather3A_519 : vector<16xf32>
        %swap3A_532 = arith.index_cast %add3A_517 : i32 to index
        %swap3A_533 = arith.constant 0 : index
        %swap3A_534 = tpu.vector_load %arg15[%swap3A_532, %swap3A_533] {strides = array<i32>} : memref<128x128xf32, #tpu.memory_space<vmem>>, vector<16xf32>,
        tpu.vector_store %arg15[%swap3A_532, %swap3A_533], %mul3A_531 {strides = array<i32>} : memref<128x128xf32, #tpu.memory_space<vmem>>, vector<16xf32>,
        %mul3A_535 = arith.mulf %bitcast3A_530, %gather3A_519 : vector<16xf32>
        %swap3A_536 = arith.index_cast %add3A_517 : i32 to index
        %swap3A_537 = arith.constant 16 : index
        %swap3A_538 = tpu.vector_load %arg15[%swap3A_536, %swap3A_537] {strides = array<i32>} : memref<128x128xf32, #tpu.memory_space<vmem>>, vector<16xf32>,
        tpu.vector_store %arg15[%swap3A_536, %swap3A_537], %mul3A_535 {strides = array<i32>} : memref<128x128xf32, #tpu.memory_space<vmem>>, vector<16xf32>,
        %get3A_539 = arith.index_cast %add3A_517 : i32 to index
        %get3A_540 = arith.constant 16 : index
        %get3A_541 = tpu.vector_load %arg13[%get3A_539, %get3A_540] {strides = array<i32>} : memref<128x64xi32, #tpu.memory_space<vmem>>, vector<16xi32>,
        %shift_left3A_542 = arith.constant 16 : i32
        %shift_left3A_543 = vector.broadcast %shift_left3A_542 : i32 to vector<16xi32>
        %shift_left3A_544 = arith.shli %get3A_541, %shift_left3A_543 : vector<16xi32>
        %bitcast3A_545 = vector.bitcast %shift_left3A_544 : vector<16xi32> to vector<16xf32>
        %and3A_546 = arith.constant -65536 : i32
        %and3A_547 = vector.broadcast %and3A_546 : i32 to vector<16xi32>
        %and3A_548 = arith.andi %get3A_541, %and3A_547 : vector<16xi32>
        %bitcast3A_549 = vector.bitcast %and3A_548 : vector<16xi32> to vector<16xf32>
        %mul3A_550 = arith.mulf %bitcast3A_545, %gather3A_519 : vector<16xf32>
        %swap3A_551 = arith.index_cast %add3A_517 : i32 to index
        %swap3A_552 = arith.constant 32 : index
        %swap3A_553 = tpu.vector_load %arg15[%swap3A_551, %swap3A_552] {strides = array<i32>} : memref<128x128xf32, #tpu.memory_space<vmem>>, vector<16xf32>,
        tpu.vector_store %arg15[%swap3A_551, %swap3A_552], %mul3A_550 {strides = array<i32>} : memref<128x128xf32, #tpu.memory_space<vmem>>, vector<16xf32>,
        %mul3A_554 = arith.mulf %bitcast3A_549, %gather3A_519 : vector<16xf32>
        %swap3A_555 = arith.index_cast %add3A_517 : i32 to index
        %swap3A_556 = arith.constant 48 : index
        %swap3A_557 = tpu.vector_load %arg15[%swap3A_555, %swap3A_556] {strides = array<i32>} : memref<128x128xf32, #tpu.memory_space<vmem>>, vector<16xf32>,
        tpu.vector_store %arg15[%swap3A_555, %swap3A_556], %mul3A_554 {strides = array<i32>} : memref<128x128xf32, #tpu.memory_space<vmem>>, vector<16xf32>,
        %get3A_558 = arith.index_cast %add3A_517 : i32 to index
        %get3A_559 = arith.constant 32 : index
        %get3A_560 = tpu.vector_load %arg13[%get3A_558, %get3A_559] {strides = array<i32>} : memref<128x64xi32, #tpu.memory_space<vmem>>, vector<16xi32>,
        %shift_left3A_561 = arith.constant 16 : i32
        %shift_left3A_562 = vector.broadcast %shift_left3A_561 : i32 to vector<16xi32>
        %shift_left3A_563 = arith.shli %get3A_560, %shift_left3A_562 : vector<16xi32>
        %bitcast3A_564 = vector.bitcast %shift_left3A_563 : vector<16xi32> to vector<16xf32>
        %and3A_565 = arith.constant -65536 : i32
        %and3A_566 = vector.broadcast %and3A_565 : i32 to vector<16xi32>
        %and3A_567 = arith.andi %get3A_560, %and3A_566 : vector<16xi32>
        %bitcast3A_568 = vector.bitcast %and3A_567 : vector<16xi32> to vector<16xf32>
        %mul3A_569 = arith.mulf %bitcast3A_564, %gather3A_519 : vector<16xf32>
        %swap3A_570 = arith.index_cast %add3A_517 : i32 to index
        %swap3A_571 = arith.constant 64 : index
        %swap3A_572 = tpu.vector_load %arg15[%swap3A_570, %swap3A_571] {strides = array<i32>} : memref<128x128xf32, #tpu.memory_space<vmem>>, vector<16xf32>,
        tpu.vector_store %arg15[%swap3A_570, %swap3A_571], %mul3A_569 {strides = array<i32>} : memref<128x128xf32, #tpu.memory_space<vmem>>, vector<16xf32>,
        %mul3A_573 = arith.mulf %bitcast3A_568, %gather3A_519 : vector<16xf32>
        %swap3A_574 = arith.index_cast %add3A_517 : i32 to index
        %swap3A_575 = arith.constant 80 : index
        %swap3A_576 = tpu.vector_load %arg15[%swap3A_574, %swap3A_575] {strides = array<i32>} : memref<128x128xf32, #tpu.memory_space<vmem>>, vector<16xf32>,
        tpu.vector_store %arg15[%swap3A_574, %swap3A_575], %mul3A_573 {strides = array<i32>} : memref<128x128xf32, #tpu.memory_space<vmem>>, vector<16xf32>,
        %get3A_577 = arith.index_cast %add3A_517 : i32 to index
        %get3A_578 = arith.constant 48 : index
        %get3A_579 = tpu.vector_load %arg13[%get3A_577, %get3A_578] {strides = array<i32>} : memref<128x64xi32, #tpu.memory_space<vmem>>, vector<16xi32>,
        %shift_left3A_580 = arith.constant 16 : i32
        %shift_left3A_581 = vector.broadcast %shift_left3A_580 : i32 to vector<16xi32>
        %shift_left3A_582 = arith.shli %get3A_579, %shift_left3A_581 : vector<16xi32>
        %bitcast3A_583 = vector.bitcast %shift_left3A_582 : vector<16xi32> to vector<16xf32>
        %and3A_584 = arith.constant -65536 : i32
        %and3A_585 = vector.broadcast %and3A_584 : i32 to vector<16xi32>
        %and3A_586 = arith.andi %get3A_579, %and3A_585 : vector<16xi32>
        %bitcast3A_587 = vector.bitcast %and3A_586 : vector<16xi32> to vector<16xf32>
        %mul3A_588 = arith.mulf %bitcast3A_583, %gather3A_519 : vector<16xf32>
        %swap3A_589 = arith.index_cast %add3A_517 : i32 to index
        %swap3A_590 = arith.constant 96 : index
        %swap3A_591 = tpu.vector_load %arg15[%swap3A_589, %swap3A_590] {strides = array<i32>} : memref<128x128xf32, #tpu.memory_space<vmem>>, vector<16xf32>,
        tpu.vector_store %arg15[%swap3A_589, %swap3A_590], %mul3A_588 {strides = array<i32>} : memref<128x128xf32, #tpu.memory_space<vmem>>, vector<16xf32>,
        %mul3A_592 = arith.mulf %bitcast3A_587, %gather3A_519 : vector<16xf32>
        %swap3A_593 = arith.index_cast %add3A_517 : i32 to index
        %swap3A_594 = arith.constant 112 : index
        %swap3A_595 = tpu.vector_load %arg15[%swap3A_593, %swap3A_594] {strides = array<i32>} : memref<128x128xf32, #tpu.memory_space<vmem>>, vector<16xf32>,
        tpu.vector_store %arg15[%swap3A_593, %swap3A_594], %mul3A_592 {strides = array<i32>} : memref<128x128xf32, #tpu.memory_space<vmem>>, vector<16xf32>,
        %scan3A_596 = arith.constant 0 : i32
        scf.yield %scan3A_596 : i32
      }
      %scan3A_408 = arith.constant 64 : i32
      %dma_start3A_409 = arith.constant 0 : i32
      %dma_start3A_410 = arith.constant 0 : i32
      %dma_start3A_411 = tpu.memref_slice %arg18[%dma_start3A_409, %dma_start3A_410] : memref<10000x128xf32, #tpu.memory_space<vmem_shared>> -> memref<10000x128xf32, #tpu.memory_space<vmem_shared>>
      tpu.enqueue_indirect_dma source(%arg15 : memref<128x128xf32, #tpu.memory_space<vmem>>) target(%dma_start3A_411 : memref<10000x128xf32, #tpu.memory_space<vmem_shared>>) offsets(%arg7 : memref<128xi32, #tpu.memory_space<vmem>>) semaphore(%arg23 : memref<!tpu.dma_semaphore, #tpu.memory_space<semaphore_mem>>) {add = true}
      %convert_element_type3A_412 = arith.extui %lt3A_379 : i1 to i32
      %cond3A_413 = arith.constant 0 : i32
      %cond3A_414 = arith.cmpi ne, %convert_element_type3A_412, %cond3A_413 : i32
      scf.if %cond3A_414 {
        %add3A_437 = arith.constant 2 : i32
        %add3A_438 = arith.addi %mul3A_378, %add3A_437 : i32
        %mul3A_439 = arith.constant 128 : i32
        %mul3A_440 = arith.muli %add3A_438, %mul3A_439 : i32
        %add3A_441 = arith.addi %mul3A_322, %mul3A_440 : i32
        %dma_start3A_442 = tpu.memref_slice %arg3[%add3A_441] : memref<327680xi32, #tpu.memory_space<hbm>> -> memref<128xi32, #tpu.memory_space<hbm>>
        %dma_start3A_443 = tpu.memref_slice %arg3[%add3A_441] : memref<327680xi32, #tpu.memory_space<hbm>> -> memref<128xi32, #tpu.memory_space<hbm>>
        tpu.enqueue_dma source(%dma_start3A_443 : memref<128xi32, #tpu.memory_space<hbm>>) target(%arg7 : memref<128xi32, #tpu.memory_space<vmem>>) target_semaphore(%arg21 : memref<!tpu.dma_semaphore, #tpu.memory_space<semaphore_mem>>)
        %dma_start3A_444 = tpu.memref_slice %arg4[%add3A_441] : memref<327680xi32, #tpu.memory_space<hbm>> -> memref<128xi32, #tpu.memory_space<hbm>>
        %dma_start3A_445 = tpu.memref_slice %arg4[%add3A_441] : memref<327680xi32, #tpu.memory_space<hbm>> -> memref<128xi32, #tpu.memory_space<hbm>>
        tpu.enqueue_dma source(%dma_start3A_445 : memref<128xi32, #tpu.memory_space<hbm>>) target(%arg9 : memref<128xi32, #tpu.memory_space<vmem>>) target_semaphore(%arg21 : memref<!tpu.dma_semaphore, #tpu.memory_space<semaphore_mem>>)
        %dma_start3A_446 = tpu.memref_slice %arg5[%add3A_441] : memref<327680xf32, #tpu.memory_space<hbm>> -> memref<128xf32, #tpu.memory_space<hbm>>
        %dma_start3A_447 = tpu.memref_slice %arg5[%add3A_441] : memref<327680xf32, #tpu.memory_space<hbm>> -> memref<128xf32, #tpu.memory_space<hbm>>
        tpu.enqueue_dma source(%dma_start3A_447 : memref<128xf32, #tpu.memory_space<hbm>>) target(%arg11 : memref<128xf32, #tpu.memory_space<vmem>>) target_semaphore(%arg21 : memref<!tpu.dma_semaphore, #tpu.memory_space<semaphore_mem>>)
      } else {
      }
      %gt3A_415 = arith.constant 0 : i32
      %gt3A_416 = arith.cmpi sgt, %scan3A_375, %gt3A_415 : i32
      %convert_element_type3A_417 = arith.extui %gt3A_416 : i1 to i32
      %cond3A_418 = arith.constant 0 : i32
      %cond3A_419 = arith.cmpi ne, %convert_element_type3A_417, %cond3A_418 : i32
      scf.if %cond3A_419 {
        %dma_wait3A_437 = arith.constant 0 : i32
        %dma_wait3A_438 = arith.constant 0 : i32
        %dma_wait3A_439 = tpu.memref_slice %arg18[%dma_wait3A_437, %dma_wait3A_438] : memref<10000x128xf32, #tpu.memory_space<vmem_shared>> -> memref<10000x128xf32, #tpu.memory_space<vmem_shared>>
        tpu.wait_indirect_dma semaphore(%arg24 : memref<!tpu.dma_semaphore, #tpu.memory_space<semaphore_mem>>) src(%arg16 : memref<128x128xf32, #tpu.memory_space<vmem>>) dst(%dma_wait3A_439 : memref<10000x128xf32, #tpu.memory_space<vmem_shared>>)
      } else {
      }
      %dma_wait3A_420 = arith.constant 0 : i32
      %dma_wait3A_421 = arith.constant 0 : i32
      %dma_wait3A_422 = tpu.memref_slice %arg2[%dma_wait3A_420, %dma_wait3A_421] : memref<10000x64xi32, #tpu.memory_space<hbm>> -> memref<10000x64xi32, #tpu.memory_space<hbm>>
      tpu.wait_indirect_dma semaphore(%arg20 : memref<!tpu.dma_semaphore, #tpu.memory_space<semaphore_mem>>) src(%dma_wait3A_422 : memref<10000x64xi32, #tpu.memory_space<hbm>>) dst(%arg14 : memref<128x64xi32, #tpu.memory_space<vmem>>)
      %scan3A_423 = arith.constant 0 : i32
      %scan3A_424 = arith.constant 0 : i32
      %scan3A_425 = arith.constant 64 : i32
      %scan3A_426 = arith.addi %scan3A_424, %scan3A_425 : i32
      %scan3A_427 = arith.constant 1 : i32
      %scan3A_428 = scf.for %scan3A_437 = %scan3A_424 to %scan3A_426 step %scan3A_427 iter_args(%scan3A_438 = %scan3A_423) -> (i32)  : i32 {
        %mul3A_439 = arith.constant 2 : i32
        %mul3A_440 = arith.muli %mul3A_439, %scan3A_437 : i32
        %add3A_441 = arith.constant 0 : i32
        %add3A_442 = arith.addi %mul3A_440, %add3A_441 : i32
        %broadcast_in_dim3A = vector.broadcast %add3A_442 : i32 to vector<16xi32>
        %gather3A = tpu.vector_load_idx %arg12[%broadcast_in_dim3A] : memref<128xf32, #tpu.memory_space<vmem>>[vector<16xi32>], vector<16xf32>,
        %get3A = arith.index_cast %add3A_442 : i32 to index
        %get3A_443 = arith.constant 0 : index
        %get3A_444 = tpu.vector_load %arg14[%get3A, %get3A_443] {strides = array<i32>} : memref<128x64xi32, #tpu.memory_space<vmem>>, vector<16xi32>,
        %shift_left3A = arith.constant 16 : i32
        %shift_left3A_445 = vector.broadcast %shift_left3A : i32 to vector<16xi32>
        %shift_left3A_446 = arith.shli %get3A_444, %shift_left3A_445 : vector<16xi32>
        %bitcast3A = vector.bitcast %shift_left3A_446 : vector<16xi32> to vector<16xf32>
        %and3A = arith.constant -65536 : i32
        %and3A_447 = vector.broadcast %and3A : i32 to vector<16xi32>
        %and3A_448 = arith.andi %get3A_444, %and3A_447 : vector<16xi32>
        %bitcast3A_449 = vector.bitcast %and3A_448 : vector<16xi32> to vector<16xf32>
        %mul3A_450 = arith.mulf %bitcast3A, %gather3A : vector<16xf32>
        %swap3A = arith.index_cast %add3A_442 : i32 to index
        %swap3A_451 = arith.constant 0 : index
        %swap3A_452 = tpu.vector_load %arg16[%swap3A, %swap3A_451] {strides = array<i32>} : memref<128x128xf32, #tpu.memory_space<vmem>>, vector<16xf32>,
        tpu.vector_store %arg16[%swap3A, %swap3A_451], %mul3A_450 {strides = array<i32>} : memref<128x128xf32, #tpu.memory_space<vmem>>, vector<16xf32>,
        %mul3A_453 = arith.mulf %bitcast3A_449, %gather3A : vector<16xf32>
        %swap3A_454 = arith.index_cast %add3A_442 : i32 to index
        %swap3A_455 = arith.constant 16 : index
        %swap3A_456 = tpu.vector_load %arg16[%swap3A_454, %swap3A_455] {strides = array<i32>} : memref<128x128xf32, #tpu.memory_space<vmem>>, vector<16xf32>,
        tpu.vector_store %arg16[%swap3A_454, %swap3A_455], %mul3A_453 {strides = array<i32>} : memref<128x128xf32, #tpu.memory_space<vmem>>, vector<16xf32>,
        %get3A_457 = arith.index_cast %add3A_442 : i32 to index
        %get3A_458 = arith.constant 16 : index
        %get3A_459 = tpu.vector_load %arg14[%get3A_457, %get3A_458] {strides = array<i32>} : memref<128x64xi32, #tpu.memory_space<vmem>>, vector<16xi32>,
        %shift_left3A_460 = arith.constant 16 : i32
        %shift_left3A_461 = vector.broadcast %shift_left3A_460 : i32 to vector<16xi32>
        %shift_left3A_462 = arith.shli %get3A_459, %shift_left3A_461 : vector<16xi32>
        %bitcast3A_463 = vector.bitcast %shift_left3A_462 : vector<16xi32> to vector<16xf32>
        %and3A_464 = arith.constant -65536 : i32
        %and3A_465 = vector.broadcast %and3A_464 : i32 to vector<16xi32>
        %and3A_466 = arith.andi %get3A_459, %and3A_465 : vector<16xi32>
        %bitcast3A_467 = vector.bitcast %and3A_466 : vector<16xi32> to vector<16xf32>
        %mul3A_468 = arith.mulf %bitcast3A_463, %gather3A : vector<16xf32>
        %swap3A_469 = arith.index_cast %add3A_442 : i32 to index
        %swap3A_470 = arith.constant 32 : index
        %swap3A_471 = tpu.vector_load %arg16[%swap3A_469, %swap3A_470] {strides = array<i32>} : memref<128x128xf32, #tpu.memory_space<vmem>>, vector<16xf32>,
        tpu.vector_store %arg16[%swap3A_469, %swap3A_470], %mul3A_468 {strides = array<i32>} : memref<128x128xf32, #tpu.memory_space<vmem>>, vector<16xf32>,
        %mul3A_472 = arith.mulf %bitcast3A_467, %gather3A : vector<16xf32>
        %swap3A_473 = arith.index_cast %add3A_442 : i32 to index
        %swap3A_474 = arith.constant 48 : index
        %swap3A_475 = tpu.vector_load %arg16[%swap3A_473, %swap3A_474] {strides = array<i32>} : memref<128x128xf32, #tpu.memory_space<vmem>>, vector<16xf32>,
        tpu.vector_store %arg16[%swap3A_473, %swap3A_474], %mul3A_472 {strides = array<i32>} : memref<128x128xf32, #tpu.memory_space<vmem>>, vector<16xf32>,
        %get3A_476 = arith.index_cast %add3A_442 : i32 to index
        %get3A_477 = arith.constant 32 : index
        %get3A_478 = tpu.vector_load %arg14[%get3A_476, %get3A_477] {strides = array<i32>} : memref<128x64xi32, #tpu.memory_space<vmem>>, vector<16xi32>,
        %shift_left3A_479 = arith.constant 16 : i32
        %shift_left3A_480 = vector.broadcast %shift_left3A_479 : i32 to vector<16xi32>
        %shift_left3A_481 = arith.shli %get3A_478, %shift_left3A_480 : vector<16xi32>
        %bitcast3A_482 = vector.bitcast %shift_left3A_481 : vector<16xi32> to vector<16xf32>
        %and3A_483 = arith.constant -65536 : i32
        %and3A_484 = vector.broadcast %and3A_483 : i32 to vector<16xi32>
        %and3A_485 = arith.andi %get3A_478, %and3A_484 : vector<16xi32>
        %bitcast3A_486 = vector.bitcast %and3A_485 : vector<16xi32> to vector<16xf32>
        %mul3A_487 = arith.mulf %bitcast3A_482, %gather3A : vector<16xf32>
        %swap3A_488 = arith.index_cast %add3A_442 : i32 to index
        %swap3A_489 = arith.constant 64 : index
        %swap3A_490 = tpu.vector_load %arg16[%swap3A_488, %swap3A_489] {strides = array<i32>} : memref<128x128xf32, #tpu.memory_space<vmem>>, vector<16xf32>,
        tpu.vector_store %arg16[%swap3A_488, %swap3A_489], %mul3A_487 {strides = array<i32>} : memref<128x128xf32, #tpu.memory_space<vmem>>, vector<16xf32>,
        %mul3A_491 = arith.mulf %bitcast3A_486, %gather3A : vector<16xf32>
        %swap3A_492 = arith.index_cast %add3A_442 : i32 to index
        %swap3A_493 = arith.constant 80 : index
        %swap3A_494 = tpu.vector_load %arg16[%swap3A_492, %swap3A_493] {strides = array<i32>} : memref<128x128xf32, #tpu.memory_space<vmem>>, vector<16xf32>,
        tpu.vector_store %arg16[%swap3A_492, %swap3A_493], %mul3A_491 {strides = array<i32>} : memref<128x128xf32, #tpu.memory_space<vmem>>, vector<16xf32>,
        %get3A_495 = arith.index_cast %add3A_442 : i32 to index
        %get3A_496 = arith.constant 48 : index
        %get3A_497 = tpu.vector_load %arg14[%get3A_495, %get3A_496] {strides = array<i32>} : memref<128x64xi32, #tpu.memory_space<vmem>>, vector<16xi32>,
        %shift_left3A_498 = arith.constant 16 : i32
        %shift_left3A_499 = vector.broadcast %shift_left3A_498 : i32 to vector<16xi32>
        %shift_left3A_500 = arith.shli %get3A_497, %shift_left3A_499 : vector<16xi32>
        %bitcast3A_501 = vector.bitcast %shift_left3A_500 : vector<16xi32> to vector<16xf32>
        %and3A_502 = arith.constant -65536 : i32
        %and3A_503 = vector.broadcast %and3A_502 : i32 to vector<16xi32>
        %and3A_504 = arith.andi %get3A_497, %and3A_503 : vector<16xi32>
        %bitcast3A_505 = vector.bitcast %and3A_504 : vector<16xi32> to vector<16xf32>
        %mul3A_506 = arith.mulf %bitcast3A_501, %gather3A : vector<16xf32>
        %swap3A_507 = arith.index_cast %add3A_442 : i32 to index
        %swap3A_508 = arith.constant 96 : index
        %swap3A_509 = tpu.vector_load %arg16[%swap3A_507, %swap3A_508] {strides = array<i32>} : memref<128x128xf32, #tpu.memory_space<vmem>>, vector<16xf32>,
        tpu.vector_store %arg16[%swap3A_507, %swap3A_508], %mul3A_506 {strides = array<i32>} : memref<128x128xf32, #tpu.memory_space<vmem>>, vector<16xf32>,
        %mul3A_510 = arith.mulf %bitcast3A_505, %gather3A : vector<16xf32>
        %swap3A_511 = arith.index_cast %add3A_442 : i32 to index
        %swap3A_512 = arith.constant 112 : index
        %swap3A_513 = tpu.vector_load %arg16[%swap3A_511, %swap3A_512] {strides = array<i32>} : memref<128x128xf32, #tpu.memory_space<vmem>>, vector<16xf32>,
        tpu.vector_store %arg16[%swap3A_511, %swap3A_512], %mul3A_510 {strides = array<i32>} : memref<128x128xf32, #tpu.memory_space<vmem>>, vector<16xf32>,
        %mul3A_514 = arith.constant 2 : i32
        %mul3A_515 = arith.muli %mul3A_514, %scan3A_437 : i32
        %add3A_516 = arith.constant 1 : i32
        %add3A_517 = arith.addi %mul3A_515, %add3A_516 : i32
        %broadcast_in_dim3A_518 = vector.broadcast %add3A_517 : i32 to vector<16xi32>
        %gather3A_519 = tpu.vector_load_idx %arg12[%broadcast_in_dim3A_518] : memref<128xf32, #tpu.memory_space<vmem>>[vector<16xi32>], vector<16xf32>,
        %get3A_520 = arith.index_cast %add3A_517 : i32 to index
        %get3A_521 = arith.constant 0 : index
        %get3A_522 = tpu.vector_load %arg14[%get3A_520, %get3A_521] {strides = array<i32>} : memref<128x64xi32, #tpu.memory_space<vmem>>, vector<16xi32>,
        %shift_left3A_523 = arith.constant 16 : i32
        %shift_left3A_524 = vector.broadcast %shift_left3A_523 : i32 to vector<16xi32>
        %shift_left3A_525 = arith.shli %get3A_522, %shift_left3A_524 : vector<16xi32>
        %bitcast3A_526 = vector.bitcast %shift_left3A_525 : vector<16xi32> to vector<16xf32>
        %and3A_527 = arith.constant -65536 : i32
        %and3A_528 = vector.broadcast %and3A_527 : i32 to vector<16xi32>
        %and3A_529 = arith.andi %get3A_522, %and3A_528 : vector<16xi32>
        %bitcast3A_530 = vector.bitcast %and3A_529 : vector<16xi32> to vector<16xf32>
        %mul3A_531 = arith.mulf %bitcast3A_526, %gather3A_519 : vector<16xf32>
        %swap3A_532 = arith.index_cast %add3A_517 : i32 to index
        %swap3A_533 = arith.constant 0 : index
        %swap3A_534 = tpu.vector_load %arg16[%swap3A_532, %swap3A_533] {strides = array<i32>} : memref<128x128xf32, #tpu.memory_space<vmem>>, vector<16xf32>,
        tpu.vector_store %arg16[%swap3A_532, %swap3A_533], %mul3A_531 {strides = array<i32>} : memref<128x128xf32, #tpu.memory_space<vmem>>, vector<16xf32>,
        %mul3A_535 = arith.mulf %bitcast3A_530, %gather3A_519 : vector<16xf32>
        %swap3A_536 = arith.index_cast %add3A_517 : i32 to index
        %swap3A_537 = arith.constant 16 : index
        %swap3A_538 = tpu.vector_load %arg16[%swap3A_536, %swap3A_537] {strides = array<i32>} : memref<128x128xf32, #tpu.memory_space<vmem>>, vector<16xf32>,
        tpu.vector_store %arg16[%swap3A_536, %swap3A_537], %mul3A_535 {strides = array<i32>} : memref<128x128xf32, #tpu.memory_space<vmem>>, vector<16xf32>,
        %get3A_539 = arith.index_cast %add3A_517 : i32 to index
        %get3A_540 = arith.constant 16 : index
        %get3A_541 = tpu.vector_load %arg14[%get3A_539, %get3A_540] {strides = array<i32>} : memref<128x64xi32, #tpu.memory_space<vmem>>, vector<16xi32>,
        %shift_left3A_542 = arith.constant 16 : i32
        %shift_left3A_543 = vector.broadcast %shift_left3A_542 : i32 to vector<16xi32>
        %shift_left3A_544 = arith.shli %get3A_541, %shift_left3A_543 : vector<16xi32>
        %bitcast3A_545 = vector.bitcast %shift_left3A_544 : vector<16xi32> to vector<16xf32>
        %and3A_546 = arith.constant -65536 : i32
        %and3A_547 = vector.broadcast %and3A_546 : i32 to vector<16xi32>
        %and3A_548 = arith.andi %get3A_541, %and3A_547 : vector<16xi32>
        %bitcast3A_549 = vector.bitcast %and3A_548 : vector<16xi32> to vector<16xf32>
        %mul3A_550 = arith.mulf %bitcast3A_545, %gather3A_519 : vector<16xf32>
        %swap3A_551 = arith.index_cast %add3A_517 : i32 to index
        %swap3A_552 = arith.constant 32 : index
        %swap3A_553 = tpu.vector_load %arg16[%swap3A_551, %swap3A_552] {strides = array<i32>} : memref<128x128xf32, #tpu.memory_space<vmem>>, vector<16xf32>,
        tpu.vector_store %arg16[%swap3A_551, %swap3A_552], %mul3A_550 {strides = array<i32>} : memref<128x128xf32, #tpu.memory_space<vmem>>, vector<16xf32>,
        %mul3A_554 = arith.mulf %bitcast3A_549, %gather3A_519 : vector<16xf32>
        %swap3A_555 = arith.index_cast %add3A_517 : i32 to index
        %swap3A_556 = arith.constant 48 : index
        %swap3A_557 = tpu.vector_load %arg16[%swap3A_555, %swap3A_556] {strides = array<i32>} : memref<128x128xf32, #tpu.memory_space<vmem>>, vector<16xf32>,
        tpu.vector_store %arg16[%swap3A_555, %swap3A_556], %mul3A_554 {strides = array<i32>} : memref<128x128xf32, #tpu.memory_space<vmem>>, vector<16xf32>,
        %get3A_558 = arith.index_cast %add3A_517 : i32 to index
        %get3A_559 = arith.constant 32 : index
        %get3A_560 = tpu.vector_load %arg14[%get3A_558, %get3A_559] {strides = array<i32>} : memref<128x64xi32, #tpu.memory_space<vmem>>, vector<16xi32>,
        %shift_left3A_561 = arith.constant 16 : i32
        %shift_left3A_562 = vector.broadcast %shift_left3A_561 : i32 to vector<16xi32>
        %shift_left3A_563 = arith.shli %get3A_560, %shift_left3A_562 : vector<16xi32>
        %bitcast3A_564 = vector.bitcast %shift_left3A_563 : vector<16xi32> to vector<16xf32>
        %and3A_565 = arith.constant -65536 : i32
        %and3A_566 = vector.broadcast %and3A_565 : i32 to vector<16xi32>
        %and3A_567 = arith.andi %get3A_560, %and3A_566 : vector<16xi32>
        %bitcast3A_568 = vector.bitcast %and3A_567 : vector<16xi32> to vector<16xf32>
        %mul3A_569 = arith.mulf %bitcast3A_564, %gather3A_519 : vector<16xf32>
        %swap3A_570 = arith.index_cast %add3A_517 : i32 to index
        %swap3A_571 = arith.constant 64 : index
        %swap3A_572 = tpu.vector_load %arg16[%swap3A_570, %swap3A_571] {strides = array<i32>} : memref<128x128xf32, #tpu.memory_space<vmem>>, vector<16xf32>,
        tpu.vector_store %arg16[%swap3A_570, %swap3A_571], %mul3A_569 {strides = array<i32>} : memref<128x128xf32, #tpu.memory_space<vmem>>, vector<16xf32>,
        %mul3A_573 = arith.mulf %bitcast3A_568, %gather3A_519 : vector<16xf32>
        %swap3A_574 = arith.index_cast %add3A_517 : i32 to index
        %swap3A_575 = arith.constant 80 : index
        %swap3A_576 = tpu.vector_load %arg16[%swap3A_574, %swap3A_575] {strides = array<i32>} : memref<128x128xf32, #tpu.memory_space<vmem>>, vector<16xf32>,
        tpu.vector_store %arg16[%swap3A_574, %swap3A_575], %mul3A_573 {strides = array<i32>} : memref<128x128xf32, #tpu.memory_space<vmem>>, vector<16xf32>,
        %get3A_577 = arith.index_cast %add3A_517 : i32 to index
        %get3A_578 = arith.constant 48 : index
        %get3A_579 = tpu.vector_load %arg14[%get3A_577, %get3A_578] {strides = array<i32>} : memref<128x64xi32, #tpu.memory_space<vmem>>, vector<16xi32>,
        %shift_left3A_580 = arith.constant 16 : i32
        %shift_left3A_581 = vector.broadcast %shift_left3A_580 : i32 to vector<16xi32>
        %shift_left3A_582 = arith.shli %get3A_579, %shift_left3A_581 : vector<16xi32>
        %bitcast3A_583 = vector.bitcast %shift_left3A_582 : vector<16xi32> to vector<16xf32>
        %and3A_584 = arith.constant -65536 : i32
        %and3A_585 = vector.broadcast %and3A_584 : i32 to vector<16xi32>
        %and3A_586 = arith.andi %get3A_579, %and3A_585 : vector<16xi32>
        %bitcast3A_587 = vector.bitcast %and3A_586 : vector<16xi32> to vector<16xf32>
        %mul3A_588 = arith.mulf %bitcast3A_583, %gather3A_519 : vector<16xf32>
        %swap3A_589 = arith.index_cast %add3A_517 : i32 to index
        %swap3A_590 = arith.constant 96 : index
        %swap3A_591 = tpu.vector_load %arg16[%swap3A_589, %swap3A_590] {strides = array<i32>} : memref<128x128xf32, #tpu.memory_space<vmem>>, vector<16xf32>,
        tpu.vector_store %arg16[%swap3A_589, %swap3A_590], %mul3A_588 {strides = array<i32>} : memref<128x128xf32, #tpu.memory_space<vmem>>, vector<16xf32>,
        %mul3A_592 = arith.mulf %bitcast3A_587, %gather3A_519 : vector<16xf32>
        %swap3A_593 = arith.index_cast %add3A_517 : i32 to index
        %swap3A_594 = arith.constant 112 : index
        %swap3A_595 = tpu.vector_load %arg16[%swap3A_593, %swap3A_594] {strides = array<i32>} : memref<128x128xf32, #tpu.memory_space<vmem>>, vector<16xf32>,
        tpu.vector_store %arg16[%swap3A_593, %swap3A_594], %mul3A_592 {strides = array<i32>} : memref<128x128xf32, #tpu.memory_space<vmem>>, vector<16xf32>,
        %scan3A_596 = arith.constant 0 : i32
        scf.yield %scan3A_596 : i32
      }
      %scan3A_429 = arith.constant 64 : i32
      %dma_start3A_430 = arith.constant 0 : i32
      %dma_start3A_431 = arith.constant 0 : i32
      %dma_start3A_432 = tpu.memref_slice %arg18[%dma_start3A_430, %dma_start3A_431] : memref<10000x128xf32, #tpu.memory_space<vmem_shared>> -> memref<10000x128xf32, #tpu.memory_space<vmem_shared>>
      tpu.enqueue_indirect_dma source(%arg16 : memref<128x128xf32, #tpu.memory_space<vmem>>) target(%dma_start3A_432 : memref<10000x128xf32, #tpu.memory_space<vmem_shared>>) offsets(%arg8 : memref<128xi32, #tpu.memory_space<vmem>>) semaphore(%arg24 : memref<!tpu.dma_semaphore, #tpu.memory_space<semaphore_mem>>) {add = true}
      %convert_element_type3A_433 = arith.extui %lt3A_379 : i1 to i32
      %cond3A_434 = arith.constant 0 : i32
      %cond3A_435 = arith.cmpi ne, %convert_element_type3A_433, %cond3A_434 : i32
      scf.if %cond3A_435 {
        %add3A_437 = arith.constant 3 : i32
        %add3A_438 = arith.addi %mul3A_378, %add3A_437 : i32
        %mul3A_439 = arith.constant 128 : i32
        %mul3A_440 = arith.muli %add3A_438, %mul3A_439 : i32
        %add3A_441 = arith.addi %mul3A_322, %mul3A_440 : i32
        %dma_start3A_442 = tpu.memref_slice %arg3[%add3A_441] : memref<327680xi32, #tpu.memory_space<hbm>> -> memref<128xi32, #tpu.memory_space<hbm>>
        %dma_start3A_443 = tpu.memref_slice %arg3[%add3A_441] : memref<327680xi32, #tpu.memory_space<hbm>> -> memref<128xi32, #tpu.memory_space<hbm>>
        tpu.enqueue_dma source(%dma_start3A_443 : memref<128xi32, #tpu.memory_space<hbm>>) target(%arg8 : memref<128xi32, #tpu.memory_space<vmem>>) target_semaphore(%arg22 : memref<!tpu.dma_semaphore, #tpu.memory_space<semaphore_mem>>)
        %dma_start3A_444 = tpu.memref_slice %arg4[%add3A_441] : memref<327680xi32, #tpu.memory_space<hbm>> -> memref<128xi32, #tpu.memory_space<hbm>>
        %dma_start3A_445 = tpu.memref_slice %arg4[%add3A_441] : memref<327680xi32, #tpu.memory_space<hbm>> -> memref<128xi32, #tpu.memory_space<hbm>>
        tpu.enqueue_dma source(%dma_start3A_445 : memref<128xi32, #tpu.memory_space<hbm>>) target(%arg10 : memref<128xi32, #tpu.memory_space<vmem>>) target_semaphore(%arg22 : memref<!tpu.dma_semaphore, #tpu.memory_space<semaphore_mem>>)
        %dma_start3A_446 = tpu.memref_slice %arg5[%add3A_441] : memref<327680xf32, #tpu.memory_space<hbm>> -> memref<128xf32, #tpu.memory_space<hbm>>
        %dma_start3A_447 = tpu.memref_slice %arg5[%add3A_441] : memref<327680xf32, #tpu.memory_space<hbm>> -> memref<128xf32, #tpu.memory_space<hbm>>
        tpu.enqueue_dma source(%dma_start3A_447 : memref<128xf32, #tpu.memory_space<hbm>>) target(%arg12 : memref<128xf32, #tpu.memory_space<vmem>>) target_semaphore(%arg22 : memref<!tpu.dma_semaphore, #tpu.memory_space<semaphore_mem>>)
        %dma_wait3A_448 = arith.constant 0 : i32
        %dma_wait3A_449 = tpu.memref_slice %arg3[%dma_wait3A_448] : memref<327680xi32, #tpu.memory_space<hbm>> -> memref<128xi32, #tpu.memory_space<hbm>>
        %dma_wait3A_450 = arith.constant 0 : i32
        %dma_wait3A_451 = tpu.memref_slice %arg3[%dma_wait3A_450] : memref<327680xi32, #tpu.memory_space<hbm>> -> memref<128xi32, #tpu.memory_space<hbm>>
        tpu.wait_dma2 semaphore(%arg21 : memref<!tpu.dma_semaphore, #tpu.memory_space<semaphore_mem>>) src(%dma_wait3A_451 : memref<128xi32, #tpu.memory_space<hbm>>) dst(%arg7 : memref<128xi32, #tpu.memory_space<vmem>>)
        %dma_wait3A_452 = arith.constant 0 : i32
        %dma_wait3A_453 = tpu.memref_slice %arg3[%dma_wait3A_452] : memref<327680xi32, #tpu.memory_space<hbm>> -> memref<128xi32, #tpu.memory_space<hbm>>
        %dma_wait3A_454 = arith.constant 0 : i32
        %dma_wait3A_455 = tpu.memref_slice %arg3[%dma_wait3A_454] : memref<327680xi32, #tpu.memory_space<hbm>> -> memref<128xi32, #tpu.memory_space<hbm>>
        tpu.wait_dma2 semaphore(%arg21 : memref<!tpu.dma_semaphore, #tpu.memory_space<semaphore_mem>>) src(%dma_wait3A_455 : memref<128xi32, #tpu.memory_space<hbm>>) dst(%arg9 : memref<128xi32, #tpu.memory_space<vmem>>)
        %dma_wait3A_456 = arith.constant 0 : i32
        %dma_wait3A_457 = tpu.memref_slice %arg5[%dma_wait3A_456] : memref<327680xf32, #tpu.memory_space<hbm>> -> memref<128xf32, #tpu.memory_space<hbm>>
        %dma_wait3A_458 = arith.constant 0 : i32
        %dma_wait3A_459 = tpu.memref_slice %arg5[%dma_wait3A_458] : memref<327680xf32, #tpu.memory_space<hbm>> -> memref<128xf32, #tpu.memory_space<hbm>>
        tpu.wait_dma2 semaphore(%arg21 : memref<!tpu.dma_semaphore, #tpu.memory_space<semaphore_mem>>) src(%dma_wait3A_459 : memref<128xf32, #tpu.memory_space<hbm>>) dst(%arg11 : memref<128xf32, #tpu.memory_space<vmem>>)
        %dma_start3A_460 = arith.constant 0 : i32
        %dma_start3A_461 = arith.constant 0 : i32
        %dma_start3A_462 = tpu.memref_slice %arg2[%dma_start3A_460, %dma_start3A_461] : memref<10000x64xi32, #tpu.memory_space<hbm>> -> memref<10000x64xi32, #tpu.memory_space<hbm>>
        tpu.enqueue_indirect_dma source(%dma_start3A_462 : memref<10000x64xi32, #tpu.memory_space<hbm>>) target(%arg13 : memref<128x64xi32, #tpu.memory_space<vmem>>) offsets(%arg9 : memref<128xi32, #tpu.memory_space<vmem>>) semaphore(%arg19 : memref<!tpu.dma_semaphore, #tpu.memory_space<semaphore_mem>>)
      } else {
      }
      %scan3A_436 = arith.constant 0 : i32
      scf.yield %scan3A_436 : i32
    }
    %scan3A_358 = arith.constant 40 : i32
    %dma_wait3A_359 = arith.constant 0 : i32
    %dma_wait3A_360 = arith.constant 0 : i32
    %dma_wait3A_361 = tpu.memref_slice %arg18[%dma_wait3A_359, %dma_wait3A_360] : memref<10000x128xf32, #tpu.memory_space<vmem_shared>> -> memref<10000x128xf32, #tpu.memory_space<vmem_shared>>
    tpu.wait_indirect_dma semaphore(%arg23 : memref<!tpu.dma_semaphore, #tpu.memory_space<semaphore_mem>>) src(%arg15 : memref<128x128xf32, #tpu.memory_space<vmem>>) dst(%dma_wait3A_361 : memref<10000x128xf32, #tpu.memory_space<vmem_shared>>)
    %dma_wait3A_362 = arith.constant 0 : i32
    %dma_wait3A_363 = arith.constant 0 : i32
    %dma_wait3A_364 = tpu.memref_slice %arg18[%dma_wait3A_362, %dma_wait3A_363] : memref<10000x128xf32, #tpu.memory_space<vmem_shared>> -> memref<10000x128xf32, #tpu.memory_space<vmem_shared>>
    tpu.wait_indirect_dma semaphore(%arg24 : memref<!tpu.dma_semaphore, #tpu.memory_space<semaphore_mem>>) src(%arg16 : memref<128x128xf32, #tpu.memory_space<vmem>>) dst(%dma_wait3A_364 : memref<10000x128xf32, #tpu.memory_space<vmem_shared>>)
    %barrier3A_365 = arith.constant 0 : index
    tpu.barrier barrier_id(%barrier3A_365)
    %mul3A_366 = arith.constant 624 : i32
    %mul3A_367 = arith.muli %arg1, %mul3A_366 : i32
    %mul3A_368 = arith.constant 624 : i32
    %mul3A_369 = arith.muli %arg1, %mul3A_368 : i32
    "tpu.region"() ({
      %run_scoped3A = tpu.sem_alloc : memref<!tpu.dma_semaphore, #tpu.memory_space<semaphore_mem>>
      %dma_start3A_375 = arith.constant 0 : i32
      %dma_start3A_376 = tpu.memref_slice %arg6[%arg0, %mul3A_369, %dma_start3A_375] : memref<2x10000x128xf32, #tpu.memory_space<hbm>> -> memref<1x624x128xf32, #tpu.memory_space<hbm>>
      %dma_start3A_377 = tpu.memref_squeeze %dma_start3A_376 : memref<1x624x128xf32, #tpu.memory_space<hbm>> -> memref<624x128xf32, #tpu.memory_space<hbm>>
      %dma_start3A_378 = arith.constant 0 : i32
      %dma_start3A_379 = tpu.memref_slice %arg18[%mul3A_367, %dma_start3A_378] : memref<10000x128xf32, #tpu.memory_space<vmem_shared>> -> memref<624x128xf32, #tpu.memory_space<vmem_shared>>
      tpu.enqueue_dma source(%dma_start3A_379 : memref<624x128xf32, #tpu.memory_space<vmem_shared>>) target(%dma_start3A_377 : memref<624x128xf32, #tpu.memory_space<hbm>>) target_semaphore(%run_scoped3A : memref<!tpu.dma_semaphore, #tpu.memory_space<semaphore_mem>>)
      %dma_wait3A_380 = arith.constant 0 : i32
      %dma_wait3A_381 = tpu.memref_slice %arg6[%arg0, %mul3A_369, %dma_wait3A_380] : memref<2x10000x128xf32, #tpu.memory_space<hbm>> -> memref<1x624x128xf32, #tpu.memory_space<hbm>>
      %dma_wait3A_382 = tpu.memref_squeeze %dma_wait3A_381 : memref<1x624x128xf32, #tpu.memory_space<hbm>> -> memref<624x128xf32, #tpu.memory_space<hbm>>
      %dma_wait3A_383 = arith.constant 0 : i32
      %dma_wait3A_384 = tpu.memref_slice %arg18[%mul3A_367, %dma_wait3A_383] : memref<10000x128xf32, #tpu.memory_space<vmem_shared>> -> memref<624x128xf32, #tpu.memory_space<vmem_shared>>
      tpu.wait_dma2 semaphore(%run_scoped3A : memref<!tpu.dma_semaphore, #tpu.memory_space<semaphore_mem>>) src(%dma_wait3A_384 : memref<624x128xf32, #tpu.memory_space<vmem_shared>>) dst(%dma_wait3A_382 : memref<624x128xf32, #tpu.memory_space<hbm>>)
      tpu.yield
    }) : () -> ()
    %eq3A_370 = arith.constant 0 : i32
    %eq3A_371 = arith.cmpi eq, %arg1, %eq3A_370 : i32
    %convert_element_type3A_372 = arith.extui %eq3A_371 : i1 to i32
    %cond3A_373 = arith.constant 0 : i32
    %cond3A_374 = arith.cmpi ne, %convert_element_type3A_372, %cond3A_373 : i32
    scf.if %cond3A_374 {
      "tpu.region"() ({
        %run_scoped3A = tpu.sem_alloc : memref<!tpu.dma_semaphore, #tpu.memory_space<semaphore_mem>>
        %dma_start3A_375 = arith.constant 9984 : i32
        %dma_start3A_376 = arith.constant 0 : i32
        %dma_start3A_377 = tpu.memref_slice %arg6[%arg0, %dma_start3A_375, %dma_start3A_376] : memref<2x10000x128xf32, #tpu.memory_space<hbm>> -> memref<1x16x128xf32, #tpu.memory_space<hbm>>
        %dma_start3A_378 = tpu.memref_squeeze %dma_start3A_377 : memref<1x16x128xf32, #tpu.memory_space<hbm>> -> memref<16x128xf32, #tpu.memory_space<hbm>>
        %dma_start3A_379 = arith.constant 9984 : i32
        %dma_start3A_380 = arith.constant 0 : i32
        %dma_start3A_381 = tpu.memref_slice %arg18[%dma_start3A_379, %dma_start3A_380] : memref<10000x128xf32, #tpu.memory_space<vmem_shared>> -> memref<16x128xf32, #tpu.memory_space<vmem_shared>>
        tpu.enqueue_dma source(%dma_start3A_381 : memref<16x128xf32, #tpu.memory_space<vmem_shared>>) target(%dma_start3A_378 : memref<16x128xf32, #tpu.memory_space<hbm>>) target_semaphore(%run_scoped3A : memref<!tpu.dma_semaphore, #tpu.memory_space<semaphore_mem>>)
        %dma_wait3A_382 = arith.constant 9984 : i32
        %dma_wait3A_383 = arith.constant 0 : i32
        %dma_wait3A_384 = tpu.memref_slice %arg6[%arg0, %dma_wait3A_382, %dma_wait3A_383] : memref<2x10000x128xf32, #tpu.memory_space<hbm>> -> memref<1x16x128xf32, #tpu.memory_space<hbm>>
        %dma_wait3A_385 = tpu.memref_squeeze %dma_wait3A_384 : memref<1x16x128xf32, #tpu.memory_space<hbm>> -> memref<16x128xf32, #tpu.memory_space<hbm>>
        %dma_wait3A_386 = arith.constant 9984 : i32
        %dma_wait3A_387 = arith.constant 0 : i32
        %dma_wait3A_388 = tpu.memref_slice %arg18[%dma_wait3A_386, %dma_wait3A_387] : memref<10000x128xf32, #tpu.memory_space<vmem_shared>> -> memref<16x128xf32, #tpu.memory_space<vmem_shared>>
        tpu.wait_dma2 semaphore(%run_scoped3A : memref<!tpu.dma_semaphore, #tpu.memory_space<semaphore_mem>>) src(%dma_wait3A_388 : memref<16x128xf32, #tpu.memory_space<vmem_shared>>) dst(%dma_wait3A_385 : memref<16x128xf32, #tpu.memory_space<hbm>>)
        tpu.yield
      }) : () -> ()
    } else {
    }
    return
  }
}

</mosaic_0001>

<sc_bundles>
// kernel: _sc_segment_sum.3.cloned.1.call-start
scs
__scs_entry_jumppad:
0x0: {  	(pc) =	sbr.rel $0x88, $3  }
0x1: {  	(tag) =	ssettag $0x0;
	lr =	simm.s32 $0x1  }
0x2: {  	[smem:$0x3F9D] =	sst lr;
	_ =	strace $0xD0000000  }
0x3: {  	_ = 	snop  }
0x4: {  	_ = 	snop  }
0x5: {  	_ = 	snop  }
0x6: {  	_ = 	snop  }
0x7: {  	_ = 	snop  }
__scs_overlays_trampoline_lowered:
0x8: {  	[smem:$0x3FAC] =	sst s0  }
0x9: {  	[smem:$0x3FAD] =	sst s1  }
0xa: {  	[smem:$0x3FAE] =	sst s2  }
0xb: {  	[smem:$0x3FAF] =	sst s3  }
0xc: {  	[smem:$0x3FB0] =	sst s4  }
0xd: {  	[smem:$0x3FB1] =	sst s5  }
0xe: {  	[smem:$0x3FB2] =	sst s6  }
0xf: {  	[smem:$0x3FB3] =	sst s7  }
0x10: {  	[smem:$0x3FB4] =	sst s8  }
0x11: {  	[smem:$0x3FB5] =	sst s9;
	s0 =	simm.s32 @!p0 $0x0  }
0x12: {  	s1 =	sld [smem:$0x3F9B];
	s0 =	simm.s32 @p0 $0x1  }
0x13: {  	[smem:$0x3FB6] =	sst s0;
	s0 =	simm.s32 @!p1 $0x0  }
0x14: {  	s2 =	sld [smem:$0x3F9A];
	s0 =	simm.s32 @p1 $0x1  }
0x15: {  	[smem:$0x3FB7] =	sst s0;
	s0 =	simm.s32 @!p2 $0x0  }
0x16: {  	s3 =	sld [smem:$0x3FDB];
	s0 =	simm.s32 @p2 $0x1  }
0x17: {  	s4 =	simm.s32 $0x1BF5;
	[smem:$0x3FB9] =	sst s0  }
0x18: {  	s0 =	sld [smem:$0x3F9C];
	_ =	swait.ge [sflag:s4], $0x0  }
0x19: {  	s7 =	sld [smem:$0x3F9D]  }
0x1a: {  	s8 =	sadd.s32 $0xFFFFE003, lr  }
0x1b: {  	s9 =	sadd.s32 $0xFFFFFEF7, lr;
	s5 =	simm.s32 $0xFFFFFFFF;
	p2 =	slt.u32 s8, $0xFFFFF086  }
0x1c: {  	p1 =	slt.u32 s9, $0xF7A;
	s5 =	simm.s32 @!p2 $0x0  }
0x1d: {  	s5 =	simm.s32 @p1 $0x1;
	p0 =	seq.s32 s7, s2  }
0x1e: {  	s7 =	smul.u32 @!p0 $0xF7A, s2;
	p2 =	seq.s32 @!p0 s5, $0x0  }
0x1f: {  	s9 =	smul.u32 $0xF7A, s1;
	s8 =	simm.s32 @!p0 $0x1BF5;
	p2 =	por !p2, p0  }
0x20: {  	[sflag:s8] =	ssyncset.s32 @!p0 $0xFFFFF086;
	s6 =	sadd.s32 @!p0 s3, s7;
	s7 =	simm.s32 @!p0 $0x108  }
0x21: {  	s3 =	sadd.s32 s3, s9;
	s6 =	sadd.s32 @!p0 $0x88, s6;
	s7 =	simm.s32 @p2 $0x1082  }
0x22: {  	[simem:s7], [sflag:s8] =	dma.local @!p0 [hbm:s6], $0xF7A  }
0x23: {  	s9 =	sor.u32 $0xD0000000, s2;
	s6 =	simm.s32 $0x108;
	_ =	swait.ge @!p0 [sflag:s8], $0x0  }
0x24: {  	s3 =	sadd.s32 $0x88, s3;
	s6 =	simm.s32 @!p1 $0x1082;
	[sflag:s4] =	ssyncset.s32 $0xFFFFF086  }
0x25: {  	[simem:s6], [sflag:s4] =	dma.local [hbm:s3], $0xF7A  }
0x26: {  	[smem:$0x3F9D] =	sst s1;
	(tag) =	ssettag s2;
	_ =	strace s9  }
0x27: {  	s1 =	sld [smem:$0x3FAD]  }
0x28: {  	s2 =	sld [smem:$0x3FAE]  }
0x29: {  	s4 =	sld [smem:$0x3FB0]  }
0x2a: {  	p0 =	seq.s32 s5, $0x0;
	s5 =	sld [smem:$0x3FB1]  }
0x2b: {  	s6 =	sld [smem:$0x3FB2]  }
0x2c: {  	s7 =	sld [smem:$0x3FB3]  }
0x2d: {  	s3 =	simm.s32 $0x108;
	s8 =	sld [smem:$0x3FB4]  }
0x2e: {  	s3 =	simm.s32 @!p0 $0x1082;
	s9 =	sld [smem:$0x3FB5]  }
0x2f: {  	lr =	sadd.s32 s0, s3;
	s0 =	sld [smem:$0x3FAC]  }
0x30: {  	s3 =	sld [smem:$0x3FAF]  }
0x31: {  	[smem:$0x3FB8] =	sst s10  }
0x32: {  	s10 =	sld [smem:$0x3FB6];
	_ =	sdelay $0x3  }
0x33: {  	p0 =	seq.s32 s10, $0x1;
	s10 =	sld [smem:$0x3FB8];
	_ =	sdelay $0x3  }
0x34: {  	[smem:$0x3FB8] =	sst s10  }
0x35: {  	s10 =	sld [smem:$0x3FB7];
	_ =	sdelay $0x3  }
0x36: {  	p1 =	seq.s32 s10, $0x1;
	s10 =	sld [smem:$0x3FB8];
	_ =	sdelay $0x3  }
0x37: {  	[smem:$0x3FB8] =	sst s10  }
0x38: {  	s10 =	sld [smem:$0x3FB9]  }
0x39: {  	_ = 	snop;
	(pc) =	sbr.ind lr, $3  }
0x3a: {  	_ = 	snop  }
0x3b: {  	_ = 	snop  }
0x3c: {  	p2 =	seq.s32 s10, $0x1;
	s10 =	sld [smem:$0x3FB8]  }
0x3d: {  	_ =	shalt  }
0x3e: {  	_ =	shalt  }
0x3f: {  	_ =	shalt  }
0x40: {  	_ =	shalt  }
0x41: {  	_ =	shalt  }
0x42: {  	_ =	shalt  }
0x43: {  	_ =	shalt  }
0x44: {  	_ =	shalt  }
0x45: {  	_ =	shalt  }
0x46: {  	_ =	shalt  }
0x47: {  	_ =	shalt  }
0x48: {  	_ =	shalt  }
0x49: {  	_ =	shalt  }
0x4a: {  	_ =	shalt  }
0x4b: {  	_ =	shalt  }
0x4c: {  	_ =	shalt  }
0x4d: {  	_ =	shalt  }
0x4e: {  	_ =	shalt  }
0x4f: {  	_ =	shalt  }
0x50: {  	_ =	shalt  }
0x51: {  	_ =	shalt  }
0x52: {  	_ =	shalt  }
0x53: {  	_ =	shalt  }
0x54: {  	_ =	shalt  }
0x55: {  	_ =	shalt  }
0x56: {  	_ =	shalt  }
0x57: {  	_ =	shalt  }
0x58: {  	_ =	shalt  }
0x59: {  	_ =	shalt  }
0x5a: {  	_ =	shalt  }
0x5b: {  	_ =	shalt  }
0x5c: {  	_ =	shalt  }
0x5d: {  	_ =	shalt  }
0x5e: {  	_ =	shalt  }
0x5f: {  	_ =	shalt  }
0x60: {  	_ =	shalt  }
0x61: {  	_ =	shalt  }
0x62: {  	_ =	shalt  }
0x63: {  	_ =	shalt  }
0x64: {  	_ =	shalt  }
0x65: {  	_ =	shalt  }
0x66: {  	_ =	shalt  }
0x67: {  	_ =	shalt  }
0x68: {  	_ =	shalt  }
0x69: {  	_ =	shalt  }
0x6a: {  	_ =	shalt  }
0x6b: {  	_ =	shalt  }
0x6c: {  	_ =	shalt  }
0x6d: {  	_ =	shalt  }
0x6e: {  	_ =	shalt  }
0x6f: {  	_ =	shalt  }
0x70: {  	_ =	shalt  }
0x71: {  	_ =	shalt  }
0x72: {  	_ =	shalt  }
0x73: {  	_ =	shalt  }
0x74: {  	_ =	shalt  }
0x75: {  	_ =	shalt  }
0x76: {  	_ =	shalt  }
0x77: {  	_ =	shalt  }
0x78: {  	_ =	shalt  }
0x79: {  	_ =	shalt  }
0x7a: {  	_ =	shalt  }
0x7b: {  	_ =	shalt  }
0x7c: {  	_ =	shalt  }
0x7d: {  	_ =	shalt  }
0x7e: {  	_ =	shalt  }
0x7f: {  	_ =	shalt  }
0x80: {  	_ =	shalt  }
0x81: {  	_ =	shalt  }
0x82: {  	_ =	shalt  }
0x83: {  	_ =	shalt  }
0x84: {  	_ =	shalt  }
0x85: {  	_ =	shalt  }
0x86: {  	_ =	shalt  }
0x87: {  	_ =	shalt  }
.Lfunc_end0:
.L_simem_size_0:
called_computation_lowered:
.L_overlay_start_0:
0x88: {  	s2 =	sld [smem:$0x3FD9]  }
0x89: {  	s3 =	sld [smem:$0x3FFE];
	_ =	sdelay $0x1  }
0x8a: {  	s1 =	srdreg.scid  }
0x8b: {  	s0 =	sand.u32 $0x1, s1  }
0x8c: {  	s17 =	sshll.u32 s0, $0xA;
	s2 =	sadd.s32 s3, s2  }
0x8d: {  	s2 =	sadd.s32 s2, s17  }
0x8e: {  	[smem:$0x3FC4] =	sst s2  }
0x8f: {  	_ = 	snop  }
0x90: {  	s2 =	sld [smem:$0x3FC8]  }
0x91: {  	s18 =	sld [smem:$0x3FC7]  }
0x92: {  	s4 =	sld [smem:$0x3FC6]  }
0x93: {  	s5 =	sld [smem:$0x3FD0];
	(tm) =	ssettm $0x1  }
0x94: {  	s6 =	sld [smem:$0x3FFB];
	_ =	sdelay $0x3  }
0x95: {  	_ =	strace s6  }
0x96: {  	s6 =	sld [smem:$0x3FFC];
	_ =	sdelay $0x3  }
0x97: {  	_ =	strace s6  }
0x98: {  	s6 =	sld [smem:$0x3FFD];
	_ =	sdelay $0x3  }
0x99: {  	_ =	strace s6  }
0x9a: {  	_ =	strace $0x8FFFFFFF  }
0x9b: {  	s19 =	sld [smem:$0x3FDB];
	_ =	sdelay $0x1  }
0x9c: {  	s7 =	simm.s32 $_scs_section_size  }
0x9d: {  	s8 =	simm.s32 $_size__tile_overlayer_lowered;
	s9 =	simm.s32 $_tile_overlayer_lowered  }
0x9e: {  	s22 =	simm.s32 $0x1BFF;
	s21 =	sshll.u32 s9, $0x1;
	s6 =	sadd.s32 s7, s19  }
0x9f: {  	s10 =	simm.s32 $0x0;
	s20 =	sshll.u32 s8, $0x1;
	s8 =	sadd.s32 s21, s6  }
0xa0: {  	[timem:s10], [sflag:s22] =	dma.local [hbm:s8], s20  }
0xa1: {  	_ =	swait.ge [sflag:s22], s20  }
0xa2: {  	s7 =	ssub.s32 $0x0, s20;
	[sflag:s22] =	ssyncset.done $0x0  }
0xa3: {  	[sflag:s22] =	ssyncadd.s32 s7;
	_ =	sdelay $0x1  }
0xa4: {  	s23 =	simm.s32 $0x1B8B  }
0xa5: {  	_ =	swait.ge [sflag:s23], $0x1  }
0xa6: {  	[sflag:s23] =	ssyncset.done $0x0  }
0xa7: {  	s25 =	simm.s32 $0x1B8E;
	s24 =	sld [smem:$0x3FFE];
	[sflag:s23] =	ssyncadd.s32 $0xFFFFFFFF  }
0xa8: {  	s26 =	simm.s32 $execute0_lowered;
	[smem:$0x3FD2] =	sst s25  }
0xa9: {  	s8 =	sshll.u32 s26, $0x1;
	_ =	strace $0x80000046;
	[dreg:$0x1] =	wrdreg $0xFFFFFFFF  }
0xaa: {  	s28 =	simm.s32 $_size_execute0_lowered;
	s6 =	sadd.s32 s6, s8;
	[dreg:$0x0] =	wrdreg $0x0  }
0xab: {  	s8 =	sshll.u32 s28, $0x1;
	[dreg:$0x2] =	wrdreg s6  }
0xac: {  	[dreg:$0x3] =	wrdreg s8  }
0xad: {  	[dreg:$0x4] =	wrdreg $0xC0  }
0xae: {  	_ =	task [dreg:s10], $0x5FFFF  }
0xaf: {  	[dreg:$0x1] =	wrdreg $0xFFFFFFFF  }
0xb0: {  	[dreg:$0x0] =	wrdreg $0x60  }
0xb1: {  	[dreg:$0x2] =	wrdreg s24  }
0xb2: {  	[dreg:$0x3] =	wrdreg s2  }
0xb3: {  	[dreg:$0x4] =	wrdreg s18  }
0xb4: {  	[dreg:$0x5] =	wrdreg s4  }
0xb5: {  	[dreg:$0x6] =	wrdreg s5  }
0xb6: {  	[dreg:$0x7] =	wrdreg $0xC7000  }
0xb7: {  	[dreg:$0x8] =	wrdreg $0x9  }
0xb8: {  	_ =	task.clear_ibuf [dreg:s10], $0x9FFFF;
	_ =	strace $0x90000046  }
0xb9: {  	s29 =	simm.s32 $0x9;
	_ =	strace $0x80000048  }
0xba: {  	_ =	swait.ge [sflag:s29], $0x1  }
0xbb: {  	[sflag:s29] =	ssyncadd.s32 $0xFFFFFFFF  }
0xbc: {  	_ =	strace $0x90000048  }
0xbd: {  	_ =	sfence  }
0xbe: {  	s30 =	sld [smem:$0x0];
	_ =	sdelay $0x2  }
0xbf: {  	s31 =	sshll.u32 s1, $0xD;
	s1 =	sshrl.u32 s1, $0x2  }
0xc0: {  	s3 =	sand.u32 $0x4000, s31;
	s1 =	sadd.s32 s1, s30  }
0xc1: {  	s0 =	sor.u32 s3, s0;
	s1 =	sshll.u32 s1, $0x11  }
0xc2: {  	s0 =	sor.u32 s1, s0  }
0xc3: {  	s0 =	sadd.s32 $0x8F2B, s0  }
0xc4: {  	[sflag:s0] =	ssyncadd.remote.s32 $0x1  }
0xc5: {  	_ =	sfence.sel $0xFFFF  }
0xc6: {  	[dreg:$0x0] =	wrdreg $0xFFFFFFFF;
	(pc) =	sbr.abs _section_cstart, $3  }
0xc7: {  	[dreg:$0x1] =	wrdreg $0xFFFFFFFF  }
0xc8: {  	_ =	task.clear_ibuf [dreg:s10], $0x2FFFF;
	_ =	strace $0x9FFFFFFF  }
0xc9: {  	(tm) =	ssettm $0x7FFFFFFF  }
tec
execute0_lowered:
.L_overlay_start_1:
0x0: {  	(tag) =	ssettag $0x1  }
0x1: {  	s0 =	rddreg [dreg:$0x0]  }
0x2: {  	s1 =	rddreg [dreg:$0x1]  }
0x3: {  	s2 =	rddreg [dreg:$0x2]  }
0x4: {  	s3 =	rddreg [dreg:$0x3]  }
0x5: {  	s8 =	rddreg [dreg:$0x4]  }
0x6: {  	s4 =	rddreg [dreg:$0x5]  }
0x7: {  	s6 =	srdreg.scid;
	s13 =	stileid.u32  }
0x8: {  	s5 =	simm.s32 $0x0;
	s9 =	sand.u32 $0x1, s6;
	s10 =	smul.u32 $0x4E000, s13  }
0x9: {  	[smem:$0x7FF] =	sst s5;
	s12 =	smul.u32 $0x13800, s13;
	s6 =	ssub.s32 $0x2, s9  }
0xa: {  	s7 =	sadd.s32 $0x400, s0;
	s25 =	sshrl.u32 s6, $0x1;
	s10 =	sshrl.u32 s10, $0x2  }
0xb: {  	s19 =	sadd.s32 s12, s4;
	s0 =	ssub.s32 s6, s25;
	s6 =	sadd.s32 s10, s4  }
0xc: {  	_ =	strace $0x80000047;
	[dreg:$0x7] =	wrdreg s19;
	s10 =	sadd.s32 $0x400, s6  }
0xd: {  	s26 =	sadd.s32 $0x800, s6;
	[dreg:$0x8] =	wrdreg s10  }
0xe: {  	s14 =	sadd.s32 $0xC00, s6;
	[dreg:$0x9] =	wrdreg s26  }
0xf: {  	s15 =	sadd.s32 $0x1000, s6;
	[dreg:$0xa] =	wrdreg s14  }
0x10: {  	s16 =	sadd.s32 $0x1400, s6;
	[dreg:$0xb] =	wrdreg s15  }
0x11: {  	s17 =	sadd.s32 $0x1800, s6;
	[dreg:$0xc] =	wrdreg s16  }
0x12: {  	s18 =	sadd.s32 $0x1C00, s6;
	[dreg:$0xd] =	wrdreg s17  }
0x13: {  	s20 =	sadd.s32 $0x2000, s6;
	[dreg:$0xe] =	wrdreg s18  }
0x14: {  	s21 =	sadd.s32 $0x2400, s6;
	[dreg:$0xf] =	wrdreg s20  }
0x15: {  	s11 =	sshll.u32 s9, $0x4;
	s23 =	sadd.s32 $0x2800, s6;
	[dreg:$0x10] =	wrdreg s21  }
0x16: {  	s9 =	smul.u32 $0x138800, s9;
	s24 =	sadd.s32 $0x2C00, s6;
	[dreg:$0x11] =	wrdreg s23  }
0x17: {  	s25 =	sadd.s32 $0x3000, s6;
	[dreg:$0x12] =	wrdreg s24  }
0x18: {  	s22 =	sadd.s32 s12, s9;
	s12 =	sadd.s32 $0x3C00, s6;
	[dreg:$0x14] =	wrdreg s25  }
0x19: {  	s0 =	smax.u32 s0, $0x1;
	[dreg:$0x17] =	wrdreg s12  }
0x1a: {  	s26 =	sadd.s32 $0x3400, s6;
	[smem:$0x7FC] =	sst s0  }
0x1b: {  	s14 =	sadd.s32 $0x4000, s6;
	[dreg:$0x15] =	wrdreg s26  }
0x1c: {  	s15 =	sadd.s32 $0x4400, s6;
	[dreg:$0x18] =	wrdreg s14  }
0x1d: {  	s16 =	sadd.s32 $0x4800, s6;
	[dreg:$0x19] =	wrdreg s15  }
0x1e: {  	s17 =	sadd.s32 $0x4C00, s6;
	[dreg:$0x1a] =	wrdreg s16  }
0x1f: {  	s18 =	sadd.s32 $0x5000, s6;
	[dreg:$0x1b] =	wrdreg s17  }
0x20: {  	s20 =	sadd.s32 $0x5400, s6;
	[dreg:$0x1c] =	wrdreg s18  }
0x21: {  	s21 =	sadd.s32 $0x5800, s6;
	[dreg:$0x1d] =	wrdreg s20  }
0x22: {  	s10 =	sshrl.u32 s22, $0x3;
	s22 =	sadd.s32 $0x5C00, s6;
	[dreg:$0x1e] =	wrdreg s21  }
0x23: {  	s23 =	sadd.s32 $0x6000, s6;
	[dreg:$0x1f] =	wrdreg s22  }
0x24: {  	s24 =	sadd.s32 $0x6400, s6;
	[smem:$0x7BF] =	sst s23  }
0x25: {  	s11 =	sor.u32 s13, s11;
	s25 =	sadd.s32 $0x6800, s6;
	[smem:$0x7C0] =	sst s24  }
0x26: {  	s9 =	sshrl.u32 s9, $0x3;
	s12 =	sadd.s32 $0x7400, s6;
	[smem:$0x7C1] =	sst s25  }
0x27: {  	s10 =	sadd.s32 s8, s10;
	s8 =	sadd.s32 s8, s9;
	[smem:$0x7C4] =	sst s12  }
0x28: {  	s9 =	smul.u32 $0x2800, s11;
	s11 =	sadd.s32 $0x3800, s6;
	[dreg:$0x13] =	wrdreg s10  }
0x29: {  	s26 =	sadd.s32 $0x6C00, s6;
	[dreg:$0x16] =	wrdreg s11  }
0x2a: {  	s14 =	sadd.s32 $0x7800, s6;
	[smem:$0x7C2] =	sst s26  }
0x2b: {  	s15 =	sadd.s32 $0x7C00, s6;
	[smem:$0x7C5] =	sst s14  }
0x2c: {  	s16 =	sadd.s32 $0x8000, s6;
	[smem:$0x7C6] =	sst s15  }
0x2d: {  	s17 =	sadd.s32 $0x8400, s6;
	[smem:$0x7C7] =	sst s16  }
0x2e: {  	s18 =	sadd.s32 $0x8800, s6;
	[smem:$0x7C8] =	sst s17  }
0x2f: {  	s20 =	sadd.s32 $0x8C00, s6;
	[smem:$0x7C9] =	sst s18  }
0x30: {  	s21 =	sadd.s32 $0x9000, s6;
	[smem:$0x7CA] =	sst s20  }
0x31: {  	s22 =	sadd.s32 $0x9400, s6;
	[smem:$0x7CB] =	sst s21  }
0x32: {  	s23 =	sadd.s32 $0x9800, s6;
	[smem:$0x7CC] =	sst s22  }
0x33: {  	s24 =	sadd.s32 $0x9C00, s6;
	[smem:$0x7CD] =	sst s23  }
0x34: {  	s25 =	sadd.s32 $0xA000, s6;
	[smem:$0x7CE] =	sst s24  }
0x35: {  	s12 =	sadd.s32 $0xAC00, s6;
	[smem:$0x7CF] =	sst s25  }
0x36: {  	s11 =	sadd.s32 $0x7000, s6;
	[smem:$0x7D2] =	sst s12  }
0x37: {  	s26 =	sadd.s32 $0xA400, s6;
	[smem:$0x7C3] =	sst s11  }
0x38: {  	s14 =	sadd.s32 $0xB000, s6;
	[smem:$0x7D0] =	sst s26  }
0x39: {  	s15 =	sadd.s32 $0xB400, s6;
	[smem:$0x7D3] =	sst s14  }
0x3a: {  	s16 =	sadd.s32 $0xB800, s6;
	[smem:$0x7D4] =	sst s15  }
0x3b: {  	s17 =	sadd.s32 $0xBC00, s6;
	[smem:$0x7D5] =	sst s16  }
0x3c: {  	s18 =	sadd.s32 $0xC000, s6;
	[smem:$0x7D6] =	sst s17  }
0x3d: {  	s20 =	sadd.s32 $0xC400, s6;
	[smem:$0x7D7] =	sst s18  }
0x3e: {  	s21 =	sadd.s32 $0xC800, s6;
	[smem:$0x7D8] =	sst s20  }
0x3f: {  	s22 =	sadd.s32 $0xCC00, s6;
	[smem:$0x7D9] =	sst s21  }
0x40: {  	s23 =	sadd.s32 $0xD000, s6;
	[smem:$0x7DA] =	sst s22  }
0x41: {  	s24 =	sadd.s32 $0xD400, s6;
	[smem:$0x7DB] =	sst s23  }
0x42: {  	s25 =	sadd.s32 $0xD800, s6;
	[smem:$0x7DC] =	sst s24  }
0x43: {  	s12 =	sadd.s32 $0xE400, s6;
	[smem:$0x7DD] =	sst s25  }
0x44: {  	s11 =	sadd.s32 $0xA800, s6;
	[smem:$0x7E0] =	sst s12  }
0x45: {  	s26 =	sadd.s32 $0xDC00, s6;
	[smem:$0x7D1] =	sst s11  }
0x46: {  	s14 =	sadd.s32 $0xE800, s6;
	[smem:$0x7DE] =	sst s26  }
0x47: {  	s15 =	sadd.s32 $0xEC00, s6;
	[smem:$0x7E1] =	sst s14  }
0x48: {  	s16 =	sadd.s32 $0xF000, s6;
	[smem:$0x7E2] =	sst s15  }
0x49: {  	s17 =	sadd.s32 $0xF400, s6;
	[smem:$0x7E3] =	sst s16  }
0x4a: {  	s18 =	sadd.s32 $0xF800, s6;
	[smem:$0x7E4] =	sst s17  }
0x4b: {  	s20 =	sadd.s32 $0xFC00, s6;
	[smem:$0x7E5] =	sst s18  }
0x4c: {  	s21 =	sadd.s32 $0x10000, s6;
	[smem:$0x7E6] =	sst s20  }
0x4d: {  	s22 =	sadd.s32 $0x10400, s6;
	[smem:$0x7E7] =	sst s21  }
0x4e: {  	s23 =	sadd.s32 $0x10800, s6;
	[smem:$0x7E8] =	sst s22  }
0x4f: {  	s24 =	sadd.s32 $0x10C00, s6;
	[smem:$0x7E9] =	sst s23  }
0x50: {  	s25 =	sadd.s32 $0x11000, s6;
	[smem:$0x7EA] =	sst s24  }
0x51: {  	s28 =	simm.s32 $0x7;
	s12 =	sadd.s32 $0x11C00, s6;
	[smem:$0x7EB] =	sst s25  }
0x52: {  	s29 =	simm.s32 $0x100;
	s11 =	sadd.s32 $0xE000, s6;
	[smem:$0x7EE] =	sst s12  }
0x53: {  	s30 =	simm.s32 $0x200;
	s26 =	sadd.s32 $0x11400, s6;
	[smem:$0x7DF] =	sst s11  }
0x54: {  	s31 =	simm.s32 $0x80;
	s14 =	sadd.s32 $0x12000, s6;
	[smem:$0x7EC] =	sst s26  }
0x55: {  	p0 =	sne.s32 s13, $0x0;
	s15 =	sadd.s32 $0x12400, s6;
	[smem:$0x7EF] =	sst s14  }
0x56: {  	s13 =	simm.s32 $0x1;
	s16 =	sadd.s32 $0x12800, s6;
	[smem:$0x7F0] =	sst s15  }
0x57: {  	s0 =	simm.s32 $0x180;
	s17 =	sadd.s32 $0x12C00, s6;
	[smem:$0x7F1] =	sst s16  }
0x58: {  	s18 =	sshrl.u32 s9, $0x3;
	s20 =	sadd.s32 $0x13000, s6;
	[smem:$0x7F2] =	sst s17  }
0x59: {  	s12 =	simm.s32 $0x2300;
	s11 =	sadd.s32 $0x11800, s6;
	[smem:$0x7F3] =	sst s20  }
0x5a: {  	s6 =	sadd.s32 $0x13400, s6;
	s21 =	sadd.s32 s1, s18;
	s22 =	sadd.s32 s2, s18  }
0x5b: {  	s23 =	sadd.s32 s3, s18;
	s24 =	sor.u32 $0x10, s18;
	[smem:$0x7ED] =	sst s11  }
0x5c: {  	s26 =	sadd.s32 $0x27000, s8;
	s14 =	simm.s32 $0x4300;
	[smem:$0x7F4] =	sst s6  }
0x5d: {  	s15 =	simm.s32 $0x2;
	s16 =	simm.s32 $0x8300;
	[smem:$0x7F5] =	sst s21  }
0x5e: {  	s18 =	simm.s32 $0x6;
	s20 =	simm.s32 $0x0;
	[smem:$0x7F6] =	sst s22  }
0x5f: {  	[smem:$0x7F7] =	sst s23;
	s10 =	sadd.s32 s1, s24;
	s25 =	sadd.s32 s2, s24  }
.Ltmp0:
0x60: {  	s6 =	sadd.s32 s3, s24;
	[smem:$0x7FB] =	sst s26;
	(pc) =	sbr.rel .LBB2_1-.Ltmp0, $4  }
0x61: {  	s21 =	sor.u32 $0x100, s9;
	s22 =	sor.u32 $0x180, s9;
	[smem:$0x7F8] =	sst s10  }
0x62: {  	s23 =	sadd.s32 $0x138000, s4;
	s26 =	simm.s32 $0xC300;
	[smem:$0x7F9] =	sst s25  }
0x63: {  	s9 =	simm.s32 $0x3;
	s11 =	simm.s32 $0x4;
	[smem:$0x7FA] =	sst s6  }
0x64: {  	v0 =	vimm.f32 $0.0e+00;
	s6 =	simm.s32 $0x280;
	s10 =	simm.s32 $0x300;
	[smem:$0x7FD] =	sst s23  }
.LBB2_8:
0x65: {  	s8 =	simm.s32 $0x5  }
0x66: {  	_ =	swait.ge [sflag:s8], $0x4000  }
0x67: {  	[sflag:s8] =	ssyncset.done $0x0  }
0x68: {  	[sflag:s8] =	ssyncadd.s32 $0xFFFFC000  }
0x69: {  	_ =	swait.ge [sflag:s18], $0x4000  }
0x6a: {  	[sflag:s18] =	ssyncset.done $0x0  }
0x6b: {  	[sflag:s18] =	ssyncadd.s32 $0xFFFFC000  }
0x6c: {  	s23 =	stileid.u32;
	[bflag:$0x0] =	sbarrier.arrive $0xFFFF  }
0x6d: {  	s8 =	sshll.u32 s23, $0x6;
	s19 =	rddreg [dreg:$0x7]  }
0x6e: {  	s8 =	sor.u32 $0x1C07, s8;
	s20 =	rddreg [dreg:$0x13];
	s17 =	sshrl.u32 s19, $0x3  }
0x6f: {  	[hbm:s20], [sflag:s8] =	dma.local [spmem:s17], $0x2700  }
0x70: {  	_ =	swait.ge [sflag:s28], $0x2700  }
0x71: {  	s23 =	sld [smem:$0x7FD]  }
0x72: {  	s20 =	sld [smem:$0x7FB]  }
0x73: {  	[sflag:s28] =	ssyncset.done $0x0  }
0x74: {  	[sflag:s28] =	ssyncadd.s32 $0xFFFFD900;
	s17 =	sshrl.u32 @!p0 s23, $0x3  }
0x75: {  	[hbm:s20], [sflag:s8] =	dma.local @!p0 [spmem:s17], $0x100  }
0x76: {  	s8 =	simm.s32 @!p0 $0x7  }
0x77: {  	_ =	swait.ge @!p0 [sflag:s8], $0x100  }
0x78: {  	s24 =	sld [smem:$0x7BE]  }
0x79: {  	s25 =	sld [smem:$0x7FC];
	_ =	sdelay $0x1  }
0x7a: {  	s20 =	sadd.s32 $0x1, s24  }
0x7b: {  	p1 =	sne.s32 s20, s25  }
.Ltmp1:
0x7c: {  	_ = 	snop;
	(pc) =	sbr.rel @!p1 .LBB2_9-.Ltmp1, $3  }
0x7d: {  	_ =	sdelay $0x1  }
0x7e: {  	[sflag:s8] =	ssyncset.done @!p0 $0x0  }
0x7f: {  	[sflag:s8] =	ssyncadd.s32 @!p0 $0xFFFFFF00  }
.LBB2_1:
0x80: {  	[tilespmem:$0xC300] =	vst v0  }
0x81: {  	[tilespmem:$0xC310] =	vst v0  }
0x82: {  	[tilespmem:$0xC320] =	vst v0  }
0x83: {  	[tilespmem:$0xC330] =	vst v0  }
0x84: {  	[tilespmem:$0xC340] =	vst v0  }
0x85: {  	[tilespmem:$0xC350] =	vst v0  }
0x86: {  	[tilespmem:$0xC360] =	vst v0  }
0x87: {  	[tilespmem:$0xC370] =	vst v0  }
0x88: {  	[tilespmem:$0xC380] =	vst v0  }
0x89: {  	[tilespmem:$0xC390] =	vst v0  }
0x8a: {  	[tilespmem:$0xC3A0] =	vst v0  }
0x8b: {  	[tilespmem:$0xC3B0] =	vst v0  }
0x8c: {  	[tilespmem:$0xC3C0] =	vst v0  }
0x8d: {  	[tilespmem:$0xC3D0] =	vst v0  }
0x8e: {  	[tilespmem:$0xC3E0] =	vst v0  }
0x8f: {  	[tilespmem:$0xC3F0] =	vst v0  }
0x90: {  	[tilespmem:$0xC400] =	vst v0  }
0x91: {  	[tilespmem:$0xC410] =	vst v0  }
0x92: {  	[tilespmem:$0xC420] =	vst v0  }
0x93: {  	[tilespmem:$0xC430] =	vst v0  }
0x94: {  	[tilespmem:$0xC440] =	vst v0  }
0x95: {  	[tilespmem:$0xC450] =	vst v0  }
0x96: {  	[tilespmem:$0xC460] =	vst v0  }
0x97: {  	[tilespmem:$0xC470] =	vst v0  }
0x98: {  	[tilespmem:$0xC480] =	vst v0  }
0x99: {  	[tilespmem:$0xC490] =	vst v0  }
0x9a: {  	[tilespmem:$0xC4A0] =	vst v0  }
0x9b: {  	[tilespmem:$0xC4B0] =	vst v0  }
0x9c: {  	[tilespmem:$0xC4C0] =	vst v0  }
0x9d: {  	[tilespmem:$0xC4D0] =	vst v0  }
0x9e: {  	[tilespmem:$0xC4E0] =	vst v0  }
0x9f: {  	[tilespmem:$0xC4F0] =	vst v0  }
0xa0: {  	[tilespmem:$0xC500] =	vst v0  }
0xa1: {  	[tilespmem:$0xC510] =	vst v0  }
0xa2: {  	[tilespmem:$0xC520] =	vst v0  }
0xa3: {  	[tilespmem:$0xC530] =	vst v0  }
0xa4: {  	[tilespmem:$0xC540] =	vst v0  }
0xa5: {  	[tilespmem:$0xC550] =	vst v0  }
0xa6: {  	[tilespmem:$0xC560] =	vst v0  }
0xa7: {  	[tilespmem:$0xC570] =	vst v0  }
0xa8: {  	[tilespmem:$0xC580] =	vst v0  }
0xa9: {  	[tilespmem:$0xC590] =	vst v0  }
0xaa: {  	[tilespmem:$0xC5A0] =	vst v0  }
0xab: {  	[tilespmem:$0xC5B0] =	vst v0  }
0xac: {  	[tilespmem:$0xC5C0] =	vst v0  }
0xad: {  	[tilespmem:$0xC5D0] =	vst v0  }
0xae: {  	[tilespmem:$0xC5E0] =	vst v0  }
0xaf: {  	[tilespmem:$0xC5F0] =	vst v0  }
0xb0: {  	[tilespmem:$0xC600] =	vst v0  }
0xb1: {  	[tilespmem:$0xC610] =	vst v0  }
0xb2: {  	[tilespmem:$0xC620] =	vst v0  }
0xb3: {  	[tilespmem:$0xC630] =	vst v0  }
0xb4: {  	[tilespmem:$0xC640] =	vst v0  }
0xb5: {  	[tilespmem:$0xC650] =	vst v0  }
0xb6: {  	[tilespmem:$0xC660] =	vst v0  }
0xb7: {  	[tilespmem:$0xC670] =	vst v0  }
0xb8: {  	[tilespmem:$0xC680] =	vst v0  }
0xb9: {  	[tilespmem:$0xC690] =	vst v0  }
0xba: {  	[tilespmem:$0xC6A0] =	vst v0  }
0xbb: {  	[tilespmem:$0xC6B0] =	vst v0  }
0xbc: {  	[tilespmem:$0xC6C0] =	vst v0  }
0xbd: {  	[tilespmem:$0xC6D0] =	vst v0  }
0xbe: {  	[tilespmem:$0xC6E0] =	vst v0  }
0xbf: {  	[smem:$0x7BE] =	sst s20;
	[tilespmem:$0xC6F0] =	vst v0  }
0xc0: {  	[spmem:s19] =	stream.linear.scatter [tilespmem:s26], [sflag:$0x7], $0x400, $0x38;
	[tilespmem:$0x1FF80] =	vst v63  }
0xc1: {  	_ =	swait.ge [sflag:s28], $0x400  }
0xc2: {  	[sflag:s28] =	ssyncset.done $0x0  }
0xc3: {  	s8 =	rddreg [dreg:$0x8];
	[sflag:s28] =	ssyncadd.s32 $0xFFFFFC00  }
0xc4: {  	[spmem:s8] =	stream.linear.scatter [tilespmem:s26], [sflag:$0x7], $0x400, $0x38;
	[tilespmem:$0x1FF80] =	vst v63  }
0xc5: {  	_ =	swait.ge [sflag:s28], $0x400  }
0xc6: {  	[sflag:s28] =	ssyncset.done $0x0  }
0xc7: {  	s25 =	rddreg [dreg:$0x9];
	[sflag:s28] =	ssyncadd.s32 $0xFFFFFC00  }
0xc8: {  	[spmem:s25] =	stream.linear.scatter [tilespmem:s26], [sflag:$0x7], $0x400, $0x38;
	[tilespmem:$0x1FF80] =	vst v63  }
0xc9: {  	_ =	swait.ge [sflag:s28], $0x400  }
0xca: {  	[sflag:s28] =	ssyncset.done $0x0  }
0xcb: {  	s17 =	rddreg [dreg:$0xa];
	[sflag:s28] =	ssyncadd.s32 $0xFFFFFC00  }
0xcc: {  	[spmem:s17] =	stream.linear.scatter [tilespmem:s26], [sflag:$0x7], $0x400, $0x38;
	[tilespmem:$0x1FF80] =	vst v63  }
0xcd: {  	_ =	swait.ge [sflag:s28], $0x400  }
0xce: {  	[sflag:s28] =	ssyncset.done $0x0  }
0xcf: {  	s19 =	rddreg [dreg:$0xb];
	[sflag:s28] =	ssyncadd.s32 $0xFFFFFC00  }
0xd0: {  	[spmem:s19] =	stream.linear.scatter [tilespmem:s26], [sflag:$0x7], $0x400, $0x38;
	[tilespmem:$0x1FF80] =	vst v63  }
0xd1: {  	_ =	swait.ge [sflag:s28], $0x400  }
0xd2: {  	[sflag:s28] =	ssyncset.done $0x0  }
0xd3: {  	s20 =	rddreg [dreg:$0xc];
	[sflag:s28] =	ssyncadd.s32 $0xFFFFFC00  }
0xd4: {  	[spmem:s20] =	stream.linear.scatter [tilespmem:s26], [sflag:$0x7], $0x400, $0x38;
	[tilespmem:$0x1FF80] =	vst v63  }
0xd5: {  	_ =	swait.ge [sflag:s28], $0x400  }
0xd6: {  	[sflag:s28] =	ssyncset.done $0x0  }
0xd7: {  	s24 =	rddreg [dreg:$0xd];
	[sflag:s28] =	ssyncadd.s32 $0xFFFFFC00  }
0xd8: {  	[spmem:s24] =	stream.linear.scatter [tilespmem:s26], [sflag:$0x7], $0x400, $0x38;
	[tilespmem:$0x1FF80] =	vst v63  }
0xd9: {  	_ =	swait.ge [sflag:s28], $0x400  }
0xda: {  	[sflag:s28] =	ssyncset.done $0x0  }
0xdb: {  	s25 =	rddreg [dreg:$0xe];
	[sflag:s28] =	ssyncadd.s32 $0xFFFFFC00  }
0xdc: {  	[spmem:s25] =	stream.linear.scatter [tilespmem:s26], [sflag:$0x7], $0x400, $0x38;
	[tilespmem:$0x1FF80] =	vst v63  }
0xdd: {  	_ =	swait.ge [sflag:s28], $0x400  }
0xde: {  	[sflag:s28] =	ssyncset.done $0x0  }
0xdf: {  	s17 =	rddreg [dreg:$0xf];
	[sflag:s28] =	ssyncadd.s32 $0xFFFFFC00  }
0xe0: {  	[spmem:s17] =	stream.linear.scatter [tilespmem:s26], [sflag:$0x7], $0x400, $0x38;
	[tilespmem:$0x1FF80] =	vst v63  }
0xe1: {  	_ =	swait.ge [sflag:s28], $0x400  }
0xe2: {  	[sflag:s28] =	ssyncset.done $0x0  }
0xe3: {  	s19 =	rddreg [dreg:$0x10];
	[sflag:s28] =	ssyncadd.s32 $0xFFFFFC00  }
0xe4: {  	[spmem:s19] =	stream.linear.scatter [tilespmem:s26], [sflag:$0x7], $0x400, $0x38;
	[tilespmem:$0x1FF80] =	vst v63  }
0xe5: {  	_ =	swait.ge [sflag:s28], $0x400  }
0xe6: {  	[sflag:s28] =	ssyncset.done $0x0  }
0xe7: {  	s20 =	rddreg [dreg:$0x11];
	[sflag:s28] =	ssyncadd.s32 $0xFFFFFC00  }
0xe8: {  	[spmem:s20] =	stream.linear.scatter [tilespmem:s26], [sflag:$0x7], $0x400, $0x38;
	[tilespmem:$0x1FF80] =	vst v63  }
0xe9: {  	_ =	swait.ge [sflag:s28], $0x400  }
0xea: {  	[sflag:s28] =	ssyncset.done $0x0  }
0xeb: {  	s24 =	rddreg [dreg:$0x12];
	[sflag:s28] =	ssyncadd.s32 $0xFFFFFC00  }
0xec: {  	[spmem:s24] =	stream.linear.scatter [tilespmem:s26], [sflag:$0x7], $0x400, $0x38;
	[tilespmem:$0x1FF80] =	vst v63  }
0xed: {  	_ =	swait.ge [sflag:s28], $0x400  }
0xee: {  	[sflag:s28] =	ssyncset.done $0x0  }
0xef: {  	s25 =	rddreg [dreg:$0x14];
	[sflag:s28] =	ssyncadd.s32 $0xFFFFFC00  }
0xf0: {  	[spmem:s25] =	stream.linear.scatter [tilespmem:s26], [sflag:$0x7], $0x400, $0x38;
	[tilespmem:$0x1FF80] =	vst v63  }
0xf1: {  	_ =	swait.ge [sflag:s28], $0x400  }
0xf2: {  	[sflag:s28] =	ssyncset.done $0x0  }
0xf3: {  	s17 =	rddreg [dreg:$0x15];
	[sflag:s28] =	ssyncadd.s32 $0xFFFFFC00  }
0xf4: {  	[spmem:s17] =	stream.linear.scatter [tilespmem:s26], [sflag:$0x7], $0x400, $0x38;
	[tilespmem:$0x1FF80] =	vst v63  }
0xf5: {  	_ =	swait.ge [sflag:s28], $0x400  }
0xf6: {  	[sflag:s28] =	ssyncset.done $0x0  }
0xf7: {  	s19 =	rddreg [dreg:$0x16];
	[sflag:s28] =	ssyncadd.s32 $0xFFFFFC00  }
0xf8: {  	[spmem:s19] =	stream.linear.scatter [tilespmem:s26], [sflag:$0x7], $0x400, $0x38;
	[tilespmem:$0x1FF80] =	vst v63  }
0xf9: {  	_ =	swait.ge [sflag:s28], $0x400  }
0xfa: {  	[sflag:s28] =	ssyncset.done $0x0  }
0xfb: {  	s20 =	rddreg [dreg:$0x17];
	[sflag:s28] =	ssyncadd.s32 $0xFFFFFC00  }
0xfc: {  	[spmem:s20] =	stream.linear.scatter [tilespmem:s26], [sflag:$0x7], $0x400, $0x38;
	[tilespmem:$0x1FF80] =	vst v63  }
0xfd: {  	_ =	swait.ge [sflag:s28], $0x400  }
0xfe: {  	[sflag:s28] =	ssyncset.done $0x0  }
0xff: {  	s24 =	rddreg [dreg:$0x18];
	[sflag:s28] =	ssyncadd.s32 $0xFFFFFC00  }
0x100: {  	[spmem:s24] =	stream.linear.scatter [tilespmem:s26], [sflag:$0x7], $0x400, $0x38;
	[tilespmem:$0x1FF80] =	vst v63  }
0x101: {  	_ =	swait.ge [sflag:s28], $0x400  }
0x102: {  	[sflag:s28] =	ssyncset.done $0x0  }
0x103: {  	s25 =	rddreg [dreg:$0x19];
	[sflag:s28] =	ssyncadd.s32 $0xFFFFFC00  }
0x104: {  	[spmem:s25] =	stream.linear.scatter [tilespmem:s26], [sflag:$0x7], $0x400, $0x38;
	[tilespmem:$0x1FF80] =	vst v63  }
0x105: {  	_ =	swait.ge [sflag:s28], $0x400  }
0x106: {  	[sflag:s28] =	ssyncset.done $0x0  }
0x107: {  	s17 =	rddreg [dreg:$0x1a];
	[sflag:s28] =	ssyncadd.s32 $0xFFFFFC00  }
0x108: {  	[spmem:s17] =	stream.linear.scatter [tilespmem:s26], [sflag:$0x7], $0x400, $0x38;
	[tilespmem:$0x1FF80] =	vst v63  }
0x109: {  	_ =	swait.ge [sflag:s28], $0x400  }
0x10a: {  	[sflag:s28] =	ssyncset.done $0x0  }
0x10b: {  	s19 =	rddreg [dreg:$0x1b];
	[sflag:s28] =	ssyncadd.s32 $0xFFFFFC00  }
0x10c: {  	[spmem:s19] =	stream.linear.scatter [tilespmem:s26], [sflag:$0x7], $0x400, $0x38;
	[tilespmem:$0x1FF80] =	vst v63  }
0x10d: {  	_ =	swait.ge [sflag:s28], $0x400  }
0x10e: {  	[sflag:s28] =	ssyncset.done $0x0  }
0x10f: {  	s20 =	rddreg [dreg:$0x1c];
	[sflag:s28] =	ssyncadd.s32 $0xFFFFFC00  }
0x110: {  	[spmem:s20] =	stream.linear.scatter [tilespmem:s26], [sflag:$0x7], $0x400, $0x38;
	[tilespmem:$0x1FF80] =	vst v63  }
0x111: {  	_ =	swait.ge [sflag:s28], $0x400  }
0x112: {  	[sflag:s28] =	ssyncset.done $0x0  }
0x113: {  	s24 =	rddreg [dreg:$0x1d];
	[sflag:s28] =	ssyncadd.s32 $0xFFFFFC00  }
0x114: {  	[spmem:s24] =	stream.linear.scatter [tilespmem:s26], [sflag:$0x7], $0x400, $0x38;
	[tilespmem:$0x1FF80] =	vst v63  }
0x115: {  	_ =	swait.ge [sflag:s28], $0x400  }
0x116: {  	[sflag:s28] =	ssyncset.done $0x0  }
0x117: {  	s25 =	rddreg [dreg:$0x1e];
	[sflag:s28] =	ssyncadd.s32 $0xFFFFFC00  }
0x118: {  	[spmem:s25] =	stream.linear.scatter [tilespmem:s26], [sflag:$0x7], $0x400, $0x38;
	[tilespmem:$0x1FF80] =	vst v63  }
0x119: {  	_ =	swait.ge [sflag:s28], $0x400  }
0x11a: {  	[sflag:s28] =	ssyncset.done $0x0  }
0x11b: {  	s17 =	rddreg [dreg:$0x1f];
	[sflag:s28] =	ssyncadd.s32 $0xFFFFFC00  }
0x11c: {  	[spmem:s17] =	stream.linear.scatter [tilespmem:s26], [sflag:$0x7], $0x400, $0x38;
	[tilespmem:$0x1FF80] =	vst v63  }
0x11d: {  	_ =	swait.ge [sflag:s28], $0x400  }
0x11e: {  	s19 =	sld [smem:$0x7BF]  }
0x11f: {  	[sflag:s28] =	ssyncset.done $0x0  }
0x120: {  	[sflag:s28] =	ssyncadd.s32 $0xFFFFFC00  }
0x121: {  	[spmem:s19] =	stream.linear.scatter [tilespmem:s26], [sflag:$0x7], $0x400, $0x38;
	[tilespmem:$0x1FF80] =	vst v63  }
0x122: {  	_ =	swait.ge [sflag:s28], $0x400  }
0x123: {  	s20 =	sld [smem:$0x7C0]  }
0x124: {  	[sflag:s28] =	ssyncset.done $0x0  }
0x125: {  	[sflag:s28] =	ssyncadd.s32 $0xFFFFFC00  }
0x126: {  	[spmem:s20] =	stream.linear.scatter [tilespmem:s26], [sflag:$0x7], $0x400, $0x38;
	[tilespmem:$0x1FF80] =	vst v63  }
0x127: {  	_ =	swait.ge [sflag:s28], $0x400  }
0x128: {  	s24 =	sld [smem:$0x7C1]  }
0x129: {  	[sflag:s28] =	ssyncset.done $0x0  }
0x12a: {  	[sflag:s28] =	ssyncadd.s32 $0xFFFFFC00  }
0x12b: {  	[spmem:s24] =	stream.linear.scatter [tilespmem:s26], [sflag:$0x7], $0x400, $0x38;
	[tilespmem:$0x1FF80] =	vst v63  }
0x12c: {  	_ =	swait.ge [sflag:s28], $0x400  }
0x12d: {  	s25 =	sld [smem:$0x7C2]  }
0x12e: {  	[sflag:s28] =	ssyncset.done $0x0  }
0x12f: {  	[sflag:s28] =	ssyncadd.s32 $0xFFFFFC00  }
0x130: {  	[spmem:s25] =	stream.linear.scatter [tilespmem:s26], [sflag:$0x7], $0x400, $0x38;
	[tilespmem:$0x1FF80] =	vst v63  }
0x131: {  	_ =	swait.ge [sflag:s28], $0x400  }
0x132: {  	s17 =	sld [smem:$0x7C3]  }
0x133: {  	[sflag:s28] =	ssyncset.done $0x0  }
0x134: {  	[sflag:s28] =	ssyncadd.s32 $0xFFFFFC00  }
0x135: {  	[spmem:s17] =	stream.linear.scatter [tilespmem:s26], [sflag:$0x7], $0x400, $0x38;
	[tilespmem:$0x1FF80] =	vst v63  }
0x136: {  	_ =	swait.ge [sflag:s28], $0x400  }
0x137: {  	s19 =	sld [smem:$0x7C4]  }
0x138: {  	[sflag:s28] =	ssyncset.done $0x0  }
0x139: {  	[sflag:s28] =	ssyncadd.s32 $0xFFFFFC00  }
0x13a: {  	[spmem:s19] =	stream.linear.scatter [tilespmem:s26], [sflag:$0x7], $0x400, $0x38;
	[tilespmem:$0x1FF80] =	vst v63  }
0x13b: {  	_ =	swait.ge [sflag:s28], $0x400  }
0x13c: {  	s20 =	sld [smem:$0x7C5]  }
0x13d: {  	[sflag:s28] =	ssyncset.done $0x0  }
0x13e: {  	[sflag:s28] =	ssyncadd.s32 $0xFFFFFC00  }
0x13f: {  	[spmem:s20] =	stream.linear.scatter [tilespmem:s26], [sflag:$0x7], $0x400, $0x38;
	[tilespmem:$0x1FF80] =	vst v63  }
0x140: {  	_ =	swait.ge [sflag:s28], $0x400  }
0x141: {  	s24 =	sld [smem:$0x7C6]  }
0x142: {  	[sflag:s28] =	ssyncset.done $0x0  }
0x143: {  	[sflag:s28] =	ssyncadd.s32 $0xFFFFFC00  }
0x144: {  	[spmem:s24] =	stream.linear.scatter [tilespmem:s26], [sflag:$0x7], $0x400, $0x38;
	[tilespmem:$0x1FF80] =	vst v63  }
0x145: {  	_ =	swait.ge [sflag:s28], $0x400  }
0x146: {  	s25 =	sld [smem:$0x7C7]  }
0x147: {  	[sflag:s28] =	ssyncset.done $0x0  }
0x148: {  	[sflag:s28] =	ssyncadd.s32 $0xFFFFFC00  }
0x149: {  	[spmem:s25] =	stream.linear.scatter [tilespmem:s26], [sflag:$0x7], $0x400, $0x38;
	[tilespmem:$0x1FF80] =	vst v63  }
0x14a: {  	_ =	swait.ge [sflag:s28], $0x400  }
0x14b: {  	s17 =	sld [smem:$0x7C8]  }
0x14c: {  	[sflag:s28] =	ssyncset.done $0x0  }
0x14d: {  	[sflag:s28] =	ssyncadd.s32 $0xFFFFFC00  }
0x14e: {  	[spmem:s17] =	stream.linear.scatter [tilespmem:s26], [sflag:$0x7], $0x400, $0x38;
	[tilespmem:$0x1FF80] =	vst v63  }
0x14f: {  	_ =	swait.ge [sflag:s28], $0x400  }
0x150: {  	s19 =	sld [smem:$0x7C9]  }
0x151: {  	[sflag:s28] =	ssyncset.done $0x0  }
0x152: {  	[sflag:s28] =	ssyncadd.s32 $0xFFFFFC00  }
0x153: {  	[spmem:s19] =	stream.linear.scatter [tilespmem:s26], [sflag:$0x7], $0x400, $0x38;
	[tilespmem:$0x1FF80] =	vst v63  }
0x154: {  	_ =	swait.ge [sflag:s28], $0x400  }
0x155: {  	s20 =	sld [smem:$0x7CA]  }
0x156: {  	[sflag:s28] =	ssyncset.done $0x0  }
0x157: {  	[sflag:s28] =	ssyncadd.s32 $0xFFFFFC00  }
0x158: {  	[spmem:s20] =	stream.linear.scatter [tilespmem:s26], [sflag:$0x7], $0x400, $0x38;
	[tilespmem:$0x1FF80] =	vst v63  }
0x159: {  	_ =	swait.ge [sflag:s28], $0x400  }
0x15a: {  	s24 =	sld [smem:$0x7CB]  }
0x15b: {  	[sflag:s28] =	ssyncset.done $0x0  }
0x15c: {  	[sflag:s28] =	ssyncadd.s32 $0xFFFFFC00  }
0x15d: {  	[spmem:s24] =	stream.linear.scatter [tilespmem:s26], [sflag:$0x7], $0x400, $0x38;
	[tilespmem:$0x1FF80] =	vst v63  }
0x15e: {  	_ =	swait.ge [sflag:s28], $0x400  }
0x15f: {  	s25 =	sld [smem:$0x7CC]  }
0x160: {  	[sflag:s28] =	ssyncset.done $0x0  }
0x161: {  	[sflag:s28] =	ssyncadd.s32 $0xFFFFFC00  }
0x162: {  	[spmem:s25] =	stream.linear.scatter [tilespmem:s26], [sflag:$0x7], $0x400, $0x38;
	[tilespmem:$0x1FF80] =	vst v63  }
0x163: {  	_ =	swait.ge [sflag:s28], $0x400  }
0x164: {  	s17 =	sld [smem:$0x7CD]  }
0x165: {  	[sflag:s28] =	ssyncset.done $0x0  }
0x166: {  	[sflag:s28] =	ssyncadd.s32 $0xFFFFFC00  }
0x167: {  	[spmem:s17] =	stream.linear.scatter [tilespmem:s26], [sflag:$0x7], $0x400, $0x38;
	[tilespmem:$0x1FF80] =	vst v63  }
0x168: {  	_ =	swait.ge [sflag:s28], $0x400  }
0x169: {  	s19 =	sld [smem:$0x7CE]  }
0x16a: {  	[sflag:s28] =	ssyncset.done $0x0  }
0x16b: {  	[sflag:s28] =	ssyncadd.s32 $0xFFFFFC00  }
0x16c: {  	[spmem:s19] =	stream.linear.scatter [tilespmem:s26], [sflag:$0x7], $0x400, $0x38;
	[tilespmem:$0x1FF80] =	vst v63  }
0x16d: {  	_ =	swait.ge [sflag:s28], $0x400  }
0x16e: {  	s20 =	sld [smem:$0x7CF]  }
0x16f: {  	[sflag:s28] =	ssyncset.done $0x0  }
0x170: {  	[sflag:s28] =	ssyncadd.s32 $0xFFFFFC00  }
0x171: {  	[spmem:s20] =	stream.linear.scatter [tilespmem:s26], [sflag:$0x7], $0x400, $0x38;
	[tilespmem:$0x1FF80] =	vst v63  }
0x172: {  	_ =	swait.ge [sflag:s28], $0x400  }
0x173: {  	s24 =	sld [smem:$0x7D0]  }
0x174: {  	[sflag:s28] =	ssyncset.done $0x0  }
0x175: {  	[sflag:s28] =	ssyncadd.s32 $0xFFFFFC00  }
0x176: {  	[spmem:s24] =	stream.linear.scatter [tilespmem:s26], [sflag:$0x7], $0x400, $0x38;
	[tilespmem:$0x1FF80] =	vst v63  }
0x177: {  	_ =	swait.ge [sflag:s28], $0x400  }
0x178: {  	s25 =	sld [smem:$0x7D1]  }
0x179: {  	[sflag:s28] =	ssyncset.done $0x0  }
0x17a: {  	[sflag:s28] =	ssyncadd.s32 $0xFFFFFC00  }
0x17b: {  	[spmem:s25] =	stream.linear.scatter [tilespmem:s26], [sflag:$0x7], $0x400, $0x38;
	[tilespmem:$0x1FF80] =	vst v63  }
0x17c: {  	_ =	swait.ge [sflag:s28], $0x400  }
0x17d: {  	s17 =	sld [smem:$0x7D2]  }
0x17e: {  	[sflag:s28] =	ssyncset.done $0x0  }
0x17f: {  	[sflag:s28] =	ssyncadd.s32 $0xFFFFFC00  }
0x180: {  	[spmem:s17] =	stream.linear.scatter [tilespmem:s26], [sflag:$0x7], $0x400, $0x38;
	[tilespmem:$0x1FF80] =	vst v63  }
0x181: {  	_ =	swait.ge [sflag:s28], $0x400  }
0x182: {  	s19 =	sld [smem:$0x7D3]  }
0x183: {  	[sflag:s28] =	ssyncset.done $0x0  }
0x184: {  	[sflag:s28] =	ssyncadd.s32 $0xFFFFFC00  }
0x185: {  	[spmem:s19] =	stream.linear.scatter [tilespmem:s26], [sflag:$0x7], $0x400, $0x38;
	[tilespmem:$0x1FF80] =	vst v63  }
0x186: {  	_ =	swait.ge [sflag:s28], $0x400  }
0x187: {  	s20 =	sld [smem:$0x7D4]  }
0x188: {  	[sflag:s28] =	ssyncset.done $0x0  }
0x189: {  	[sflag:s28] =	ssyncadd.s32 $0xFFFFFC00  }
0x18a: {  	[spmem:s20] =	stream.linear.scatter [tilespmem:s26], [sflag:$0x7], $0x400, $0x38;
	[tilespmem:$0x1FF80] =	vst v63  }
0x18b: {  	_ =	swait.ge [sflag:s28], $0x400  }
0x18c: {  	s24 =	sld [smem:$0x7D5]  }
0x18d: {  	[sflag:s28] =	ssyncset.done $0x0  }
0x18e: {  	[sflag:s28] =	ssyncadd.s32 $0xFFFFFC00  }
0x18f: {  	[spmem:s24] =	stream.linear.scatter [tilespmem:s26], [sflag:$0x7], $0x400, $0x38;
	[tilespmem:$0x1FF80] =	vst v63  }
0x190: {  	_ =	swait.ge [sflag:s28], $0x400  }
0x191: {  	s25 =	sld [smem:$0x7D6]  }
0x192: {  	[sflag:s28] =	ssyncset.done $0x0  }
0x193: {  	[sflag:s28] =	ssyncadd.s32 $0xFFFFFC00  }
0x194: {  	[spmem:s25] =	stream.linear.scatter [tilespmem:s26], [sflag:$0x7], $0x400, $0x38;
	[tilespmem:$0x1FF80] =	vst v63  }
0x195: {  	_ =	swait.ge [sflag:s28], $0x400  }
0x196: {  	s17 =	sld [smem:$0x7D7]  }
0x197: {  	[sflag:s28] =	ssyncset.done $0x0  }
0x198: {  	[sflag:s28] =	ssyncadd.s32 $0xFFFFFC00  }
0x199: {  	[spmem:s17] =	stream.linear.scatter [tilespmem:s26], [sflag:$0x7], $0x400, $0x38;
	[tilespmem:$0x1FF80] =	vst v63  }
0x19a: {  	_ =	swait.ge [sflag:s28], $0x400  }
0x19b: {  	s19 =	sld [smem:$0x7D8]  }
0x19c: {  	[sflag:s28] =	ssyncset.done $0x0  }
0x19d: {  	[sflag:s28] =	ssyncadd.s32 $0xFFFFFC00  }
0x19e: {  	[spmem:s19] =	stream.linear.scatter [tilespmem:s26], [sflag:$0x7], $0x400, $0x38;
	[tilespmem:$0x1FF80] =	vst v63  }
0x19f: {  	_ =	swait.ge [sflag:s28], $0x400  }
0x1a0: {  	s20 =	sld [smem:$0x7D9]  }
0x1a1: {  	[sflag:s28] =	ssyncset.done $0x0  }
0x1a2: {  	[sflag:s28] =	ssyncadd.s32 $0xFFFFFC00  }
0x1a3: {  	[spmem:s20] =	stream.linear.scatter [tilespmem:s26], [sflag:$0x7], $0x400, $0x38;
	[tilespmem:$0x1FF80] =	vst v63  }
0x1a4: {  	_ =	swait.ge [sflag:s28], $0x400  }
0x1a5: {  	s24 =	sld [smem:$0x7DA]  }
0x1a6: {  	[sflag:s28] =	ssyncset.done $0x0  }
0x1a7: {  	[sflag:s28] =	ssyncadd.s32 $0xFFFFFC00  }
0x1a8: {  	[spmem:s24] =	stream.linear.scatter [tilespmem:s26], [sflag:$0x7], $0x400, $0x38;
	[tilespmem:$0x1FF80] =	vst v63  }
0x1a9: {  	_ =	swait.ge [sflag:s28], $0x400  }
0x1aa: {  	s25 =	sld [smem:$0x7DB]  }
0x1ab: {  	[sflag:s28] =	ssyncset.done $0x0  }
0x1ac: {  	[sflag:s28] =	ssyncadd.s32 $0xFFFFFC00  }
0x1ad: {  	[spmem:s25] =	stream.linear.scatter [tilespmem:s26], [sflag:$0x7], $0x400, $0x38;
	[tilespmem:$0x1FF80] =	vst v63  }
0x1ae: {  	_ =	swait.ge [sflag:s28], $0x400  }
0x1af: {  	s17 =	sld [smem:$0x7DC]  }
0x1b0: {  	[sflag:s28] =	ssyncset.done $0x0  }
0x1b1: {  	[sflag:s28] =	ssyncadd.s32 $0xFFFFFC00  }
0x1b2: {  	[spmem:s17] =	stream.linear.scatter [tilespmem:s26], [sflag:$0x7], $0x400, $0x38;
	[tilespmem:$0x1FF80] =	vst v63  }
0x1b3: {  	_ =	swait.ge [sflag:s28], $0x400  }
0x1b4: {  	s19 =	sld [smem:$0x7DD]  }
0x1b5: {  	[sflag:s28] =	ssyncset.done $0x0  }
0x1b6: {  	[sflag:s28] =	ssyncadd.s32 $0xFFFFFC00  }
0x1b7: {  	[spmem:s19] =	stream.linear.scatter [tilespmem:s26], [sflag:$0x7], $0x400, $0x38;
	[tilespmem:$0x1FF80] =	vst v63  }
0x1b8: {  	_ =	swait.ge [sflag:s28], $0x400  }
0x1b9: {  	s20 =	sld [smem:$0x7DE]  }
0x1ba: {  	[sflag:s28] =	ssyncset.done $0x0  }
0x1bb: {  	[sflag:s28] =	ssyncadd.s32 $0xFFFFFC00  }
0x1bc: {  	[spmem:s20] =	stream.linear.scatter [tilespmem:s26], [sflag:$0x7], $0x400, $0x38;
	[tilespmem:$0x1FF80] =	vst v63  }
0x1bd: {  	_ =	swait.ge [sflag:s28], $0x400  }
0x1be: {  	s24 =	sld [smem:$0x7DF]  }
0x1bf: {  	[sflag:s28] =	ssyncset.done $0x0  }
0x1c0: {  	[sflag:s28] =	ssyncadd.s32 $0xFFFFFC00  }
0x1c1: {  	[spmem:s24] =	stream.linear.scatter [tilespmem:s26], [sflag:$0x7], $0x400, $0x38;
	[tilespmem:$0x1FF80] =	vst v63  }
0x1c2: {  	_ =	swait.ge [sflag:s28], $0x400  }
0x1c3: {  	s25 =	sld [smem:$0x7E0]  }
0x1c4: {  	[sflag:s28] =	ssyncset.done $0x0  }
0x1c5: {  	[sflag:s28] =	ssyncadd.s32 $0xFFFFFC00  }
0x1c6: {  	[spmem:s25] =	stream.linear.scatter [tilespmem:s26], [sflag:$0x7], $0x400, $0x38;
	[tilespmem:$0x1FF80] =	vst v63  }
0x1c7: {  	_ =	swait.ge [sflag:s28], $0x400  }
0x1c8: {  	s17 =	sld [smem:$0x7E1]  }
0x1c9: {  	[sflag:s28] =	ssyncset.done $0x0  }
0x1ca: {  	[sflag:s28] =	ssyncadd.s32 $0xFFFFFC00  }
0x1cb: {  	[spmem:s17] =	stream.linear.scatter [tilespmem:s26], [sflag:$0x7], $0x400, $0x38;
	[tilespmem:$0x1FF80] =	vst v63  }
0x1cc: {  	_ =	swait.ge [sflag:s28], $0x400  }
0x1cd: {  	s19 =	sld [smem:$0x7E2]  }
0x1ce: {  	[sflag:s28] =	ssyncset.done $0x0  }
0x1cf: {  	[sflag:s28] =	ssyncadd.s32 $0xFFFFFC00  }
0x1d0: {  	[spmem:s19] =	stream.linear.scatter [tilespmem:s26], [sflag:$0x7], $0x400, $0x38;
	[tilespmem:$0x1FF80] =	vst v63  }
0x1d1: {  	_ =	swait.ge [sflag:s28], $0x400  }
0x1d2: {  	s20 =	sld [smem:$0x7E3]  }
0x1d3: {  	[sflag:s28] =	ssyncset.done $0x0  }
0x1d4: {  	[sflag:s28] =	ssyncadd.s32 $0xFFFFFC00  }
0x1d5: {  	[spmem:s20] =	stream.linear.scatter [tilespmem:s26], [sflag:$0x7], $0x400, $0x38;
	[tilespmem:$0x1FF80] =	vst v63  }
0x1d6: {  	_ =	swait.ge [sflag:s28], $0x400  }
0x1d7: {  	s24 =	sld [smem:$0x7E4]  }
0x1d8: {  	[sflag:s28] =	ssyncset.done $0x0  }
0x1d9: {  	[sflag:s28] =	ssyncadd.s32 $0xFFFFFC00  }
0x1da: {  	[spmem:s24] =	stream.linear.scatter [tilespmem:s26], [sflag:$0x7], $0x400, $0x38;
	[tilespmem:$0x1FF80] =	vst v63  }
0x1db: {  	_ =	swait.ge [sflag:s28], $0x400  }
0x1dc: {  	s25 =	sld [smem:$0x7E5]  }
0x1dd: {  	[sflag:s28] =	ssyncset.done $0x0  }
0x1de: {  	[sflag:s28] =	ssyncadd.s32 $0xFFFFFC00  }
0x1df: {  	[spmem:s25] =	stream.linear.scatter [tilespmem:s26], [sflag:$0x7], $0x400, $0x38;
	[tilespmem:$0x1FF80] =	vst v63  }
0x1e0: {  	_ =	swait.ge [sflag:s28], $0x400  }
0x1e1: {  	s17 =	sld [smem:$0x7E6]  }
0x1e2: {  	[sflag:s28] =	ssyncset.done $0x0  }
0x1e3: {  	[sflag:s28] =	ssyncadd.s32 $0xFFFFFC00  }
0x1e4: {  	[spmem:s17] =	stream.linear.scatter [tilespmem:s26], [sflag:$0x7], $0x400, $0x38;
	[tilespmem:$0x1FF80] =	vst v63  }
0x1e5: {  	_ =	swait.ge [sflag:s28], $0x400  }
0x1e6: {  	s19 =	sld [smem:$0x7E7]  }
0x1e7: {  	[sflag:s28] =	ssyncset.done $0x0  }
0x1e8: {  	[sflag:s28] =	ssyncadd.s32 $0xFFFFFC00  }
0x1e9: {  	[spmem:s19] =	stream.linear.scatter [tilespmem:s26], [sflag:$0x7], $0x400, $0x38;
	[tilespmem:$0x1FF80] =	vst v63  }
0x1ea: {  	_ =	swait.ge [sflag:s28], $0x400  }
0x1eb: {  	s20 =	sld [smem:$0x7E8]  }
0x1ec: {  	[sflag:s28] =	ssyncset.done $0x0  }
0x1ed: {  	[sflag:s28] =	ssyncadd.s32 $0xFFFFFC00  }
0x1ee: {  	[spmem:s20] =	stream.linear.scatter [tilespmem:s26], [sflag:$0x7], $0x400, $0x38;
	[tilespmem:$0x1FF80] =	vst v63  }
0x1ef: {  	_ =	swait.ge [sflag:s28], $0x400  }
0x1f0: {  	s24 =	sld [smem:$0x7E9]  }
0x1f1: {  	[sflag:s28] =	ssyncset.done $0x0  }
0x1f2: {  	[sflag:s28] =	ssyncadd.s32 $0xFFFFFC00  }
0x1f3: {  	[spmem:s24] =	stream.linear.scatter [tilespmem:s26], [sflag:$0x7], $0x400, $0x38;
	[tilespmem:$0x1FF80] =	vst v63  }
0x1f4: {  	_ =	swait.ge [sflag:s28], $0x400  }
0x1f5: {  	s25 =	sld [smem:$0x7EA]  }
0x1f6: {  	[sflag:s28] =	ssyncset.done $0x0  }
0x1f7: {  	[sflag:s28] =	ssyncadd.s32 $0xFFFFFC00  }
0x1f8: {  	[spmem:s25] =	stream.linear.scatter [tilespmem:s26], [sflag:$0x7], $0x400, $0x38;
	[tilespmem:$0x1FF80] =	vst v63  }
0x1f9: {  	_ =	swait.ge [sflag:s28], $0x400  }
0x1fa: {  	s17 =	sld [smem:$0x7EB]  }
0x1fb: {  	[sflag:s28] =	ssyncset.done $0x0  }
0x1fc: {  	[sflag:s28] =	ssyncadd.s32 $0xFFFFFC00  }
0x1fd: {  	[spmem:s17] =	stream.linear.scatter [tilespmem:s26], [sflag:$0x7], $0x400, $0x38;
	[tilespmem:$0x1FF80] =	vst v63  }
0x1fe: {  	_ =	swait.ge [sflag:s28], $0x400  }
0x1ff: {  	s19 =	sld [smem:$0x7EC]  }
0x200: {  	[sflag:s28] =	ssyncset.done $0x0  }
0x201: {  	[sflag:s28] =	ssyncadd.s32 $0xFFFFFC00  }
0x202: {  	[spmem:s19] =	stream.linear.scatter [tilespmem:s26], [sflag:$0x7], $0x400, $0x38;
	[tilespmem:$0x1FF80] =	vst v63  }
0x203: {  	_ =	swait.ge [sflag:s28], $0x400  }
0x204: {  	s20 =	sld [smem:$0x7ED]  }
0x205: {  	[sflag:s28] =	ssyncset.done $0x0  }
0x206: {  	[sflag:s28] =	ssyncadd.s32 $0xFFFFFC00  }
0x207: {  	[spmem:s20] =	stream.linear.scatter [tilespmem:s26], [sflag:$0x7], $0x400, $0x38;
	[tilespmem:$0x1FF80] =	vst v63  }
0x208: {  	_ =	swait.ge [sflag:s28], $0x400  }
0x209: {  	s24 =	sld [smem:$0x7EE]  }
0x20a: {  	[sflag:s28] =	ssyncset.done $0x0  }
0x20b: {  	[sflag:s28] =	ssyncadd.s32 $0xFFFFFC00  }
0x20c: {  	[spmem:s24] =	stream.linear.scatter [tilespmem:s26], [sflag:$0x7], $0x400, $0x38;
	[tilespmem:$0x1FF80] =	vst v63  }
0x20d: {  	_ =	swait.ge [sflag:s28], $0x400  }
0x20e: {  	s25 =	sld [smem:$0x7EF]  }
0x20f: {  	[sflag:s28] =	ssyncset.done $0x0  }
0x210: {  	[sflag:s28] =	ssyncadd.s32 $0xFFFFFC00  }
0x211: {  	[spmem:s25] =	stream.linear.scatter [tilespmem:s26], [sflag:$0x7], $0x400, $0x38;
	[tilespmem:$0x1FF80] =	vst v63  }
0x212: {  	_ =	swait.ge [sflag:s28], $0x400  }
0x213: {  	s17 =	sld [smem:$0x7F0]  }
0x214: {  	[sflag:s28] =	ssyncset.done $0x0  }
0x215: {  	[sflag:s28] =	ssyncadd.s32 $0xFFFFFC00  }
0x216: {  	[spmem:s17] =	stream.linear.scatter [tilespmem:s26], [sflag:$0x7], $0x400, $0x38;
	[tilespmem:$0x1FF80] =	vst v63  }
0x217: {  	_ =	swait.ge [sflag:s28], $0x400  }
0x218: {  	s19 =	sld [smem:$0x7F1]  }
0x219: {  	[sflag:s28] =	ssyncset.done $0x0  }
0x21a: {  	[sflag:s28] =	ssyncadd.s32 $0xFFFFFC00  }
0x21b: {  	[spmem:s19] =	stream.linear.scatter [tilespmem:s26], [sflag:$0x7], $0x400, $0x38;
	[tilespmem:$0x1FF80] =	vst v63  }
0x21c: {  	_ =	swait.ge [sflag:s28], $0x400  }
0x21d: {  	s20 =	sld [smem:$0x7F2]  }
0x21e: {  	[sflag:s28] =	ssyncset.done $0x0  }
0x21f: {  	[sflag:s28] =	ssyncadd.s32 $0xFFFFFC00  }
0x220: {  	[spmem:s20] =	stream.linear.scatter [tilespmem:s26], [sflag:$0x7], $0x400, $0x38;
	[tilespmem:$0x1FF80] =	vst v63  }
0x221: {  	_ =	swait.ge [sflag:s28], $0x400  }
0x222: {  	s24 =	sld [smem:$0x7F3]  }
0x223: {  	[sflag:s28] =	ssyncset.done $0x0  }
0x224: {  	[sflag:s28] =	ssyncadd.s32 $0xFFFFFC00  }
0x225: {  	[spmem:s24] =	stream.linear.scatter [tilespmem:s26], [sflag:$0x7], $0x400, $0x38;
	[tilespmem:$0x1FF80] =	vst v63  }
0x226: {  	_ =	swait.ge [sflag:s28], $0x400  }
0x227: {  	s25 =	sld [smem:$0x7F4]  }
0x228: {  	[sflag:s28] =	ssyncset.done $0x0  }
0x229: {  	[sflag:s28] =	ssyncadd.s32 $0xFFFFFC00  }
0x22a: {  	[spmem:s25] =	stream.linear.scatter [tilespmem:s26], [sflag:$0x7], $0x400, $0x38;
	[tilespmem:$0x1FF80] =	vst v63  }
0x22b: {  	_ =	swait.ge [sflag:s28], $0x400  }
0x22c: {  	[sflag:s28] =	ssyncset.done $0x0  }
0x22d: {  	s8 =	simm.s32 @!p0 $0xC300;
	[sflag:s28] =	ssyncadd.s32 $0xFFFFFC00  }
0x22e: {  	[spmem:s23] =	stream.linear.scatter @!p0 [tilespmem:s8], [sflag:$0x7], $0x800, $0x38;
	[tilespmem:$0x1FF80] =	vst v63  }
0x22f: {  	s8 =	simm.s32 @!p0 $0x7  }
0x230: {  	_ =	swait.ge @!p0 [sflag:s8], $0x800  }
0x231: {  	[sflag:s8] =	ssyncset.done @!p0 $0x0  }
0x232: {  	[sflag:s8] =	ssyncadd.s32 @!p0 $0xFFFFF800  }
0x233: {  	[bflag:$0x0] =	sbarrier.arrive $0xFFFF  }
0x234: {  	s17 =	sld [smem:$0x7F5];
	_ =	sdelay $0x1  }
0x235: {  	s19 =	sld [smem:$0x7F6]  }
0x236: {  	[tilespmem:s5], [sflag:$0x3] =	stream.linear.gather [hbm4b:s17+s5], $0x80, $0x38;
	[tilespmem:$0x1FF80] =	vst v63  }
0x237: {  	s20 =	sld [smem:$0x7F7]  }
0x238: {  	[tilespmem:s29], [sflag:$0x3] =	stream.linear.gather [hbm4b:s19+s5], $0x80, $0x38;
	[tilespmem:$0x1FF80] =	vst v63  }
0x239: {  	s23 =	sld [smem:$0x7F8]  }
0x23a: {  	[tilespmem:s30], [sflag:$0x3] =	stream.linear.gather [hbm4b:s20+s5], $0x80, $0x38;
	[tilespmem:$0x1FF80] =	vst v63  }
0x23b: {  	s24 =	sld [smem:$0x7F9]  }
0x23c: {  	[tilespmem:s31], [sflag:$0x4] =	stream.linear.gather [hbm4b:s23+s5], $0x80, $0x38;
	[tilespmem:$0x1FF80] =	vst v63  }
0x23d: {  	s25 =	sld [smem:$0x7FA]  }
0x23e: {  	[tilespmem:s0], [sflag:$0x4] =	stream.linear.gather [hbm4b:s24+s5], $0x80, $0x38;
	[tilespmem:$0x1FF80] =	vst v63  }
0x23f: {  	_ = 	snop  }
0x240: {  	[tilespmem:s6], [sflag:$0x4] =	stream.linear.gather [hbm4b:s25+s5], $0x80, $0x38;
	[tilespmem:$0x1FF80] =	vst v63  }
0x241: {  	_ =	swait.ge [sflag:s9], $0x80  }
0x242: {  	[sflag:s9] =	ssyncset.done $0x0  }
0x243: {  	[sflag:s9] =	ssyncadd.s32 $0xFFFFFF80  }
0x244: {  	_ =	swait.ge [sflag:s9], $0x80  }
0x245: {  	[sflag:s9] =	ssyncset.done $0x0  }
0x246: {  	[sflag:s9] =	ssyncadd.s32 $0xFFFFFF80  }
0x247: {  	_ =	swait.ge [sflag:s9], $0x80  }
0x248: {  	[sflag:s9] =	ssyncset.done $0x0  }
0x249: {  	s20 =	simm.s32 $0x0;
	[sflag:s9] =	ssyncadd.s32 $0xFFFFFF80  }
0x24a: {  	[tilespmem:s10], [sflag:$0x1] =	stream.indirect.gather [hbm4b:s7+s31], $0x40, s29, s31, $0xb8;
	[tilespmem:$0x1FF80] =	vst v63  }
.LBB2_2:
0x24b: {  	_ =	swait.ge [sflag:s11], $0x80  }
0x24c: {  	[sflag:s11] =	ssyncset.done $0x0  }
0x24d: {  	[sflag:s11] =	ssyncadd.s32 $0xFFFFFF80  }
0x24e: {  	_ =	swait.ge [sflag:s11], $0x80  }
0x24f: {  	[sflag:s11] =	ssyncset.done $0x0  }
0x250: {  	[sflag:s11] =	ssyncadd.s32 $0xFFFFFF80  }
0x251: {  	_ =	swait.ge [sflag:s11], $0x80  }
0x252: {  	p1 =	seq.s32 s20, $0x0;
	[sflag:s11] =	ssyncset.done $0x0  }
0x253: {  	s8 =	simm.s32 $0x0;
	s17 =	simm.s32 @!p1 $0x5;
	[sflag:s11] =	ssyncadd.s32 $0xFFFFFF80  }
0x254: {  	v1 =	vmov s8;
	[tilespmem:s12], [sflag:$0x2] =	stream.indirect.gather [hbm4b:s7+s31], $0x40, s0, s31, $0xb8;
	[tilespmem:$0x1FF80] =	vst v63  }
0x255: {  	v1 =	vand.u32 $0xFFFFFFFE, v1;
	_ =	swait.ge @!p1 [sflag:s17], $0x4000  }
0x256: {  	v1 =	vbroadcast v1, $0x0;
	[sflag:s17] =	ssyncset.done @!p1 $0x0  }
0x257: {  	[sflag:s17] =	ssyncadd.s32 @!p1 $0xFFFFC000  }
0x258: {  	_ =	swait.ge [sflag:s13], $0x2000  }
0x259: {  	[sflag:s13] =	ssyncset.done $0x0  }
0x25a: {  	s24 =	simm.s32 $0x340;
	[sflag:s13] =	ssyncadd.s32 $0xFFFFE000  }
0x25b: {  	v2 =	vld [tilespmem:s24+$0xFFFFFFC0]  }
0x25c: {  	v1 =	vld.idx.msk [tilespmem:v1+s30+$0x0], $0xffff;
	_ =	sdelay $0x3  }
0x25d: {  	v3 =	vshll.u32 v2, $0x10  }
0x25e: {  	v2 =	vand.u32 $0xFFFF0000, v2;
	v3 =	vmul.f32 v3, v1  }
0x25f: {  	s17 =	simm.s32 $0x4380;
	v2 =	vmul.f32 v2, v1  }
0x260: {  	[tilespmem:s17+$0xFFFFFF80] =	vst v3  }
0x261: {  	[tilespmem:s17+$0xFFFFFF90] =	vst v2  }
0x262: {  	v2 =	vld [tilespmem:s24+$0xFFFFFFD0];
	_ =	sdelay $0x4  }
0x263: {  	v3 =	vshll.u32 v2, $0x10  }
0x264: {  	v2 =	vand.u32 $0xFFFF0000, v2;
	v3 =	vmul.f32 v3, v1  }
0x265: {  	v2 =	vmul.f32 v2, v1  }
0x266: {  	[tilespmem:s17+$0xFFFFFFA0] =	vst v3  }
0x267: {  	[tilespmem:s17+$0xFFFFFFB0] =	vst v2  }
0x268: {  	v2 =	vld [tilespmem:s24+$0xFFFFFFE0];
	_ =	sdelay $0x4  }
0x269: {  	v3 =	vshll.u32 v2, $0x10  }
0x26a: {  	v2 =	vand.u32 $0xFFFF0000, v2;
	v3 =	vmul.f32 v3, v1  }
0x26b: {  	v2 =	vmul.f32 v2, v1  }
0x26c: {  	[tilespmem:s17+$0xFFFFFFC0] =	vst v3  }
0x26d: {  	[tilespmem:s17+$0xFFFFFFD0] =	vst v2  }
0x26e: {  	v2 =	vld [tilespmem:s24+$0xFFFFFFF0];
	_ =	sdelay $0x4  }
0x26f: {  	s25 =	simm.s32 $0x1;
	v3 =	vshll.u32 v2, $0x10  }
0x270: {  	v4 =	vmov s25;
	v2 =	vand.u32 $0xFFFF0000, v2;
	v3 =	vmul.f32 v3, v1  }
0x271: {  	v1 =	vmul.f32 v2, v1  }
0x272: {  	[tilespmem:s17+$0xFFFFFFE0] =	vst v3  }
0x273: {  	[tilespmem:s17+$0xFFFFFFF0] =	vst v1  }
0x274: {  	v2 =	vld [tilespmem:s24+$0x0]  }
0x275: {  	v1 =	vld.idx.msk [tilespmem:v4+s30+$0x0], $0xffff;
	_ =	sdelay $0x3  }
0x276: {  	v3 =	vshll.u32 v2, $0x10  }
0x277: {  	v2 =	vand.u32 $0xFFFF0000, v2;
	v3 =	vmul.f32 v3, v1  }
0x278: {  	v2 =	vmul.f32 v2, v1  }
0x279: {  	[tilespmem:s17+$0x0] =	vst v3  }
0x27a: {  	[tilespmem:s17+$0x10] =	vst v2  }
0x27b: {  	v2 =	vld [tilespmem:s24+$0x10];
	_ =	sdelay $0x4  }
0x27c: {  	v3 =	vshll.u32 v2, $0x10  }
0x27d: {  	v2 =	vand.u32 $0xFFFF0000, v2;
	v3 =	vmul.f32 v3, v1  }
0x27e: {  	v2 =	vmul.f32 v2, v1  }
0x27f: {  	[tilespmem:s17+$0x20] =	vst v3  }
0x280: {  	[tilespmem:s17+$0x30] =	vst v2  }
0x281: {  	v2 =	vld [tilespmem:s24+$0x20];
	_ =	sdelay $0x4  }
0x282: {  	v3 =	vshll.u32 v2, $0x10  }
0x283: {  	v2 =	vand.u32 $0xFFFF0000, v2;
	v3 =	vmul.f32 v3, v1  }
0x284: {  	v2 =	vmul.f32 v2, v1  }
0x285: {  	[tilespmem:s17+$0x40] =	vst v3  }
0x286: {  	s23 =	sshll.u32 s20, $0x8;
	s25 =	simm.s32 $0x2;
	s8 =	simm.s32 $0x4380;
	[tilespmem:s17+$0x50] =	vst v2  }
.LBB2_3:
0x287: {  	p1 =	sne.s32 s25, $0x7E;
	v2 =	vld [tilespmem:s24+$0x30];
	s24 =	sadd.s32 $0x80, s24;
	s17 =	sadd.s32 $0x100, s17  }
0x288: {  	s19 =	smov.u32 s25;
	s25 =	sadd.s32 $0x2, s25;
	_ =	sdelay $0x1  }
0x289: {  	v3 =	vmov s19  }
0x28a: {  	v3 =	vand.u32 $0xFFFFFFFE, v3  }
0x28b: {  	v3 =	vbroadcast v3, $0x0;
	v4 =	vshll.u32 v2, $0x10;
	v2 =	vand.u32 $0xFFFF0000, v2  }
0x28c: {  	v4 =	vmul.f32 v4, v1;
	v1 =	vmul.f32 v2, v1;
	_ =	sdelay $0x1  }
0x28d: {  	[tilespmem:s8+$0x60] =	vst v4  }
0x28e: {  	[tilespmem:s8+$0x70] =	vst v1;
	s8 =	smov.u32 s17  }
0x28f: {  	v1 =	vld [tilespmem:s24+$0xFFFFFFC0]  }
0x290: {  	v2 =	vld.idx.msk [tilespmem:v3+s30+$0x0], $0xffff;
	_ =	sdelay $0x4  }
0x291: {  	v3 =	vshll.u32 v1, $0x10;
	v1 =	vand.u32 $0xFFFF0000, v1  }
0x292: {  	v3 =	vmul.f32 v3, v2;
	v1 =	vmul.f32 v1, v2;
	_ =	sdelay $0x1  }
0x293: {  	[tilespmem:s17+$0xFFFFFF80] =	vst v3  }
0x294: {  	[tilespmem:s17+$0xFFFFFF90] =	vst v1  }
0x295: {  	v1 =	vld [tilespmem:s24+$0xFFFFFFD0];
	_ =	sdelay $0x4  }
0x296: {  	v3 =	vshll.u32 v1, $0x10;
	v1 =	vand.u32 $0xFFFF0000, v1  }
0x297: {  	v3 =	vmul.f32 v3, v2;
	v1 =	vmul.f32 v1, v2;
	_ =	sdelay $0x1  }
0x298: {  	[tilespmem:s17+$0xFFFFFFA0] =	vst v3  }
0x299: {  	[tilespmem:s17+$0xFFFFFFB0] =	vst v1  }
0x29a: {  	v1 =	vld [tilespmem:s24+$0xFFFFFFE0];
	_ =	sdelay $0x4  }
0x29b: {  	v3 =	vshll.u32 v1, $0x10;
	v1 =	vand.u32 $0xFFFF0000, v1  }
0x29c: {  	v3 =	vmul.f32 v3, v2;
	v1 =	vmul.f32 v1, v2;
	_ =	sdelay $0x1  }
0x29d: {  	[tilespmem:s17+$0xFFFFFFC0] =	vst v3  }
0x29e: {  	[tilespmem:s17+$0xFFFFFFD0] =	vst v1  }
0x29f: {  	v1 =	vld [tilespmem:s24+$0xFFFFFFF0];
	_ =	sdelay $0x3  }
0x2a0: {  	s19 =	sadd.s32 $0x1, s19  }
0x2a1: {  	v4 =	vmov s19;
	v3 =	vshll.u32 v1, $0x10;
	v1 =	vand.u32 $0xFFFF0000, v1  }
0x2a2: {  	v3 =	vmul.f32 v3, v2;
	v1 =	vmul.f32 v1, v2;
	_ =	sdelay $0x1  }
0x2a3: {  	[tilespmem:s17+$0xFFFFFFE0] =	vst v3  }
0x2a4: {  	[tilespmem:s17+$0xFFFFFFF0] =	vst v1  }
0x2a5: {  	v1 =	vld.idx.msk [tilespmem:v4+s30+$0x0], $0xffff  }
0x2a6: {  	v2 =	vld [tilespmem:s24+$0x0];
	_ =	sdelay $0x4  }
0x2a7: {  	v3 =	vshll.u32 v2, $0x10;
	v2 =	vand.u32 $0xFFFF0000, v2  }
0x2a8: {  	v3 =	vmul.f32 v3, v1;
	v2 =	vmul.f32 v2, v1;
	_ =	sdelay $0x1  }
0x2a9: {  	[tilespmem:s17+$0x0] =	vst v3  }
0x2aa: {  	[tilespmem:s17+$0x10] =	vst v2  }
0x2ab: {  	v2 =	vld [tilespmem:s24+$0x10];
	_ =	sdelay $0x4  }
0x2ac: {  	v3 =	vshll.u32 v2, $0x10;
	v2 =	vand.u32 $0xFFFF0000, v2  }
0x2ad: {  	v3 =	vmul.f32 v3, v1;
	v2 =	vmul.f32 v2, v1;
	_ =	sdelay $0x1  }
0x2ae: {  	[tilespmem:s17+$0x20] =	vst v3  }
0x2af: {  	[tilespmem:s17+$0x30] =	vst v2  }
0x2b0: {  	v2 =	vld [tilespmem:s24+$0x20];
	_ =	sdelay $0x4  }
.Ltmp2:
0x2b1: {  	v3 =	vshll.u32 v2, $0x10;
	v2 =	vand.u32 $0xFFFF0000, v2;
	(pc) =	sbr.rel @p1 .LBB2_3-.Ltmp2, $3  }
0x2b2: {  	v3 =	vmul.f32 v3, v1;
	v2 =	vmul.f32 v2, v1;
	_ =	sdelay $0x1  }
0x2b3: {  	[tilespmem:s17+$0x40] =	vst v3  }
0x2b4: {  	[tilespmem:s17+$0x50] =	vst v2  }
0x2b5: {  	v2 =	vld [tilespmem:s24+$0x30];
	_ =	sdelay $0x4  }
0x2b6: {  	v3 =	vshll.u32 v2, $0x10  }
0x2b7: {  	v2 =	vand.u32 $0xFFFF0000, v2;
	v3 =	vmul.f32 v3, v1  }
0x2b8: {  	v1 =	vmul.f32 v2, v1  }
0x2b9: {  	p1 =	seq.s32 s20, $0x27;
	[tilespmem:s8+$0x60] =	vst v3  }
0x2ba: {  	[tilespmem:s8+$0x70] =	vst v1;
	s8 =	sadd.s32 @!p1 s23, s21  }
0x2bb: {  	[spmem:s4] =	stream.indirect.scatter.add.f32 [tilespmem:s14], [sflag:$0x5], $0x80, s5, s31, $0xb8;
	[tilespmem:$0x1FF80] =	vst v63  }
0x2bc: {  	s8 =	sshrl.u32 @!p1 s8, $0x3  }
0x2bd: {  	s19 =	simm.s32 @!p1 $0x0;
	p2 =	seq.s32 @!p1 s20, $0x0;
	s17 =	sadd.s32 @!p1 s1, s8  }
0x2be: {  	[tilespmem:s19], [sflag:$0x3] =	stream.linear.gather @!p1 [hbm4b:s17+s19], $0x80, $0x38;
	[tilespmem:$0x1FF80] =	vst v63  }
0x2bf: {  	s24 =	simm.s32 @!p1 $0x100;
	p2 =	por p1, !p2;
	s17 =	sadd.s32 @!p1 s2, s8  }
0x2c0: {  	[tilespmem:s24], [sflag:$0x3] =	stream.linear.gather @!p1 [hbm4b:s17+s19], $0x80, $0x38;
	[tilespmem:$0x1FF80] =	vst v63  }
0x2c1: {  	s8 =	sadd.s32 @!p1 s3, s8;
	s17 =	simm.s32 @!p1 $0x200;
	s24 =	simm.s32 $0x0  }
0x2c2: {  	v1 =	vmov s24;
	[tilespmem:s17], [sflag:$0x3] =	stream.linear.gather @!p1 [hbm4b:s8+s19], $0x80, $0x38;
	[tilespmem:$0x1FF80] =	vst v63  }
0x2c3: {  	v1 =	vand.u32 $0xFFFFFFFE, v1;
	_ =	swait.ge @p2 [sflag:s18], $0x4000  }
0x2c4: {  	v1 =	vbroadcast v1, $0x0;
	[sflag:s18] =	ssyncset.done @p2 $0x0  }
0x2c5: {  	[sflag:s18] =	ssyncadd.s32 @p2 $0xFFFFC000  }
0x2c6: {  	_ =	swait.ge [sflag:s15], $0x2000  }
0x2c7: {  	[sflag:s15] =	ssyncset.done $0x0  }
0x2c8: {  	s24 =	simm.s32 $0x2340;
	[sflag:s15] =	ssyncadd.s32 $0xFFFFE000  }
0x2c9: {  	v2 =	vld [tilespmem:s24+$0xFFFFFFC0]  }
0x2ca: {  	v1 =	vld.idx.msk [tilespmem:v1+s6+$0x0], $0xffff;
	_ =	sdelay $0x3  }
0x2cb: {  	v3 =	vshll.u32 v2, $0x10  }
0x2cc: {  	v2 =	vand.u32 $0xFFFF0000, v2;
	v3 =	vmul.f32 v3, v1  }
0x2cd: {  	s17 =	simm.s32 $0x8380;
	v2 =	vmul.f32 v2, v1  }
0x2ce: {  	[tilespmem:s17+$0xFFFFFF80] =	vst v3  }
0x2cf: {  	[tilespmem:s17+$0xFFFFFF90] =	vst v2  }
0x2d0: {  	v2 =	vld [tilespmem:s24+$0xFFFFFFD0];
	_ =	sdelay $0x4  }
0x2d1: {  	v3 =	vshll.u32 v2, $0x10  }
0x2d2: {  	v2 =	vand.u32 $0xFFFF0000, v2;
	v3 =	vmul.f32 v3, v1  }
0x2d3: {  	v2 =	vmul.f32 v2, v1  }
0x2d4: {  	[tilespmem:s17+$0xFFFFFFA0] =	vst v3  }
0x2d5: {  	[tilespmem:s17+$0xFFFFFFB0] =	vst v2  }
0x2d6: {  	v2 =	vld [tilespmem:s24+$0xFFFFFFE0];
	_ =	sdelay $0x4  }
0x2d7: {  	v3 =	vshll.u32 v2, $0x10  }
0x2d8: {  	v2 =	vand.u32 $0xFFFF0000, v2;
	v3 =	vmul.f32 v3, v1  }
0x2d9: {  	v2 =	vmul.f32 v2, v1  }
0x2da: {  	[tilespmem:s17+$0xFFFFFFC0] =	vst v3  }
0x2db: {  	[tilespmem:s17+$0xFFFFFFD0] =	vst v2  }
0x2dc: {  	v2 =	vld [tilespmem:s24+$0xFFFFFFF0];
	_ =	sdelay $0x4  }
0x2dd: {  	s25 =	simm.s32 $0x1;
	v3 =	vshll.u32 v2, $0x10  }
0x2de: {  	v4 =	vmov s25;
	v2 =	vand.u32 $0xFFFF0000, v2;
	v3 =	vmul.f32 v3, v1  }
0x2df: {  	v1 =	vmul.f32 v2, v1  }
0x2e0: {  	[tilespmem:s17+$0xFFFFFFE0] =	vst v3  }
0x2e1: {  	[tilespmem:s17+$0xFFFFFFF0] =	vst v1  }
0x2e2: {  	v2 =	vld [tilespmem:s24+$0x0]  }
0x2e3: {  	v1 =	vld.idx.msk [tilespmem:v4+s6+$0x0], $0xffff;
	_ =	sdelay $0x3  }
0x2e4: {  	v3 =	vshll.u32 v2, $0x10  }
0x2e5: {  	v2 =	vand.u32 $0xFFFF0000, v2;
	v3 =	vmul.f32 v3, v1  }
0x2e6: {  	v2 =	vmul.f32 v2, v1  }
0x2e7: {  	[tilespmem:s17+$0x0] =	vst v3  }
0x2e8: {  	[tilespmem:s17+$0x10] =	vst v2  }
0x2e9: {  	v2 =	vld [tilespmem:s24+$0x10];
	_ =	sdelay $0x4  }
0x2ea: {  	v3 =	vshll.u32 v2, $0x10  }
0x2eb: {  	v2 =	vand.u32 $0xFFFF0000, v2;
	v3 =	vmul.f32 v3, v1  }
0x2ec: {  	v2 =	vmul.f32 v2, v1  }
0x2ed: {  	[tilespmem:s17+$0x20] =	vst v3  }
0x2ee: {  	[tilespmem:s17+$0x30] =	vst v2  }
0x2ef: {  	v2 =	vld [tilespmem:s24+$0x20];
	_ =	sdelay $0x4  }
0x2f0: {  	v3 =	vshll.u32 v2, $0x10  }
0x2f1: {  	v2 =	vand.u32 $0xFFFF0000, v2;
	v3 =	vmul.f32 v3, v1  }
0x2f2: {  	v2 =	vmul.f32 v2, v1  }
0x2f3: {  	[tilespmem:s17+$0x40] =	vst v3  }
0x2f4: {  	s25 =	simm.s32 $0x2;
	s8 =	simm.s32 $0x8380;
	[tilespmem:s17+$0x50] =	vst v2  }
.LBB2_5:
0x2f5: {  	p2 =	sne.s32 s25, $0x7E;
	v2 =	vld [tilespmem:s24+$0x30];
	s24 =	sadd.s32 $0x80, s24;
	s17 =	sadd.s32 $0x100, s17  }
0x2f6: {  	s19 =	smov.u32 s25;
	s25 =	sadd.s32 $0x2, s25;
	_ =	sdelay $0x1  }
0x2f7: {  	v3 =	vmov s19  }
0x2f8: {  	v3 =	vand.u32 $0xFFFFFFFE, v3  }
0x2f9: {  	v3 =	vbroadcast v3, $0x0;
	v4 =	vshll.u32 v2, $0x10;
	v2 =	vand.u32 $0xFFFF0000, v2  }
0x2fa: {  	v4 =	vmul.f32 v4, v1;
	v1 =	vmul.f32 v2, v1;
	_ =	sdelay $0x1  }
0x2fb: {  	[tilespmem:s8+$0x60] =	vst v4  }
0x2fc: {  	[tilespmem:s8+$0x70] =	vst v1;
	s8 =	smov.u32 s17  }
0x2fd: {  	v1 =	vld [tilespmem:s24+$0xFFFFFFC0]  }
0x2fe: {  	v2 =	vld.idx.msk [tilespmem:v3+s6+$0x0], $0xffff;
	_ =	sdelay $0x4  }
0x2ff: {  	v3 =	vshll.u32 v1, $0x10;
	v1 =	vand.u32 $0xFFFF0000, v1  }
0x300: {  	v3 =	vmul.f32 v3, v2;
	v1 =	vmul.f32 v1, v2;
	_ =	sdelay $0x1  }
0x301: {  	[tilespmem:s17+$0xFFFFFF80] =	vst v3  }
0x302: {  	[tilespmem:s17+$0xFFFFFF90] =	vst v1  }
0x303: {  	v1 =	vld [tilespmem:s24+$0xFFFFFFD0];
	_ =	sdelay $0x4  }
0x304: {  	v3 =	vshll.u32 v1, $0x10;
	v1 =	vand.u32 $0xFFFF0000, v1  }
0x305: {  	v3 =	vmul.f32 v3, v2;
	v1 =	vmul.f32 v1, v2;
	_ =	sdelay $0x1  }
0x306: {  	[tilespmem:s17+$0xFFFFFFA0] =	vst v3  }
0x307: {  	[tilespmem:s17+$0xFFFFFFB0] =	vst v1  }
0x308: {  	v1 =	vld [tilespmem:s24+$0xFFFFFFE0];
	_ =	sdelay $0x4  }
0x309: {  	v3 =	vshll.u32 v1, $0x10;
	v1 =	vand.u32 $0xFFFF0000, v1  }
0x30a: {  	v3 =	vmul.f32 v3, v2;
	v1 =	vmul.f32 v1, v2;
	_ =	sdelay $0x1  }
0x30b: {  	[tilespmem:s17+$0xFFFFFFC0] =	vst v3  }
0x30c: {  	[tilespmem:s17+$0xFFFFFFD0] =	vst v1  }
0x30d: {  	v1 =	vld [tilespmem:s24+$0xFFFFFFF0];
	_ =	sdelay $0x3  }
0x30e: {  	s19 =	sadd.s32 $0x1, s19  }
0x30f: {  	v4 =	vmov s19;
	v3 =	vshll.u32 v1, $0x10;
	v1 =	vand.u32 $0xFFFF0000, v1  }
0x310: {  	v3 =	vmul.f32 v3, v2;
	v1 =	vmul.f32 v1, v2;
	_ =	sdelay $0x1  }
0x311: {  	[tilespmem:s17+$0xFFFFFFE0] =	vst v3  }
0x312: {  	[tilespmem:s17+$0xFFFFFFF0] =	vst v1  }
0x313: {  	v1 =	vld.idx.msk [tilespmem:v4+s6+$0x0], $0xffff  }
0x314: {  	v2 =	vld [tilespmem:s24+$0x0];
	_ =	sdelay $0x4  }
0x315: {  	v3 =	vshll.u32 v2, $0x10;
	v2 =	vand.u32 $0xFFFF0000, v2  }
0x316: {  	v3 =	vmul.f32 v3, v1;
	v2 =	vmul.f32 v2, v1;
	_ =	sdelay $0x1  }
0x317: {  	[tilespmem:s17+$0x0] =	vst v3  }
0x318: {  	[tilespmem:s17+$0x10] =	vst v2  }
0x319: {  	v2 =	vld [tilespmem:s24+$0x10];
	_ =	sdelay $0x4  }
0x31a: {  	v3 =	vshll.u32 v2, $0x10;
	v2 =	vand.u32 $0xFFFF0000, v2  }
0x31b: {  	v3 =	vmul.f32 v3, v1;
	v2 =	vmul.f32 v2, v1;
	_ =	sdelay $0x1  }
0x31c: {  	[tilespmem:s17+$0x20] =	vst v3  }
0x31d: {  	[tilespmem:s17+$0x30] =	vst v2  }
0x31e: {  	v2 =	vld [tilespmem:s24+$0x20];
	_ =	sdelay $0x4  }
.Ltmp3:
0x31f: {  	v3 =	vshll.u32 v2, $0x10;
	v2 =	vand.u32 $0xFFFF0000, v2;
	(pc) =	sbr.rel @p2 .LBB2_5-.Ltmp3, $3  }
0x320: {  	v3 =	vmul.f32 v3, v1;
	v2 =	vmul.f32 v2, v1;
	_ =	sdelay $0x1  }
0x321: {  	[tilespmem:s17+$0x40] =	vst v3  }
0x322: {  	[tilespmem:s17+$0x50] =	vst v2  }
0x323: {  	v2 =	vld [tilespmem:s24+$0x30];
	_ =	sdelay $0x4  }
0x324: {  	v3 =	vshll.u32 v2, $0x10  }
.Ltmp4:
0x325: {  	v2 =	vand.u32 $0xFFFF0000, v2;
	v3 =	vmul.f32 v3, v1;
	(pc) =	sbr.rel @p1 .LBB2_8-.Ltmp4, $4  }
0x326: {  	v1 =	vmul.f32 v2, v1  }
0x327: {  	[tilespmem:s8+$0x60] =	vst v3  }
0x328: {  	[tilespmem:s8+$0x70] =	vst v1  }
0x329: {  	[spmem:s4] =	stream.indirect.scatter.add.f32 [tilespmem:s16], [sflag:$0x6], $0x80, s31, s31, $0xb8;
	[tilespmem:$0x1FF80] =	vst v63  }
0x32a: {  	s8 =	sadd.s32 s23, s22  }
0x32b: {  	s8 =	sshrl.u32 s8, $0x3  }
0x32c: {  	s17 =	sadd.s32 s1, s8  }
0x32d: {  	[tilespmem:s31], [sflag:$0x4] =	stream.linear.gather [hbm4b:s17+s5], $0x80, $0x38;
	[tilespmem:$0x1FF80] =	vst v63  }
0x32e: {  	s25 =	sadd.s32 s2, s8  }
0x32f: {  	[tilespmem:s0], [sflag:$0x4] =	stream.linear.gather [hbm4b:s25+s5], $0x80, $0x38;
	[tilespmem:$0x1FF80] =	vst v63  }
0x330: {  	s8 =	sadd.s32 s3, s8  }
0x331: {  	[tilespmem:s6], [sflag:$0x4] =	stream.linear.gather [hbm4b:s8+s5], $0x80, $0x38;
	[tilespmem:$0x1FF80] =	vst v63  }
0x332: {  	_ =	swait.ge [sflag:s9], $0x80  }
0x333: {  	[sflag:s9] =	ssyncset.done $0x0  }
0x334: {  	[sflag:s9] =	ssyncadd.s32 $0xFFFFFF80  }
0x335: {  	_ =	swait.ge [sflag:s9], $0x80  }
0x336: {  	[sflag:s9] =	ssyncset.done $0x0  }
.Ltmp5:
0x337: {  	[sflag:s9] =	ssyncadd.s32 $0xFFFFFF80;
	(pc) =	sbr.rel .LBB2_2-.Ltmp5, $4  }
0x338: {  	_ =	swait.ge [sflag:s9], $0x80  }
0x339: {  	[sflag:s9] =	ssyncset.done $0x0  }
0x33a: {  	s20 =	sadd.s32 $0x1, s20;
	[sflag:s9] =	ssyncadd.s32 $0xFFFFFF80  }
0x33b: {  	[tilespmem:s10], [sflag:$0x1] =	stream.indirect.gather [hbm4b:s7+s31], $0x40, s29, s31, $0xb8;
	[tilespmem:$0x1FF80] =	vst v63  }
.LBB2_9:
0x33c: {  	_ =	sfence.sel $0x180000  }
0x33d: {  	[bflag:$0x0] =	sbarrier.arrive $0xFFFF  }
0x33e: {  	_ =	strace $0x90000047  }
0x33f: {  	[bflag:$0x2] =	sbarrier.arrive $0xFFFF  }
0x340: {  	s0 =	rddreg [dreg:$0x6]  }
0x341: {  	s0 =	sadd.s32 @!p0 $0x100000, s0  }
0x342: {  	[sflag:s0] =	ssyncadd.tile.s32 @!p0 $0x1;
	_ =	shalt  }
.Lfunc_end2:
_tile_overlayer_lowered:
.L_overlay_start_2:
0x343: {  	(tag) =	ssettag $0x2  }
0x344: {  	s0 =	rddreg [dreg:$0x0];
	s2 =	stileid.u32  }
0x345: {  	s1 =	rddreg [dreg:$0x1];
	p0 =	sne.s32 s2, $0x0  }
0x346: {  	s3 =	rddreg [dreg:$0x2];
	[bflag:$0x3] =	sbarrier.arrive $0xFFFF;
	s2 =	simm.s32 @!p0 $0x1C07  }
0x347: {  	[timem:s3], [sflag:s2] =	dma.local @!p0 [hbm:s0], s1  }
0x348: {  	s0 =	simm.s32 @!p0 $0x7  }
0x349: {  	_ =	swait.ge @!p0 [sflag:s0], s1  }
0x34a: {  	s1 =	ssub.s32 @!p0 $0x0, s1;
	[sflag:s0] =	ssyncset.done @!p0 $0x0  }
0x34b: {  	[sflag:s0] =	ssyncadd.s32 @!p0 s1  }
0x34c: {  	[bflag:$0x3] =	sbarrier.arrive $0xFFFF  }
0x34d: {  	_ =	shalt  }

</sc_bundles>
